<compile_context>
chip_gen: v7x
topology: tpu7x:2x2x1
jax: 0.10.2.dev20260603
libtpu: 0.0.44.dev20260713+nightly
codegen_flags: <defaults>
</compile_context>

<pallas_src>
import functools

import jax
import jax.numpy as jnp
from jax import lax
from jax.experimental import pallas as pl
from jax.experimental.pallas import tpu as pltpu
from jax.experimental.pallas import tpu_sc as plsc

N_NODES = 10000
NPAD = 10240
D_FEAT = 128
NC = 2
NS = 16
CH = 128
ROWS_PT = NPAD // NS
BLK = 1024
NBUF = 8


def _sc_mesh():
    return plsc.VectorSubcoreMesh(core_axis_name="c", subcore_axis_name="s")


@functools.cache
def _sc_scatter_rows(K, width):

    def body(table, src_hbm, dst_hbm, zeros_hbm, out, src_v, dst_v, bufs, accum, sems):
        c = lax.axis_index("c")
        s = lax.axis_index("s")
        pltpu.sync_copy(zeros_hbm, accum.at[pl.ds(s * ROWS_PT, ROWS_PT)])
        pltpu.sync_copy(src_hbm.at[c, s], src_v)
        pltpu.sync_copy(dst_hbm.at[c, s], dst_v)
        plsc.subcore_barrier()

        for b in range(NBUF):
            pltpu.async_copy(table.at[src_v.at[b]], bufs[b], sems[b])

        @pl.loop(0, K, step=NBUF)
        def _(i):
            for b in range(NBUF):
                j = i + b
                pltpu.make_async_copy(table.at[src_v.at[j]], bufs[b], sems[b]).wait()
                pltpu.sync_copy(bufs[b], accum.at[dst_v.at[j]], add=True)

                @pl.when(j + NBUF < K)
                def _():
                    pltpu.async_copy(table.at[src_v.at[j + NBUF]], bufs[b], sems[b])

        plsc.subcore_barrier()
        pltpu.sync_copy(
            accum.at[pl.ds(s * ROWS_PT, ROWS_PT)],
            out.at[c, pl.ds(s * ROWS_PT, ROWS_PT)],
        )

    return pl.kernel(
        body,
        out_type=jax.ShapeDtypeStruct((NC, NPAD, width), jnp.float32),
        mesh=_sc_mesh(),
        scratch_types=[
            pltpu.VMEM((K, CH), jnp.int32),
            pltpu.VMEM((K, CH), jnp.int32),
            [pltpu.VMEM((CH, width), jnp.float32) for _ in range(NBUF)],
            pltpu.VMEM_SHARED((NPAD, width), jnp.float32),
            [pltpu.SemaphoreType.DMA for _ in range(NBUF)],
        ],
        compiler_params=pltpu.CompilerParams(use_tc_tiling_on_sc=False),
    )


@functools.cache
def _sc_degree(K, width):

    def body(ones_hbm, dst_hbm, zeros_hbm, out, dst_v, buf, accum, sem):
        c = lax.axis_index("c")
        s = lax.axis_index("s")
        pltpu.sync_copy(zeros_hbm, accum.at[pl.ds(s * ROWS_PT, ROWS_PT)])
        pltpu.sync_copy(ones_hbm, buf)
        pltpu.sync_copy(dst_hbm.at[c, s], dst_v)
        plsc.subcore_barrier()

        @pl.loop(0, K, step=8)
        def _(i):
            for b in range(8):
                pltpu.async_copy(buf, accum.at[dst_v.at[i + b]], sem, add=True)
            for b in range(8):
                pltpu.make_async_copy(buf, accum.at[dst_v.at[i]], sem).wait()

        plsc.subcore_barrier()
        pltpu.sync_copy(
            accum.at[pl.ds(s * ROWS_PT, ROWS_PT)],
            out.at[c, pl.ds(s * ROWS_PT, ROWS_PT)],
        )

    return pl.kernel(
        body,
        out_type=jax.ShapeDtypeStruct((NC, NPAD, width), jnp.float32),
        mesh=_sc_mesh(),
        scratch_types=[
            pltpu.VMEM((K, CH), jnp.int32),
            pltpu.VMEM((CH, width), jnp.float32),
            pltpu.VMEM_SHARED((NPAD, width), jnp.float32),
            pltpu.SemaphoreType.DMA,
        ],
        compiler_params=pltpu.CompilerParams(use_tc_tiling_on_sc=False),
    )


def _tc_xw(x, W1):

    def body(x_ref, w_ref, o_ref):
        o_ref[...] = jnp.dot(x_ref[...], w_ref[...], preferred_element_type=jnp.float32)

    return pl.pallas_call(
        body,
        grid=(NPAD // BLK,),
        in_specs=[
            pl.BlockSpec((BLK, D_FEAT), lambda i: (i, 0)),
            pl.BlockSpec((D_FEAT, 16), lambda i: (0, 0)),
        ],
        out_specs=pl.BlockSpec((BLK, 16), lambda i: (i, 0)),
        out_shape=jax.ShapeDtypeStruct((NPAD, 16), jnp.float32),
    )(x, W1)


def _tc_dinv_scale(deg_p, t1):

    def body(d_ref, t_ref, dinv_ref, g_ref):
        dp = d_ref[0] + d_ref[1] + 1.0
        dinv = lax.rsqrt(dp)
        dinv_ref[...] = dinv
        g_ref[...] = t_ref[...] * dinv

    return pl.pallas_call(
        body,
        grid=(NPAD // BLK,),
        in_specs=[
            pl.BlockSpec((NC, BLK, 1), lambda i: (0, i, 0)),
            pl.BlockSpec((BLK, 16), lambda i: (i, 0)),
        ],
        out_specs=[
            pl.BlockSpec((BLK, 1), lambda i: (i, 0)),
            pl.BlockSpec((BLK, 16), lambda i: (i, 0)),
        ],
        out_shape=[
            jax.ShapeDtypeStruct((NPAD, 1), jnp.float32),
            jax.ShapeDtypeStruct((NPAD, 16), jnp.float32),
        ],
    )(deg_p, t1)


def _tc_layer1_finish(s1_p, g1, dinv, W2, b1):

    def body(p_ref, g_ref, di_ref, w_ref, b_ref, o_ref):
        s = p_ref[0] + p_ref[1] + g_ref[...]
        z = jnp.maximum(s * di_ref[...] + b_ref[...], 0.0)
        t2 = jnp.dot(z, w_ref[...], preferred_element_type=jnp.float32)
        o_ref[...] = t2 * di_ref[...]

    return pl.pallas_call(
        body,
        grid=(NPAD // BLK,),
        in_specs=[
            pl.BlockSpec((NC, BLK, 16), lambda i: (0, i, 0)),
            pl.BlockSpec((BLK, 16), lambda i: (i, 0)),
            pl.BlockSpec((BLK, 1), lambda i: (i, 0)),
            pl.BlockSpec((16, 8), lambda i: (0, 0)),
            pl.BlockSpec((1, 16), lambda i: (0, 0)),
        ],
        out_specs=pl.BlockSpec((BLK, 8), lambda i: (i, 0)),
        out_shape=jax.ShapeDtypeStruct((NPAD, 8), jnp.float32),
    )(s1_p, g1, dinv, W2, b1)


def _tc_layer2_head(s2_p, g2, dinv, W3, b2, b3):

    def body(p_ref, g_ref, di_ref, w_ref, b2_ref, b3_ref, o_ref):
        s = p_ref[0] + p_ref[1] + g_ref[...]
        z = jnp.maximum(s * di_ref[...] + b2_ref[...], 0.0)
        o_ref[...] = (
            jnp.dot(z, w_ref[...], preferred_element_type=jnp.float32) + b3_ref[...]
        )

    return pl.pallas_call(
        body,
        grid=(NPAD // BLK,),
        in_specs=[
            pl.BlockSpec((NC, BLK, 8), lambda i: (0, i, 0)),
            pl.BlockSpec((BLK, 8), lambda i: (i, 0)),
            pl.BlockSpec((BLK, 1), lambda i: (i, 0)),
            pl.BlockSpec((8, 1), lambda i: (0, 0)),
            pl.BlockSpec((1, 8), lambda i: (0, 0)),
            pl.BlockSpec((1, 1), lambda i: (0, 0)),
        ],
        out_specs=pl.BlockSpec((BLK, 1), lambda i: (i, 0)),
        out_shape=jax.ShapeDtypeStruct((NPAD, 1), jnp.float32),
    )(s2_p, g2, dinv, W3, b2, b3)


def kernel(x, edge_index, W1, b1, W2, b2, W3, b3):
    n_edges = edge_index.shape[1]
    K = -(-n_edges // (NC * NS * CH))
    K = -(-K // 8) * 8
    epad = NC * NS * K * CH

    src = edge_index[0].astype(jnp.int32)
    dst = edge_index[1].astype(jnp.int32)
    fill = jnp.full((epad - n_edges,), N_NODES, jnp.int32)
    src4 = jnp.concatenate([src, fill]).reshape(NC, NS, K, CH)
    dst4 = jnp.concatenate([dst, fill]).reshape(NC, NS, K, CH)

    x_pad = jnp.pad(x, ((0, NPAD - N_NODES), (0, 0)))
    zeros16 = jnp.zeros((ROWS_PT, 16), jnp.float32)
    zeros8 = jnp.zeros((ROWS_PT, 8), jnp.float32)
    zeros1 = jnp.zeros((ROWS_PT, 1), jnp.float32)
    ones1 = jnp.ones((CH, 1), jnp.float32)

    deg_p = _sc_degree(K, 1)(ones1, dst4, zeros1)
    t1 = _tc_xw(x_pad, W1)
    dinv, g1 = _tc_dinv_scale(deg_p, t1)

    s1_p = _sc_scatter_rows(K, 16)(g1, src4, dst4, zeros16)
    g2 = _tc_layer1_finish(s1_p, g1, dinv, W2, b1.reshape(1, 16))

    s2_p = _sc_scatter_rows(K, 8)(g2, src4, dst4, zeros8)
    out = _tc_layer2_head(s2_p, g2, dinv, W3, b2.reshape(1, 8), b3.reshape(1, 1))

    return out[:N_NODES]

# --- scband reference (transcript-rebuilt; emitter-appended) ---
"""Pipeline reference for scband-gnnmodel-19774029431469 (READ-ONLY COPY).

The authoritative reference and input builder live on the scoring server;
editing this copy changes nothing except your own understanding.
"""

import jax, jax.numpy as jnp
import numpy as np

N_NODES = 10000
D_FEAT = 128
N_EDGES = 320000


def gcn_conv(x, edge_index, W, b, n_nodes):
    # PyG GCNConv semantics: add self-loops, symmetric normalization,
    # linear transform first, then scatter-add aggregation, bias last.
    src = edge_index[0]
    dst = edge_index[1]
    loop = jnp.arange(n_nodes, dtype=edge_index.dtype)
    src = jnp.concatenate([src, loop])
    dst = jnp.concatenate([dst, loop])
    h = x @ W
    deg = jnp.zeros((n_nodes,), dtype=h.dtype).at[dst].add(1.0)
    deg_inv_sqrt = jnp.where(deg > 0, 1.0 / jnp.sqrt(deg), 0.0)
    norm = deg_inv_sqrt[src] * deg_inv_sqrt[dst]
    msg = h[src] * norm[:, None]
    out = jnp.zeros((n_nodes, h.shape[1]), dtype=h.dtype).at[dst].add(msg)
    return out + b


def setup_inputs(seed: int = 0) -> dict:
    key = jax.random.key(seed)
    ks = jax.random.split(key, 8)
    x = jax.random.normal(ks[0], (N_NODES, D_FEAT), dtype=jnp.float32)
    edge_index = jax.random.randint(ks[1], (2, N_EDGES), 0, N_NODES, dtype=jnp.int64 if jax.config.jax_enable_x64 else jnp.int32).astype(jnp.int32)
    # Glorot-style init for GCN weights, zeros for biases (PyG default)
    W1 = jax.random.normal(ks[2], (D_FEAT, 16), dtype=jnp.float32) * (1.0 / np.sqrt(D_FEAT))
    b1 = jnp.zeros((16,), dtype=jnp.float32)
    W2 = jax.random.normal(ks[3], (16, 8), dtype=jnp.float32) * (1.0 / np.sqrt(16))
    b2 = jnp.zeros((8,), dtype=jnp.float32)
    W3 = jax.random.normal(ks[4], (8, 1), dtype=jnp.float32) * (1.0 / np.sqrt(8))
    b3 = jnp.zeros((1,), dtype=jnp.float32)
    return {"x": x, "edge_index": edge_index, "W1": W1, "b1": b1, "W2": W2, "b2": b2, "W3": W3, "b3": b3}


def reference(x, edge_index, W1, b1, W2, b2, W3, b3):
    n_nodes = x.shape[0]
    h = gcn_conv(x, edge_index, W1, b1, n_nodes)
    h = jax.nn.relu(h)
    # dropout is identity in eval/reference mode
    h = gcn_conv(h, edge_index, W2, b2, n_nodes)
    h = jax.nn.relu(h)
    out = h @ W3 + b3
    return out

if __name__ == "__main__":
    import jax
    _d = setup_inputs()
    print(jax.jit(kernel)(*tuple(_d.values())))

</pallas_src>

<mosaic_0001>
#map = affine_map<(d0, d1) -> (0, 0)>
#map1 = affine_map<(d0, d1) -> (0, 0, 0, 0)>
#map2 = affine_map<(d0, d1) -> (0, 0, 0)>
module attributes {stable_mosaic.version = 14 : i64} {
  func.func @body(%arg0: i32, %arg1: i32, %arg2: memref<128x1xf32, #tpu.memory_space<hbm>>, %arg3: memref<2x16x80x128xi32, #tpu.memory_space<hbm>>, %arg4: memref<640x1xf32, #tpu.memory_space<hbm>>, %arg5: memref<2x10240x1xf32, #tpu.memory_space<hbm>>, %arg6: memref<80x128xi32, #tpu.memory_space<vmem>>, %arg7: memref<128x1xf32, #tpu.memory_space<vmem>>, %arg8: memref<10240x1xf32, #tpu.memory_space<vmem_shared>>, %arg9: memref<!tpu.dma_semaphore, #tpu.memory_space<semaphore_mem>>) attributes {dimension_semantics = [#tpu.dimension_semantics<core_parallel>, #tpu.dimension_semantics<subcore_parallel>], iteration_bounds = array<i64: 2, 16>, scalar_prefetch = 0 : i64, scratch_operands = 4 : i64, tpu.core_type = #tpu.core_type<sc_vector_subcore>, window_params = [{transform_indices = #map}, {transform_indices = #map1}, {transform_indices = #map}, {transform_indices = #map2}]} {
    %mul3A = arith.constant 640 : i32
    %mul3A_0 = arith.muli %arg1, %mul3A : i32
    "tpu.region"() ({
      %run_scoped3A = tpu.sem_alloc : memref<!tpu.dma_semaphore, #tpu.memory_space<semaphore_mem>>
      %dma_start3A = arith.constant 0 : i32
      %dma_start3A_10 = tpu.memref_slice %arg8[%mul3A_0, %dma_start3A] : memref<10240x1xf32, #tpu.memory_space<vmem_shared>> -> memref<640x1xf32, #tpu.memory_space<vmem_shared>>
      tpu.enqueue_dma source(%arg4 : memref<640x1xf32, #tpu.memory_space<hbm>>) target(%dma_start3A_10 : memref<640x1xf32, #tpu.memory_space<vmem_shared>>) target_semaphore(%run_scoped3A : memref<!tpu.dma_semaphore, #tpu.memory_space<semaphore_mem>>)
      %dma_wait3A = arith.constant 0 : i32
      %dma_wait3A_11 = tpu.memref_slice %arg8[%mul3A_0, %dma_wait3A] : memref<10240x1xf32, #tpu.memory_space<vmem_shared>> -> memref<640x1xf32, #tpu.memory_space<vmem_shared>>
      tpu.wait_dma2 semaphore(%run_scoped3A : memref<!tpu.dma_semaphore, #tpu.memory_space<semaphore_mem>>) src(%arg4 : memref<640x1xf32, #tpu.memory_space<hbm>>) dst(%dma_wait3A_11 : memref<640x1xf32, #tpu.memory_space<vmem_shared>>)
      tpu.yield
    }) : () -> ()
    "tpu.region"() ({
      %run_scoped3A = tpu.sem_alloc : memref<!tpu.dma_semaphore, #tpu.memory_space<semaphore_mem>>
      tpu.enqueue_dma source(%arg2 : memref<128x1xf32, #tpu.memory_space<hbm>>) target(%arg7 : memref<128x1xf32, #tpu.memory_space<vmem>>) target_semaphore(%run_scoped3A : memref<!tpu.dma_semaphore, #tpu.memory_space<semaphore_mem>>)
      tpu.wait_dma2 semaphore(%run_scoped3A : memref<!tpu.dma_semaphore, #tpu.memory_space<semaphore_mem>>) src(%arg2 : memref<128x1xf32, #tpu.memory_space<hbm>>) dst(%arg7 : memref<128x1xf32, #tpu.memory_space<vmem>>)
      tpu.yield
    }) : () -> ()
    "tpu.region"() ({
      %run_scoped3A = tpu.sem_alloc : memref<!tpu.dma_semaphore, #tpu.memory_space<semaphore_mem>>
      %dma_start3A = arith.constant 0 : i32
      %dma_start3A_10 = arith.constant 0 : i32
      %dma_start3A_11 = tpu.memref_slice %arg3[%arg0, %arg1, %dma_start3A, %dma_start3A_10] : memref<2x16x80x128xi32, #tpu.memory_space<hbm>> -> memref<1x1x80x128xi32, #tpu.memory_space<hbm>>
      %dma_start3A_12 = tpu.memref_squeeze %dma_start3A_11 : memref<1x1x80x128xi32, #tpu.memory_space<hbm>> -> memref<80x128xi32, #tpu.memory_space<hbm>>
      %dma_start3A_13 = arith.constant 0 : i32
      %dma_start3A_14 = arith.constant 0 : i32
      %dma_start3A_15 = tpu.memref_slice %arg3[%arg0, %arg1, %dma_start3A_13, %dma_start3A_14] : memref<2x16x80x128xi32, #tpu.memory_space<hbm>> -> memref<1x1x80x128xi32, #tpu.memory_space<hbm>>
      %dma_start3A_16 = tpu.memref_squeeze %dma_start3A_15 : memref<1x1x80x128xi32, #tpu.memory_space<hbm>> -> memref<80x128xi32, #tpu.memory_space<hbm>>
      tpu.enqueue_dma source(%dma_start3A_16 : memref<80x128xi32, #tpu.memory_space<hbm>>) target(%arg6 : memref<80x128xi32, #tpu.memory_space<vmem>>) target_semaphore(%run_scoped3A : memref<!tpu.dma_semaphore, #tpu.memory_space<semaphore_mem>>)
      %dma_wait3A = arith.constant 0 : i32
      %dma_wait3A_17 = arith.constant 0 : i32
      %dma_wait3A_18 = tpu.memref_slice %arg3[%arg0, %arg1, %dma_wait3A, %dma_wait3A_17] : memref<2x16x80x128xi32, #tpu.memory_space<hbm>> -> memref<1x1x80x128xi32, #tpu.memory_space<hbm>>
      %dma_wait3A_19 = tpu.memref_squeeze %dma_wait3A_18 : memref<1x1x80x128xi32, #tpu.memory_space<hbm>> -> memref<80x128xi32, #tpu.memory_space<hbm>>
      %dma_wait3A_20 = arith.constant 0 : i32
      %dma_wait3A_21 = arith.constant 0 : i32
      %dma_wait3A_22 = tpu.memref_slice %arg3[%arg0, %arg1, %dma_wait3A_20, %dma_wait3A_21] : memref<2x16x80x128xi32, #tpu.memory_space<hbm>> -> memref<1x1x80x128xi32, #tpu.memory_space<hbm>>
      %dma_wait3A_23 = tpu.memref_squeeze %dma_wait3A_22 : memref<1x1x80x128xi32, #tpu.memory_space<hbm>> -> memref<80x128xi32, #tpu.memory_space<hbm>>
      tpu.wait_dma2 semaphore(%run_scoped3A : memref<!tpu.dma_semaphore, #tpu.memory_space<semaphore_mem>>) src(%dma_wait3A_23 : memref<80x128xi32, #tpu.memory_space<hbm>>) dst(%arg6 : memref<80x128xi32, #tpu.memory_space<vmem>>)
      tpu.yield
    }) : () -> ()
    %barrier3A = arith.constant 0 : index
    tpu.barrier barrier_id(%barrier3A)
    %scan3A = arith.constant 0 : i32
    %scan3A_1 = arith.constant 10 : i32
    %scan3A_2 = arith.addi %scan3A, %scan3A_1 : i32
    %scan3A_3 = arith.constant 1 : i32
    scf.for %scan3A_10 = %scan3A to %scan3A_2 step %scan3A_3  : i32 {
      %mul3A_11 = arith.constant 8 : i32
      %mul3A_12 = arith.muli %scan3A_10, %mul3A_11 : i32
      %add3A = arith.constant 0 : i32
      %add3A_13 = arith.addi %add3A, %mul3A_12 : i32
      %add3A_14 = arith.constant 0 : i32
      %add3A_15 = arith.addi %add3A_13, %add3A_14 : i32
      %dma_start3A = arith.constant 0 : i32
      %dma_start3A_16 = tpu.memref_slice %arg6[%add3A_15, %dma_start3A] : memref<80x128xi32, #tpu.memory_space<vmem>> -> memref<1x128xi32, #tpu.memory_space<vmem>>
      %dma_start3A_17 = tpu.memref_squeeze %dma_start3A_16 : memref<1x128xi32, #tpu.memory_space<vmem>> -> memref<128xi32, #tpu.memory_space<vmem>>
      %dma_start3A_18 = arith.constant 0 : i32
      %dma_start3A_19 = arith.constant 0 : i32
      %dma_start3A_20 = tpu.memref_slice %arg8[%dma_start3A_18, %dma_start3A_19] : memref<10240x1xf32, #tpu.memory_space<vmem_shared>> -> memref<10240x1xf32, #tpu.memory_space<vmem_shared>>
      tpu.enqueue_indirect_dma source(%arg7 : memref<128x1xf32, #tpu.memory_space<vmem>>) target(%dma_start3A_20 : memref<10240x1xf32, #tpu.memory_space<vmem_shared>>) offsets(%dma_start3A_17 : memref<128xi32, #tpu.memory_space<vmem>>) semaphore(%arg9 : memref<!tpu.dma_semaphore, #tpu.memory_space<semaphore_mem>>) {add = true}
      %add3A_21 = arith.constant 1 : i32
      %add3A_22 = arith.addi %add3A_13, %add3A_21 : i32
      %dma_start3A_23 = arith.constant 0 : i32
      %dma_start3A_24 = tpu.memref_slice %arg6[%add3A_22, %dma_start3A_23] : memref<80x128xi32, #tpu.memory_space<vmem>> -> memref<1x128xi32, #tpu.memory_space<vmem>>
      %dma_start3A_25 = tpu.memref_squeeze %dma_start3A_24 : memref<1x128xi32, #tpu.memory_space<vmem>> -> memref<128xi32, #tpu.memory_space<vmem>>
      %dma_start3A_26 = arith.constant 0 : i32
      %dma_start3A_27 = arith.constant 0 : i32
      %dma_start3A_28 = tpu.memref_slice %arg8[%dma_start3A_26, %dma_start3A_27] : memref<10240x1xf32, #tpu.memory_space<vmem_shared>> -> memref<10240x1xf32, #tpu.memory_space<vmem_shared>>
      tpu.enqueue_indirect_dma source(%arg7 : memref<128x1xf32, #tpu.memory_space<vmem>>) target(%dma_start3A_28 : memref<10240x1xf32, #tpu.memory_space<vmem_shared>>) offsets(%dma_start3A_25 : memref<128xi32, #tpu.memory_space<vmem>>) semaphore(%arg9 : memref<!tpu.dma_semaphore, #tpu.memory_space<semaphore_mem>>) {add = true}
      %add3A_29 = arith.constant 2 : i32
      %add3A_30 = arith.addi %add3A_13, %add3A_29 : i32
      %dma_start3A_31 = arith.constant 0 : i32
      %dma_start3A_32 = tpu.memref_slice %arg6[%add3A_30, %dma_start3A_31] : memref<80x128xi32, #tpu.memory_space<vmem>> -> memref<1x128xi32, #tpu.memory_space<vmem>>
      %dma_start3A_33 = tpu.memref_squeeze %dma_start3A_32 : memref<1x128xi32, #tpu.memory_space<vmem>> -> memref<128xi32, #tpu.memory_space<vmem>>
      %dma_start3A_34 = arith.constant 0 : i32
      %dma_start3A_35 = arith.constant 0 : i32
      %dma_start3A_36 = tpu.memref_slice %arg8[%dma_start3A_34, %dma_start3A_35] : memref<10240x1xf32, #tpu.memory_space<vmem_shared>> -> memref<10240x1xf32, #tpu.memory_space<vmem_shared>>
      tpu.enqueue_indirect_dma source(%arg7 : memref<128x1xf32, #tpu.memory_space<vmem>>) target(%dma_start3A_36 : memref<10240x1xf32, #tpu.memory_space<vmem_shared>>) offsets(%dma_start3A_33 : memref<128xi32, #tpu.memory_space<vmem>>) semaphore(%arg9 : memref<!tpu.dma_semaphore, #tpu.memory_space<semaphore_mem>>) {add = true}
      %add3A_37 = arith.constant 3 : i32
      %add3A_38 = arith.addi %add3A_13, %add3A_37 : i32
      %dma_start3A_39 = arith.constant 0 : i32
      %dma_start3A_40 = tpu.memref_slice %arg6[%add3A_38, %dma_start3A_39] : memref<80x128xi32, #tpu.memory_space<vmem>> -> memref<1x128xi32, #tpu.memory_space<vmem>>
      %dma_start3A_41 = tpu.memref_squeeze %dma_start3A_40 : memref<1x128xi32, #tpu.memory_space<vmem>> -> memref<128xi32, #tpu.memory_space<vmem>>
      %dma_start3A_42 = arith.constant 0 : i32
      %dma_start3A_43 = arith.constant 0 : i32
      %dma_start3A_44 = tpu.memref_slice %arg8[%dma_start3A_42, %dma_start3A_43] : memref<10240x1xf32, #tpu.memory_space<vmem_shared>> -> memref<10240x1xf32, #tpu.memory_space<vmem_shared>>
      tpu.enqueue_indirect_dma source(%arg7 : memref<128x1xf32, #tpu.memory_space<vmem>>) target(%dma_start3A_44 : memref<10240x1xf32, #tpu.memory_space<vmem_shared>>) offsets(%dma_start3A_41 : memref<128xi32, #tpu.memory_space<vmem>>) semaphore(%arg9 : memref<!tpu.dma_semaphore, #tpu.memory_space<semaphore_mem>>) {add = true}
      %add3A_45 = arith.constant 4 : i32
      %add3A_46 = arith.addi %add3A_13, %add3A_45 : i32
      %dma_start3A_47 = arith.constant 0 : i32
      %dma_start3A_48 = tpu.memref_slice %arg6[%add3A_46, %dma_start3A_47] : memref<80x128xi32, #tpu.memory_space<vmem>> -> memref<1x128xi32, #tpu.memory_space<vmem>>
      %dma_start3A_49 = tpu.memref_squeeze %dma_start3A_48 : memref<1x128xi32, #tpu.memory_space<vmem>> -> memref<128xi32, #tpu.memory_space<vmem>>
      %dma_start3A_50 = arith.constant 0 : i32
      %dma_start3A_51 = arith.constant 0 : i32
      %dma_start3A_52 = tpu.memref_slice %arg8[%dma_start3A_50, %dma_start3A_51] : memref<10240x1xf32, #tpu.memory_space<vmem_shared>> -> memref<10240x1xf32, #tpu.memory_space<vmem_shared>>
      tpu.enqueue_indirect_dma source(%arg7 : memref<128x1xf32, #tpu.memory_space<vmem>>) target(%dma_start3A_52 : memref<10240x1xf32, #tpu.memory_space<vmem_shared>>) offsets(%dma_start3A_49 : memref<128xi32, #tpu.memory_space<vmem>>) semaphore(%arg9 : memref<!tpu.dma_semaphore, #tpu.memory_space<semaphore_mem>>) {add = true}
      %add3A_53 = arith.constant 5 : i32
      %add3A_54 = arith.addi %add3A_13, %add3A_53 : i32
      %dma_start3A_55 = arith.constant 0 : i32
      %dma_start3A_56 = tpu.memref_slice %arg6[%add3A_54, %dma_start3A_55] : memref<80x128xi32, #tpu.memory_space<vmem>> -> memref<1x128xi32, #tpu.memory_space<vmem>>
      %dma_start3A_57 = tpu.memref_squeeze %dma_start3A_56 : memref<1x128xi32, #tpu.memory_space<vmem>> -> memref<128xi32, #tpu.memory_space<vmem>>
      %dma_start3A_58 = arith.constant 0 : i32
      %dma_start3A_59 = arith.constant 0 : i32
      %dma_start3A_60 = tpu.memref_slice %arg8[%dma_start3A_58, %dma_start3A_59] : memref<10240x1xf32, #tpu.memory_space<vmem_shared>> -> memref<10240x1xf32, #tpu.memory_space<vmem_shared>>
      tpu.enqueue_indirect_dma source(%arg7 : memref<128x1xf32, #tpu.memory_space<vmem>>) target(%dma_start3A_60 : memref<10240x1xf32, #tpu.memory_space<vmem_shared>>) offsets(%dma_start3A_57 : memref<128xi32, #tpu.memory_space<vmem>>) semaphore(%arg9 : memref<!tpu.dma_semaphore, #tpu.memory_space<semaphore_mem>>) {add = true}
      %add3A_61 = arith.constant 6 : i32
      %add3A_62 = arith.addi %add3A_13, %add3A_61 : i32
      %dma_start3A_63 = arith.constant 0 : i32
      %dma_start3A_64 = tpu.memref_slice %arg6[%add3A_62, %dma_start3A_63] : memref<80x128xi32, #tpu.memory_space<vmem>> -> memref<1x128xi32, #tpu.memory_space<vmem>>
      %dma_start3A_65 = tpu.memref_squeeze %dma_start3A_64 : memref<1x128xi32, #tpu.memory_space<vmem>> -> memref<128xi32, #tpu.memory_space<vmem>>
      %dma_start3A_66 = arith.constant 0 : i32
      %dma_start3A_67 = arith.constant 0 : i32
      %dma_start3A_68 = tpu.memref_slice %arg8[%dma_start3A_66, %dma_start3A_67] : memref<10240x1xf32, #tpu.memory_space<vmem_shared>> -> memref<10240x1xf32, #tpu.memory_space<vmem_shared>>
      tpu.enqueue_indirect_dma source(%arg7 : memref<128x1xf32, #tpu.memory_space<vmem>>) target(%dma_start3A_68 : memref<10240x1xf32, #tpu.memory_space<vmem_shared>>) offsets(%dma_start3A_65 : memref<128xi32, #tpu.memory_space<vmem>>) semaphore(%arg9 : memref<!tpu.dma_semaphore, #tpu.memory_space<semaphore_mem>>) {add = true}
      %add3A_69 = arith.constant 7 : i32
      %add3A_70 = arith.addi %add3A_13, %add3A_69 : i32
      %dma_start3A_71 = arith.constant 0 : i32
      %dma_start3A_72 = tpu.memref_slice %arg6[%add3A_70, %dma_start3A_71] : memref<80x128xi32, #tpu.memory_space<vmem>> -> memref<1x128xi32, #tpu.memory_space<vmem>>
      %dma_start3A_73 = tpu.memref_squeeze %dma_start3A_72 : memref<1x128xi32, #tpu.memory_space<vmem>> -> memref<128xi32, #tpu.memory_space<vmem>>
      %dma_start3A_74 = arith.constant 0 : i32
      %dma_start3A_75 = arith.constant 0 : i32
      %dma_start3A_76 = tpu.memref_slice %arg8[%dma_start3A_74, %dma_start3A_75] : memref<10240x1xf32, #tpu.memory_space<vmem_shared>> -> memref<10240x1xf32, #tpu.memory_space<vmem_shared>>
      tpu.enqueue_indirect_dma source(%arg7 : memref<128x1xf32, #tpu.memory_space<vmem>>) target(%dma_start3A_76 : memref<10240x1xf32, #tpu.memory_space<vmem_shared>>) offsets(%dma_start3A_73 : memref<128xi32, #tpu.memory_space<vmem>>) semaphore(%arg9 : memref<!tpu.dma_semaphore, #tpu.memory_space<semaphore_mem>>) {add = true}
      %dma_wait3A = arith.constant 0 : i32
      %dma_wait3A_77 = tpu.memref_slice %arg6[%add3A_13, %dma_wait3A] : memref<80x128xi32, #tpu.memory_space<vmem>> -> memref<1x128xi32, #tpu.memory_space<vmem>>
      %dma_wait3A_78 = tpu.memref_squeeze %dma_wait3A_77 : memref<1x128xi32, #tpu.memory_space<vmem>> -> memref<128xi32, #tpu.memory_space<vmem>>
      %dma_wait3A_79 = arith.constant 0 : i32
      %dma_wait3A_80 = arith.constant 0 : i32
      %dma_wait3A_81 = tpu.memref_slice %arg8[%dma_wait3A_79, %dma_wait3A_80] : memref<10240x1xf32, #tpu.memory_space<vmem_shared>> -> memref<10240x1xf32, #tpu.memory_space<vmem_shared>>
      tpu.wait_indirect_dma semaphore(%arg9 : memref<!tpu.dma_semaphore, #tpu.memory_space<semaphore_mem>>) src(%arg7 : memref<128x1xf32, #tpu.memory_space<vmem>>) dst(%dma_wait3A_81 : memref<10240x1xf32, #tpu.memory_space<vmem_shared>>)
      %dma_wait3A_82 = arith.constant 0 : i32
      %dma_wait3A_83 = tpu.memref_slice %arg6[%add3A_13, %dma_wait3A_82] : memref<80x128xi32, #tpu.memory_space<vmem>> -> memref<1x128xi32, #tpu.memory_space<vmem>>
      %dma_wait3A_84 = tpu.memref_squeeze %dma_wait3A_83 : memref<1x128xi32, #tpu.memory_space<vmem>> -> memref<128xi32, #tpu.memory_space<vmem>>
      %dma_wait3A_85 = arith.constant 0 : i32
      %dma_wait3A_86 = arith.constant 0 : i32
      %dma_wait3A_87 = tpu.memref_slice %arg8[%dma_wait3A_85, %dma_wait3A_86] : memref<10240x1xf32, #tpu.memory_space<vmem_shared>> -> memref<10240x1xf32, #tpu.memory_space<vmem_shared>>
      tpu.wait_indirect_dma semaphore(%arg9 : memref<!tpu.dma_semaphore, #tpu.memory_space<semaphore_mem>>) src(%arg7 : memref<128x1xf32, #tpu.memory_space<vmem>>) dst(%dma_wait3A_87 : memref<10240x1xf32, #tpu.memory_space<vmem_shared>>)
      %dma_wait3A_88 = arith.constant 0 : i32
      %dma_wait3A_89 = tpu.memref_slice %arg6[%add3A_13, %dma_wait3A_88] : memref<80x128xi32, #tpu.memory_space<vmem>> -> memref<1x128xi32, #tpu.memory_space<vmem>>
      %dma_wait3A_90 = tpu.memref_squeeze %dma_wait3A_89 : memref<1x128xi32, #tpu.memory_space<vmem>> -> memref<128xi32, #tpu.memory_space<vmem>>
      %dma_wait3A_91 = arith.constant 0 : i32
      %dma_wait3A_92 = arith.constant 0 : i32
      %dma_wait3A_93 = tpu.memref_slice %arg8[%dma_wait3A_91, %dma_wait3A_92] : memref<10240x1xf32, #tpu.memory_space<vmem_shared>> -> memref<10240x1xf32, #tpu.memory_space<vmem_shared>>
      tpu.wait_indirect_dma semaphore(%arg9 : memref<!tpu.dma_semaphore, #tpu.memory_space<semaphore_mem>>) src(%arg7 : memref<128x1xf32, #tpu.memory_space<vmem>>) dst(%dma_wait3A_93 : memref<10240x1xf32, #tpu.memory_space<vmem_shared>>)
      %dma_wait3A_94 = arith.constant 0 : i32
      %dma_wait3A_95 = tpu.memref_slice %arg6[%add3A_13, %dma_wait3A_94] : memref<80x128xi32, #tpu.memory_space<vmem>> -> memref<1x128xi32, #tpu.memory_space<vmem>>
      %dma_wait3A_96 = tpu.memref_squeeze %dma_wait3A_95 : memref<1x128xi32, #tpu.memory_space<vmem>> -> memref<128xi32, #tpu.memory_space<vmem>>
      %dma_wait3A_97 = arith.constant 0 : i32
      %dma_wait3A_98 = arith.constant 0 : i32
      %dma_wait3A_99 = tpu.memref_slice %arg8[%dma_wait3A_97, %dma_wait3A_98] : memref<10240x1xf32, #tpu.memory_space<vmem_shared>> -> memref<10240x1xf32, #tpu.memory_space<vmem_shared>>
      tpu.wait_indirect_dma semaphore(%arg9 : memref<!tpu.dma_semaphore, #tpu.memory_space<semaphore_mem>>) src(%arg7 : memref<128x1xf32, #tpu.memory_space<vmem>>) dst(%dma_wait3A_99 : memref<10240x1xf32, #tpu.memory_space<vmem_shared>>)
      %dma_wait3A_100 = arith.constant 0 : i32
      %dma_wait3A_101 = tpu.memref_slice %arg6[%add3A_13, %dma_wait3A_100] : memref<80x128xi32, #tpu.memory_space<vmem>> -> memref<1x128xi32, #tpu.memory_space<vmem>>
      %dma_wait3A_102 = tpu.memref_squeeze %dma_wait3A_101 : memref<1x128xi32, #tpu.memory_space<vmem>> -> memref<128xi32, #tpu.memory_space<vmem>>
      %dma_wait3A_103 = arith.constant 0 : i32
      %dma_wait3A_104 = arith.constant 0 : i32
      %dma_wait3A_105 = tpu.memref_slice %arg8[%dma_wait3A_103, %dma_wait3A_104] : memref<10240x1xf32, #tpu.memory_space<vmem_shared>> -> memref<10240x1xf32, #tpu.memory_space<vmem_shared>>
      tpu.wait_indirect_dma semaphore(%arg9 : memref<!tpu.dma_semaphore, #tpu.memory_space<semaphore_mem>>) src(%arg7 : memref<128x1xf32, #tpu.memory_space<vmem>>) dst(%dma_wait3A_105 : memref<10240x1xf32, #tpu.memory_space<vmem_shared>>)
      %dma_wait3A_106 = arith.constant 0 : i32
      %dma_wait3A_107 = tpu.memref_slice %arg6[%add3A_13, %dma_wait3A_106] : memref<80x128xi32, #tpu.memory_space<vmem>> -> memref<1x128xi32, #tpu.memory_space<vmem>>
      %dma_wait3A_108 = tpu.memref_squeeze %dma_wait3A_107 : memref<1x128xi32, #tpu.memory_space<vmem>> -> memref<128xi32, #tpu.memory_space<vmem>>
      %dma_wait3A_109 = arith.constant 0 : i32
      %dma_wait3A_110 = arith.constant 0 : i32
      %dma_wait3A_111 = tpu.memref_slice %arg8[%dma_wait3A_109, %dma_wait3A_110] : memref<10240x1xf32, #tpu.memory_space<vmem_shared>> -> memref<10240x1xf32, #tpu.memory_space<vmem_shared>>
      tpu.wait_indirect_dma semaphore(%arg9 : memref<!tpu.dma_semaphore, #tpu.memory_space<semaphore_mem>>) src(%arg7 : memref<128x1xf32, #tpu.memory_space<vmem>>) dst(%dma_wait3A_111 : memref<10240x1xf32, #tpu.memory_space<vmem_shared>>)
      %dma_wait3A_112 = arith.constant 0 : i32
      %dma_wait3A_113 = tpu.memref_slice %arg6[%add3A_13, %dma_wait3A_112] : memref<80x128xi32, #tpu.memory_space<vmem>> -> memref<1x128xi32, #tpu.memory_space<vmem>>
      %dma_wait3A_114 = tpu.memref_squeeze %dma_wait3A_113 : memref<1x128xi32, #tpu.memory_space<vmem>> -> memref<128xi32, #tpu.memory_space<vmem>>
      %dma_wait3A_115 = arith.constant 0 : i32
      %dma_wait3A_116 = arith.constant 0 : i32
      %dma_wait3A_117 = tpu.memref_slice %arg8[%dma_wait3A_115, %dma_wait3A_116] : memref<10240x1xf32, #tpu.memory_space<vmem_shared>> -> memref<10240x1xf32, #tpu.memory_space<vmem_shared>>
      tpu.wait_indirect_dma semaphore(%arg9 : memref<!tpu.dma_semaphore, #tpu.memory_space<semaphore_mem>>) src(%arg7 : memref<128x1xf32, #tpu.memory_space<vmem>>) dst(%dma_wait3A_117 : memref<10240x1xf32, #tpu.memory_space<vmem_shared>>)
      %dma_wait3A_118 = arith.constant 0 : i32
      %dma_wait3A_119 = tpu.memref_slice %arg6[%add3A_13, %dma_wait3A_118] : memref<80x128xi32, #tpu.memory_space<vmem>> -> memref<1x128xi32, #tpu.memory_space<vmem>>
      %dma_wait3A_120 = tpu.memref_squeeze %dma_wait3A_119 : memref<1x128xi32, #tpu.memory_space<vmem>> -> memref<128xi32, #tpu.memory_space<vmem>>
      %dma_wait3A_121 = arith.constant 0 : i32
      %dma_wait3A_122 = arith.constant 0 : i32
      %dma_wait3A_123 = tpu.memref_slice %arg8[%dma_wait3A_121, %dma_wait3A_122] : memref<10240x1xf32, #tpu.memory_space<vmem_shared>> -> memref<10240x1xf32, #tpu.memory_space<vmem_shared>>
      tpu.wait_indirect_dma semaphore(%arg9 : memref<!tpu.dma_semaphore, #tpu.memory_space<semaphore_mem>>) src(%arg7 : memref<128x1xf32, #tpu.memory_space<vmem>>) dst(%dma_wait3A_123 : memref<10240x1xf32, #tpu.memory_space<vmem_shared>>)
    }
    %scan3A_4 = arith.constant 10 : i32
    %barrier3A_5 = arith.constant 0 : index
    tpu.barrier barrier_id(%barrier3A_5)
    %mul3A_6 = arith.constant 640 : i32
    %mul3A_7 = arith.muli %arg1, %mul3A_6 : i32
    %mul3A_8 = arith.constant 640 : i32
    %mul3A_9 = arith.muli %arg1, %mul3A_8 : i32
    "tpu.region"() ({
      %run_scoped3A = tpu.sem_alloc : memref<!tpu.dma_semaphore, #tpu.memory_space<semaphore_mem>>
      %dma_start3A = arith.constant 0 : i32
      %dma_start3A_10 = tpu.memref_slice %arg5[%arg0, %mul3A_9, %dma_start3A] : memref<2x10240x1xf32, #tpu.memory_space<hbm>> -> memref<1x640x1xf32, #tpu.memory_space<hbm>>
      %dma_start3A_11 = tpu.memref_squeeze %dma_start3A_10 : memref<1x640x1xf32, #tpu.memory_space<hbm>> -> memref<640x1xf32, #tpu.memory_space<hbm>>
      %dma_start3A_12 = arith.constant 0 : i32
      %dma_start3A_13 = tpu.memref_slice %arg8[%mul3A_7, %dma_start3A_12] : memref<10240x1xf32, #tpu.memory_space<vmem_shared>> -> memref<640x1xf32, #tpu.memory_space<vmem_shared>>
      tpu.enqueue_dma source(%dma_start3A_13 : memref<640x1xf32, #tpu.memory_space<vmem_shared>>) target(%dma_start3A_11 : memref<640x1xf32, #tpu.memory_space<hbm>>) target_semaphore(%run_scoped3A : memref<!tpu.dma_semaphore, #tpu.memory_space<semaphore_mem>>)
      %dma_wait3A = arith.constant 0 : i32
      %dma_wait3A_14 = tpu.memref_slice %arg5[%arg0, %mul3A_9, %dma_wait3A] : memref<2x10240x1xf32, #tpu.memory_space<hbm>> -> memref<1x640x1xf32, #tpu.memory_space<hbm>>
      %dma_wait3A_15 = tpu.memref_squeeze %dma_wait3A_14 : memref<1x640x1xf32, #tpu.memory_space<hbm>> -> memref<640x1xf32, #tpu.memory_space<hbm>>
      %dma_wait3A_16 = arith.constant 0 : i32
      %dma_wait3A_17 = tpu.memref_slice %arg8[%mul3A_7, %dma_wait3A_16] : memref<10240x1xf32, #tpu.memory_space<vmem_shared>> -> memref<640x1xf32, #tpu.memory_space<vmem_shared>>
      tpu.wait_dma2 semaphore(%run_scoped3A : memref<!tpu.dma_semaphore, #tpu.memory_space<semaphore_mem>>) src(%dma_wait3A_17 : memref<640x1xf32, #tpu.memory_space<vmem_shared>>) dst(%dma_wait3A_15 : memref<640x1xf32, #tpu.memory_space<hbm>>)
      tpu.yield
    }) : () -> ()
    return
  }
}

#map = affine_map<(d0, d1) -> (0, 0)>
#map1 = affine_map<(d0, d1) -> (0, 0, 0, 0)>
#map2 = affine_map<(d0, d1) -> (0, 0, 0)>
module attributes {stable_mosaic.version = 14 : i64} {
  func.func @body(%arg0: i32, %arg1: i32, %arg2: memref<10240x16xf32, #tpu.memory_space<hbm>>, %arg3: memref<2x16x80x128xi32, #tpu.memory_space<hbm>>, %arg4: memref<2x16x80x128xi32, #tpu.memory_space<hbm>>, %arg5: memref<640x16xf32, #tpu.memory_space<hbm>>, %arg6: memref<2x10240x16xf32, #tpu.memory_space<hbm>>, %arg7: memref<80x128xi32, #tpu.memory_space<vmem>>, %arg8: memref<80x128xi32, #tpu.memory_space<vmem>>, %arg9: memref<128x16xf32, #tpu.memory_space<vmem>>, %arg10: memref<128x16xf32, #tpu.memory_space<vmem>>, %arg11: memref<128x16xf32, #tpu.memory_space<vmem>>, %arg12: memref<128x16xf32, #tpu.memory_space<vmem>>, %arg13: memref<128x16xf32, #tpu.memory_space<vmem>>, %arg14: memref<128x16xf32, #tpu.memory_space<vmem>>, %arg15: memref<128x16xf32, #tpu.memory_space<vmem>>, %arg16: memref<128x16xf32, #tpu.memory_space<vmem>>, %arg17: memref<10240x16xf32, #tpu.memory_space<vmem_shared>>, %arg18: memref<!tpu.dma_semaphore, #tpu.memory_space<semaphore_mem>>, %arg19: memref<!tpu.dma_semaphore, #tpu.memory_space<semaphore_mem>>, %arg20: memref<!tpu.dma_semaphore, #tpu.memory_space<semaphore_mem>>, %arg21: memref<!tpu.dma_semaphore, #tpu.memory_space<semaphore_mem>>, %arg22: memref<!tpu.dma_semaphore, #tpu.memory_space<semaphore_mem>>, %arg23: memref<!tpu.dma_semaphore, #tpu.memory_space<semaphore_mem>>, %arg24: memref<!tpu.dma_semaphore, #tpu.memory_space<semaphore_mem>>, %arg25: memref<!tpu.dma_semaphore, #tpu.memory_space<semaphore_mem>>) attributes {dimension_semantics = [#tpu.dimension_semantics<core_parallel>, #tpu.dimension_semantics<subcore_parallel>], iteration_bounds = array<i64: 2, 16>, scalar_prefetch = 0 : i64, scratch_operands = 19 : i64, tpu.core_type = #tpu.core_type<sc_vector_subcore>, window_params = [{transform_indices = #map}, {transform_indices = #map1}, {transform_indices = #map1}, {transform_indices = #map}, {transform_indices = #map2}]} {
    %mul3A = arith.constant 640 : i32
    %mul3A_0 = arith.muli %arg1, %mul3A : i32
    "tpu.region"() ({
      %run_scoped3A = tpu.sem_alloc : memref<!tpu.dma_semaphore, #tpu.memory_space<semaphore_mem>>
      %dma_start3A_65 = arith.constant 0 : i32
      %dma_start3A_66 = tpu.memref_slice %arg17[%mul3A_0, %dma_start3A_65] : memref<10240x16xf32, #tpu.memory_space<vmem_shared>> -> memref<640x16xf32, #tpu.memory_space<vmem_shared>>
      tpu.enqueue_dma source(%arg5 : memref<640x16xf32, #tpu.memory_space<hbm>>) target(%dma_start3A_66 : memref<640x16xf32, #tpu.memory_space<vmem_shared>>) target_semaphore(%run_scoped3A : memref<!tpu.dma_semaphore, #tpu.memory_space<semaphore_mem>>)
      %dma_wait3A = arith.constant 0 : i32
      %dma_wait3A_67 = tpu.memref_slice %arg17[%mul3A_0, %dma_wait3A] : memref<10240x16xf32, #tpu.memory_space<vmem_shared>> -> memref<640x16xf32, #tpu.memory_space<vmem_shared>>
      tpu.wait_dma2 semaphore(%run_scoped3A : memref<!tpu.dma_semaphore, #tpu.memory_space<semaphore_mem>>) src(%arg5 : memref<640x16xf32, #tpu.memory_space<hbm>>) dst(%dma_wait3A_67 : memref<640x16xf32, #tpu.memory_space<vmem_shared>>)
      tpu.yield
    }) : () -> ()
    "tpu.region"() ({
      %run_scoped3A = tpu.sem_alloc : memref<!tpu.dma_semaphore, #tpu.memory_space<semaphore_mem>>
      %dma_start3A_65 = arith.constant 0 : i32
      %dma_start3A_66 = arith.constant 0 : i32
      %dma_start3A_67 = tpu.memref_slice %arg3[%arg0, %arg1, %dma_start3A_65, %dma_start3A_66] : memref<2x16x80x128xi32, #tpu.memory_space<hbm>> -> memref<1x1x80x128xi32, #tpu.memory_space<hbm>>
      %dma_start3A_68 = tpu.memref_squeeze %dma_start3A_67 : memref<1x1x80x128xi32, #tpu.memory_space<hbm>> -> memref<80x128xi32, #tpu.memory_space<hbm>>
      %dma_start3A_69 = arith.constant 0 : i32
      %dma_start3A_70 = arith.constant 0 : i32
      %dma_start3A_71 = tpu.memref_slice %arg3[%arg0, %arg1, %dma_start3A_69, %dma_start3A_70] : memref<2x16x80x128xi32, #tpu.memory_space<hbm>> -> memref<1x1x80x128xi32, #tpu.memory_space<hbm>>
      %dma_start3A_72 = tpu.memref_squeeze %dma_start3A_71 : memref<1x1x80x128xi32, #tpu.memory_space<hbm>> -> memref<80x128xi32, #tpu.memory_space<hbm>>
      tpu.enqueue_dma source(%dma_start3A_72 : memref<80x128xi32, #tpu.memory_space<hbm>>) target(%arg7 : memref<80x128xi32, #tpu.memory_space<vmem>>) target_semaphore(%run_scoped3A : memref<!tpu.dma_semaphore, #tpu.memory_space<semaphore_mem>>)
      %dma_wait3A = arith.constant 0 : i32
      %dma_wait3A_73 = arith.constant 0 : i32
      %dma_wait3A_74 = tpu.memref_slice %arg3[%arg0, %arg1, %dma_wait3A, %dma_wait3A_73] : memref<2x16x80x128xi32, #tpu.memory_space<hbm>> -> memref<1x1x80x128xi32, #tpu.memory_space<hbm>>
      %dma_wait3A_75 = tpu.memref_squeeze %dma_wait3A_74 : memref<1x1x80x128xi32, #tpu.memory_space<hbm>> -> memref<80x128xi32, #tpu.memory_space<hbm>>
      %dma_wait3A_76 = arith.constant 0 : i32
      %dma_wait3A_77 = arith.constant 0 : i32
      %dma_wait3A_78 = tpu.memref_slice %arg3[%arg0, %arg1, %dma_wait3A_76, %dma_wait3A_77] : memref<2x16x80x128xi32, #tpu.memory_space<hbm>> -> memref<1x1x80x128xi32, #tpu.memory_space<hbm>>
      %dma_wait3A_79 = tpu.memref_squeeze %dma_wait3A_78 : memref<1x1x80x128xi32, #tpu.memory_space<hbm>> -> memref<80x128xi32, #tpu.memory_space<hbm>>
      tpu.wait_dma2 semaphore(%run_scoped3A : memref<!tpu.dma_semaphore, #tpu.memory_space<semaphore_mem>>) src(%dma_wait3A_79 : memref<80x128xi32, #tpu.memory_space<hbm>>) dst(%arg7 : memref<80x128xi32, #tpu.memory_space<vmem>>)
      tpu.yield
    }) : () -> ()
    "tpu.region"() ({
      %run_scoped3A = tpu.sem_alloc : memref<!tpu.dma_semaphore, #tpu.memory_space<semaphore_mem>>
      %dma_start3A_65 = arith.constant 0 : i32
      %dma_start3A_66 = arith.constant 0 : i32
      %dma_start3A_67 = tpu.memref_slice %arg4[%arg0, %arg1, %dma_start3A_65, %dma_start3A_66] : memref<2x16x80x128xi32, #tpu.memory_space<hbm>> -> memref<1x1x80x128xi32, #tpu.memory_space<hbm>>
      %dma_start3A_68 = tpu.memref_squeeze %dma_start3A_67 : memref<1x1x80x128xi32, #tpu.memory_space<hbm>> -> memref<80x128xi32, #tpu.memory_space<hbm>>
      %dma_start3A_69 = arith.constant 0 : i32
      %dma_start3A_70 = arith.constant 0 : i32
      %dma_start3A_71 = tpu.memref_slice %arg4[%arg0, %arg1, %dma_start3A_69, %dma_start3A_70] : memref<2x16x80x128xi32, #tpu.memory_space<hbm>> -> memref<1x1x80x128xi32, #tpu.memory_space<hbm>>
      %dma_start3A_72 = tpu.memref_squeeze %dma_start3A_71 : memref<1x1x80x128xi32, #tpu.memory_space<hbm>> -> memref<80x128xi32, #tpu.memory_space<hbm>>
      tpu.enqueue_dma source(%dma_start3A_72 : memref<80x128xi32, #tpu.memory_space<hbm>>) target(%arg8 : memref<80x128xi32, #tpu.memory_space<vmem>>) target_semaphore(%run_scoped3A : memref<!tpu.dma_semaphore, #tpu.memory_space<semaphore_mem>>)
      %dma_wait3A = arith.constant 0 : i32
      %dma_wait3A_73 = arith.constant 0 : i32
      %dma_wait3A_74 = tpu.memref_slice %arg4[%arg0, %arg1, %dma_wait3A, %dma_wait3A_73] : memref<2x16x80x128xi32, #tpu.memory_space<hbm>> -> memref<1x1x80x128xi32, #tpu.memory_space<hbm>>
      %dma_wait3A_75 = tpu.memref_squeeze %dma_wait3A_74 : memref<1x1x80x128xi32, #tpu.memory_space<hbm>> -> memref<80x128xi32, #tpu.memory_space<hbm>>
      %dma_wait3A_76 = arith.constant 0 : i32
      %dma_wait3A_77 = arith.constant 0 : i32
      %dma_wait3A_78 = tpu.memref_slice %arg4[%arg0, %arg1, %dma_wait3A_76, %dma_wait3A_77] : memref<2x16x80x128xi32, #tpu.memory_space<hbm>> -> memref<1x1x80x128xi32, #tpu.memory_space<hbm>>
      %dma_wait3A_79 = tpu.memref_squeeze %dma_wait3A_78 : memref<1x1x80x128xi32, #tpu.memory_space<hbm>> -> memref<80x128xi32, #tpu.memory_space<hbm>>
      tpu.wait_dma2 semaphore(%run_scoped3A : memref<!tpu.dma_semaphore, #tpu.memory_space<semaphore_mem>>) src(%dma_wait3A_79 : memref<80x128xi32, #tpu.memory_space<hbm>>) dst(%arg8 : memref<80x128xi32, #tpu.memory_space<vmem>>)
      tpu.yield
    }) : () -> ()
    %barrier3A = arith.constant 0 : index
    tpu.barrier barrier_id(%barrier3A)
    %dma_start3A = arith.constant 0 : i32
    %dma_start3A_1 = arith.constant 0 : i32
    %dma_start3A_2 = tpu.memref_slice %arg7[%dma_start3A, %dma_start3A_1] : memref<80x128xi32, #tpu.memory_space<vmem>> -> memref<1x128xi32, #tpu.memory_space<vmem>>
    %dma_start3A_3 = tpu.memref_squeeze %dma_start3A_2 : memref<1x128xi32, #tpu.memory_space<vmem>> -> memref<128xi32, #tpu.memory_space<vmem>>
    %dma_start3A_4 = arith.constant 0 : i32
    %dma_start3A_5 = arith.constant 0 : i32
    %dma_start3A_6 = tpu.memref_slice %arg2[%dma_start3A_4, %dma_start3A_5] : memref<10240x16xf32, #tpu.memory_space<hbm>> -> memref<10240x16xf32, #tpu.memory_space<hbm>>
    tpu.enqueue_indirect_dma source(%dma_start3A_6 : memref<10240x16xf32, #tpu.memory_space<hbm>>) target(%arg9 : memref<128x16xf32, #tpu.memory_space<vmem>>) offsets(%dma_start3A_3 : memref<128xi32, #tpu.memory_space<vmem>>) semaphore(%arg18 : memref<!tpu.dma_semaphore, #tpu.memory_space<semaphore_mem>>)
    %dma_start3A_7 = arith.constant 1 : i32
    %dma_start3A_8 = arith.constant 0 : i32
    %dma_start3A_9 = tpu.memref_slice %arg7[%dma_start3A_7, %dma_start3A_8] : memref<80x128xi32, #tpu.memory_space<vmem>> -> memref<1x128xi32, #tpu.memory_space<vmem>>
    %dma_start3A_10 = tpu.memref_squeeze %dma_start3A_9 : memref<1x128xi32, #tpu.memory_space<vmem>> -> memref<128xi32, #tpu.memory_space<vmem>>
    %dma_start3A_11 = arith.constant 0 : i32
    %dma_start3A_12 = arith.constant 0 : i32
    %dma_start3A_13 = tpu.memref_slice %arg2[%dma_start3A_11, %dma_start3A_12] : memref<10240x16xf32, #tpu.memory_space<hbm>> -> memref<10240x16xf32, #tpu.memory_space<hbm>>
    tpu.enqueue_indirect_dma source(%dma_start3A_13 : memref<10240x16xf32, #tpu.memory_space<hbm>>) target(%arg10 : memref<128x16xf32, #tpu.memory_space<vmem>>) offsets(%dma_start3A_10 : memref<128xi32, #tpu.memory_space<vmem>>) semaphore(%arg19 : memref<!tpu.dma_semaphore, #tpu.memory_space<semaphore_mem>>)
    %dma_start3A_14 = arith.constant 2 : i32
    %dma_start3A_15 = arith.constant 0 : i32
    %dma_start3A_16 = tpu.memref_slice %arg7[%dma_start3A_14, %dma_start3A_15] : memref<80x128xi32, #tpu.memory_space<vmem>> -> memref<1x128xi32, #tpu.memory_space<vmem>>
    %dma_start3A_17 = tpu.memref_squeeze %dma_start3A_16 : memref<1x128xi32, #tpu.memory_space<vmem>> -> memref<128xi32, #tpu.memory_space<vmem>>
    %dma_start3A_18 = arith.constant 0 : i32
    %dma_start3A_19 = arith.constant 0 : i32
    %dma_start3A_20 = tpu.memref_slice %arg2[%dma_start3A_18, %dma_start3A_19] : memref<10240x16xf32, #tpu.memory_space<hbm>> -> memref<10240x16xf32, #tpu.memory_space<hbm>>
    tpu.enqueue_indirect_dma source(%dma_start3A_20 : memref<10240x16xf32, #tpu.memory_space<hbm>>) target(%arg11 : memref<128x16xf32, #tpu.memory_space<vmem>>) offsets(%dma_start3A_17 : memref<128xi32, #tpu.memory_space<vmem>>) semaphore(%arg20 : memref<!tpu.dma_semaphore, #tpu.memory_space<semaphore_mem>>)
    %dma_start3A_21 = arith.constant 3 : i32
    %dma_start3A_22 = arith.constant 0 : i32
    %dma_start3A_23 = tpu.memref_slice %arg7[%dma_start3A_21, %dma_start3A_22] : memref<80x128xi32, #tpu.memory_space<vmem>> -> memref<1x128xi32, #tpu.memory_space<vmem>>
    %dma_start3A_24 = tpu.memref_squeeze %dma_start3A_23 : memref<1x128xi32, #tpu.memory_space<vmem>> -> memref<128xi32, #tpu.memory_space<vmem>>
    %dma_start3A_25 = arith.constant 0 : i32
    %dma_start3A_26 = arith.constant 0 : i32
    %dma_start3A_27 = tpu.memref_slice %arg2[%dma_start3A_25, %dma_start3A_26] : memref<10240x16xf32, #tpu.memory_space<hbm>> -> memref<10240x16xf32, #tpu.memory_space<hbm>>
    tpu.enqueue_indirect_dma source(%dma_start3A_27 : memref<10240x16xf32, #tpu.memory_space<hbm>>) target(%arg12 : memref<128x16xf32, #tpu.memory_space<vmem>>) offsets(%dma_start3A_24 : memref<128xi32, #tpu.memory_space<vmem>>) semaphore(%arg21 : memref<!tpu.dma_semaphore, #tpu.memory_space<semaphore_mem>>)
    %dma_start3A_28 = arith.constant 4 : i32
    %dma_start3A_29 = arith.constant 0 : i32
    %dma_start3A_30 = tpu.memref_slice %arg7[%dma_start3A_28, %dma_start3A_29] : memref<80x128xi32, #tpu.memory_space<vmem>> -> memref<1x128xi32, #tpu.memory_space<vmem>>
    %dma_start3A_31 = tpu.memref_squeeze %dma_start3A_30 : memref<1x128xi32, #tpu.memory_space<vmem>> -> memref<128xi32, #tpu.memory_space<vmem>>
    %dma_start3A_32 = arith.constant 0 : i32
    %dma_start3A_33 = arith.constant 0 : i32
    %dma_start3A_34 = tpu.memref_slice %arg2[%dma_start3A_32, %dma_start3A_33] : memref<10240x16xf32, #tpu.memory_space<hbm>> -> memref<10240x16xf32, #tpu.memory_space<hbm>>
    tpu.enqueue_indirect_dma source(%dma_start3A_34 : memref<10240x16xf32, #tpu.memory_space<hbm>>) target(%arg13 : memref<128x16xf32, #tpu.memory_space<vmem>>) offsets(%dma_start3A_31 : memref<128xi32, #tpu.memory_space<vmem>>) semaphore(%arg22 : memref<!tpu.dma_semaphore, #tpu.memory_space<semaphore_mem>>)
    %dma_start3A_35 = arith.constant 5 : i32
    %dma_start3A_36 = arith.constant 0 : i32
    %dma_start3A_37 = tpu.memref_slice %arg7[%dma_start3A_35, %dma_start3A_36] : memref<80x128xi32, #tpu.memory_space<vmem>> -> memref<1x128xi32, #tpu.memory_space<vmem>>
    %dma_start3A_38 = tpu.memref_squeeze %dma_start3A_37 : memref<1x128xi32, #tpu.memory_space<vmem>> -> memref<128xi32, #tpu.memory_space<vmem>>
    %dma_start3A_39 = arith.constant 0 : i32
    %dma_start3A_40 = arith.constant 0 : i32
    %dma_start3A_41 = tpu.memref_slice %arg2[%dma_start3A_39, %dma_start3A_40] : memref<10240x16xf32, #tpu.memory_space<hbm>> -> memref<10240x16xf32, #tpu.memory_space<hbm>>
    tpu.enqueue_indirect_dma source(%dma_start3A_41 : memref<10240x16xf32, #tpu.memory_space<hbm>>) target(%arg14 : memref<128x16xf32, #tpu.memory_space<vmem>>) offsets(%dma_start3A_38 : memref<128xi32, #tpu.memory_space<vmem>>) semaphore(%arg23 : memref<!tpu.dma_semaphore, #tpu.memory_space<semaphore_mem>>)
    %dma_start3A_42 = arith.constant 6 : i32
    %dma_start3A_43 = arith.constant 0 : i32
    %dma_start3A_44 = tpu.memref_slice %arg7[%dma_start3A_42, %dma_start3A_43] : memref<80x128xi32, #tpu.memory_space<vmem>> -> memref<1x128xi32, #tpu.memory_space<vmem>>
    %dma_start3A_45 = tpu.memref_squeeze %dma_start3A_44 : memref<1x128xi32, #tpu.memory_space<vmem>> -> memref<128xi32, #tpu.memory_space<vmem>>
    %dma_start3A_46 = arith.constant 0 : i32
    %dma_start3A_47 = arith.constant 0 : i32
    %dma_start3A_48 = tpu.memref_slice %arg2[%dma_start3A_46, %dma_start3A_47] : memref<10240x16xf32, #tpu.memory_space<hbm>> -> memref<10240x16xf32, #tpu.memory_space<hbm>>
    tpu.enqueue_indirect_dma source(%dma_start3A_48 : memref<10240x16xf32, #tpu.memory_space<hbm>>) target(%arg15 : memref<128x16xf32, #tpu.memory_space<vmem>>) offsets(%dma_start3A_45 : memref<128xi32, #tpu.memory_space<vmem>>) semaphore(%arg24 : memref<!tpu.dma_semaphore, #tpu.memory_space<semaphore_mem>>)
    %dma_start3A_49 = arith.constant 7 : i32
    %dma_start3A_50 = arith.constant 0 : i32
    %dma_start3A_51 = tpu.memref_slice %arg7[%dma_start3A_49, %dma_start3A_50] : memref<80x128xi32, #tpu.memory_space<vmem>> -> memref<1x128xi32, #tpu.memory_space<vmem>>
    %dma_start3A_52 = tpu.memref_squeeze %dma_start3A_51 : memref<1x128xi32, #tpu.memory_space<vmem>> -> memref<128xi32, #tpu.memory_space<vmem>>
    %dma_start3A_53 = arith.constant 0 : i32
    %dma_start3A_54 = arith.constant 0 : i32
    %dma_start3A_55 = tpu.memref_slice %arg2[%dma_start3A_53, %dma_start3A_54] : memref<10240x16xf32, #tpu.memory_space<hbm>> -> memref<10240x16xf32, #tpu.memory_space<hbm>>
    tpu.enqueue_indirect_dma source(%dma_start3A_55 : memref<10240x16xf32, #tpu.memory_space<hbm>>) target(%arg16 : memref<128x16xf32, #tpu.memory_space<vmem>>) offsets(%dma_start3A_52 : memref<128xi32, #tpu.memory_space<vmem>>) semaphore(%arg25 : memref<!tpu.dma_semaphore, #tpu.memory_space<semaphore_mem>>)
    %scan3A = arith.constant 0 : i32
    %scan3A_56 = arith.constant 10 : i32
    %scan3A_57 = arith.addi %scan3A, %scan3A_56 : i32
    %scan3A_58 = arith.constant 1 : i32
    scf.for %scan3A_65 = %scan3A to %scan3A_57 step %scan3A_58  : i32 {
      %mul3A_66 = arith.constant 8 : i32
      %mul3A_67 = arith.muli %scan3A_65, %mul3A_66 : i32
      %add3A = arith.constant 0 : i32
      %add3A_68 = arith.addi %add3A, %mul3A_67 : i32
      %add3A_69 = arith.constant 0 : i32
      %add3A_70 = arith.addi %add3A_68, %add3A_69 : i32
      %dma_wait3A = arith.constant 0 : i32
      %dma_wait3A_71 = tpu.memref_slice %arg7[%add3A_70, %dma_wait3A] : memref<80x128xi32, #tpu.memory_space<vmem>> -> memref<1x128xi32, #tpu.memory_space<vmem>>
      %dma_wait3A_72 = tpu.memref_squeeze %dma_wait3A_71 : memref<1x128xi32, #tpu.memory_space<vmem>> -> memref<128xi32, #tpu.memory_space<vmem>>
      %dma_wait3A_73 = arith.constant 0 : i32
      %dma_wait3A_74 = arith.constant 0 : i32
      %dma_wait3A_75 = tpu.memref_slice %arg2[%dma_wait3A_73, %dma_wait3A_74] : memref<10240x16xf32, #tpu.memory_space<hbm>> -> memref<10240x16xf32, #tpu.memory_space<hbm>>
      tpu.wait_indirect_dma semaphore(%arg18 : memref<!tpu.dma_semaphore, #tpu.memory_space<semaphore_mem>>) src(%dma_wait3A_75 : memref<10240x16xf32, #tpu.memory_space<hbm>>) dst(%arg9 : memref<128x16xf32, #tpu.memory_space<vmem>>)
      "tpu.region"() ({
        %run_scoped3A = tpu.sem_alloc : memref<!tpu.dma_semaphore, #tpu.memory_space<semaphore_mem>>
        %dma_start3A_185 = arith.constant 0 : i32
        %dma_start3A_186 = tpu.memref_slice %arg8[%add3A_70, %dma_start3A_185] : memref<80x128xi32, #tpu.memory_space<vmem>> -> memref<1x128xi32, #tpu.memory_space<vmem>>
        %dma_start3A_187 = tpu.memref_squeeze %dma_start3A_186 : memref<1x128xi32, #tpu.memory_space<vmem>> -> memref<128xi32, #tpu.memory_space<vmem>>
        %dma_start3A_188 = arith.constant 0 : i32
        %dma_start3A_189 = arith.constant 0 : i32
        %dma_start3A_190 = tpu.memref_slice %arg17[%dma_start3A_188, %dma_start3A_189] : memref<10240x16xf32, #tpu.memory_space<vmem_shared>> -> memref<10240x16xf32, #tpu.memory_space<vmem_shared>>
        tpu.enqueue_indirect_dma source(%arg9 : memref<128x16xf32, #tpu.memory_space<vmem>>) target(%dma_start3A_190 : memref<10240x16xf32, #tpu.memory_space<vmem_shared>>) offsets(%dma_start3A_187 : memref<128xi32, #tpu.memory_space<vmem>>) semaphore(%run_scoped3A : memref<!tpu.dma_semaphore, #tpu.memory_space<semaphore_mem>>) {add = true}
        %dma_wait3A_191 = arith.constant 0 : i32
        %dma_wait3A_192 = tpu.memref_slice %arg8[%add3A_70, %dma_wait3A_191] : memref<80x128xi32, #tpu.memory_space<vmem>> -> memref<1x128xi32, #tpu.memory_space<vmem>>
        %dma_wait3A_193 = tpu.memref_squeeze %dma_wait3A_192 : memref<1x128xi32, #tpu.memory_space<vmem>> -> memref<128xi32, #tpu.memory_space<vmem>>
        %dma_wait3A_194 = arith.constant 0 : i32
        %dma_wait3A_195 = arith.constant 0 : i32
        %dma_wait3A_196 = tpu.memref_slice %arg17[%dma_wait3A_194, %dma_wait3A_195] : memref<10240x16xf32, #tpu.memory_space<vmem_shared>> -> memref<10240x16xf32, #tpu.memory_space<vmem_shared>>
        tpu.wait_indirect_dma semaphore(%run_scoped3A : memref<!tpu.dma_semaphore, #tpu.memory_space<semaphore_mem>>) src(%arg9 : memref<128x16xf32, #tpu.memory_space<vmem>>) dst(%dma_wait3A_196 : memref<10240x16xf32, #tpu.memory_space<vmem_shared>>)
        tpu.yield
      }) : () -> ()
      %add3A_76 = arith.constant 8 : i32
      %add3A_77 = arith.addi %add3A_70, %add3A_76 : i32
      %lt3A = arith.constant 80 : i32
      %lt3A_78 = arith.cmpi slt, %add3A_77, %lt3A : i32
      %convert_element_type3A = arith.extui %lt3A_78 : i1 to i32
      %cond3A = arith.constant 0 : i32
      %cond3A_79 = arith.cmpi ne, %convert_element_type3A, %cond3A : i32
      scf.if %cond3A_79 {
        %add3A_185 = arith.constant 8 : i32
        %add3A_186 = arith.addi %add3A_70, %add3A_185 : i32
        %dma_start3A_187 = arith.constant 0 : i32
        %dma_start3A_188 = tpu.memref_slice %arg7[%add3A_186, %dma_start3A_187] : memref<80x128xi32, #tpu.memory_space<vmem>> -> memref<1x128xi32, #tpu.memory_space<vmem>>
        %dma_start3A_189 = tpu.memref_squeeze %dma_start3A_188 : memref<1x128xi32, #tpu.memory_space<vmem>> -> memref<128xi32, #tpu.memory_space<vmem>>
        %dma_start3A_190 = arith.constant 0 : i32
        %dma_start3A_191 = arith.constant 0 : i32
        %dma_start3A_192 = tpu.memref_slice %arg2[%dma_start3A_190, %dma_start3A_191] : memref<10240x16xf32, #tpu.memory_space<hbm>> -> memref<10240x16xf32, #tpu.memory_space<hbm>>
        tpu.enqueue_indirect_dma source(%dma_start3A_192 : memref<10240x16xf32, #tpu.memory_space<hbm>>) target(%arg9 : memref<128x16xf32, #tpu.memory_space<vmem>>) offsets(%dma_start3A_189 : memref<128xi32, #tpu.memory_space<vmem>>) semaphore(%arg18 : memref<!tpu.dma_semaphore, #tpu.memory_space<semaphore_mem>>)
      } else {
      }
      %add3A_80 = arith.constant 1 : i32
      %add3A_81 = arith.addi %add3A_68, %add3A_80 : i32
      %dma_wait3A_82 = arith.constant 0 : i32
      %dma_wait3A_83 = tpu.memref_slice %arg7[%add3A_81, %dma_wait3A_82] : memref<80x128xi32, #tpu.memory_space<vmem>> -> memref<1x128xi32, #tpu.memory_space<vmem>>
      %dma_wait3A_84 = tpu.memref_squeeze %dma_wait3A_83 : memref<1x128xi32, #tpu.memory_space<vmem>> -> memref<128xi32, #tpu.memory_space<vmem>>
      %dma_wait3A_85 = arith.constant 0 : i32
      %dma_wait3A_86 = arith.constant 0 : i32
      %dma_wait3A_87 = tpu.memref_slice %arg2[%dma_wait3A_85, %dma_wait3A_86] : memref<10240x16xf32, #tpu.memory_space<hbm>> -> memref<10240x16xf32, #tpu.memory_space<hbm>>
      tpu.wait_indirect_dma semaphore(%arg19 : memref<!tpu.dma_semaphore, #tpu.memory_space<semaphore_mem>>) src(%dma_wait3A_87 : memref<10240x16xf32, #tpu.memory_space<hbm>>) dst(%arg10 : memref<128x16xf32, #tpu.memory_space<vmem>>)
      "tpu.region"() ({
        %run_scoped3A = tpu.sem_alloc : memref<!tpu.dma_semaphore, #tpu.memory_space<semaphore_mem>>
        %dma_start3A_185 = arith.constant 0 : i32
        %dma_start3A_186 = tpu.memref_slice %arg8[%add3A_81, %dma_start3A_185] : memref<80x128xi32, #tpu.memory_space<vmem>> -> memref<1x128xi32, #tpu.memory_space<vmem>>
        %dma_start3A_187 = tpu.memref_squeeze %dma_start3A_186 : memref<1x128xi32, #tpu.memory_space<vmem>> -> memref<128xi32, #tpu.memory_space<vmem>>
        %dma_start3A_188 = arith.constant 0 : i32
        %dma_start3A_189 = arith.constant 0 : i32
        %dma_start3A_190 = tpu.memref_slice %arg17[%dma_start3A_188, %dma_start3A_189] : memref<10240x16xf32, #tpu.memory_space<vmem_shared>> -> memref<10240x16xf32, #tpu.memory_space<vmem_shared>>
        tpu.enqueue_indirect_dma source(%arg10 : memref<128x16xf32, #tpu.memory_space<vmem>>) target(%dma_start3A_190 : memref<10240x16xf32, #tpu.memory_space<vmem_shared>>) offsets(%dma_start3A_187 : memref<128xi32, #tpu.memory_space<vmem>>) semaphore(%run_scoped3A : memref<!tpu.dma_semaphore, #tpu.memory_space<semaphore_mem>>) {add = true}
        %dma_wait3A_191 = arith.constant 0 : i32
        %dma_wait3A_192 = tpu.memref_slice %arg8[%add3A_81, %dma_wait3A_191] : memref<80x128xi32, #tpu.memory_space<vmem>> -> memref<1x128xi32, #tpu.memory_space<vmem>>
        %dma_wait3A_193 = tpu.memref_squeeze %dma_wait3A_192 : memref<1x128xi32, #tpu.memory_space<vmem>> -> memref<128xi32, #tpu.memory_space<vmem>>
        %dma_wait3A_194 = arith.constant 0 : i32
        %dma_wait3A_195 = arith.constant 0 : i32
        %dma_wait3A_196 = tpu.memref_slice %arg17[%dma_wait3A_194, %dma_wait3A_195] : memref<10240x16xf32, #tpu.memory_space<vmem_shared>> -> memref<10240x16xf32, #tpu.memory_space<vmem_shared>>
        tpu.wait_indirect_dma semaphore(%run_scoped3A : memref<!tpu.dma_semaphore, #tpu.memory_space<semaphore_mem>>) src(%arg10 : memref<128x16xf32, #tpu.memory_space<vmem>>) dst(%dma_wait3A_196 : memref<10240x16xf32, #tpu.memory_space<vmem_shared>>)
        tpu.yield
      }) : () -> ()
      %add3A_88 = arith.constant 8 : i32
      %add3A_89 = arith.addi %add3A_81, %add3A_88 : i32
      %lt3A_90 = arith.constant 80 : i32
      %lt3A_91 = arith.cmpi slt, %add3A_89, %lt3A_90 : i32
      %convert_element_type3A_92 = arith.extui %lt3A_91 : i1 to i32
      %cond3A_93 = arith.constant 0 : i32
      %cond3A_94 = arith.cmpi ne, %convert_element_type3A_92, %cond3A_93 : i32
      scf.if %cond3A_94 {
        %add3A_185 = arith.constant 8 : i32
        %add3A_186 = arith.addi %add3A_81, %add3A_185 : i32
        %dma_start3A_187 = arith.constant 0 : i32
        %dma_start3A_188 = tpu.memref_slice %arg7[%add3A_186, %dma_start3A_187] : memref<80x128xi32, #tpu.memory_space<vmem>> -> memref<1x128xi32, #tpu.memory_space<vmem>>
        %dma_start3A_189 = tpu.memref_squeeze %dma_start3A_188 : memref<1x128xi32, #tpu.memory_space<vmem>> -> memref<128xi32, #tpu.memory_space<vmem>>
        %dma_start3A_190 = arith.constant 0 : i32
        %dma_start3A_191 = arith.constant 0 : i32
        %dma_start3A_192 = tpu.memref_slice %arg2[%dma_start3A_190, %dma_start3A_191] : memref<10240x16xf32, #tpu.memory_space<hbm>> -> memref<10240x16xf32, #tpu.memory_space<hbm>>
        tpu.enqueue_indirect_dma source(%dma_start3A_192 : memref<10240x16xf32, #tpu.memory_space<hbm>>) target(%arg10 : memref<128x16xf32, #tpu.memory_space<vmem>>) offsets(%dma_start3A_189 : memref<128xi32, #tpu.memory_space<vmem>>) semaphore(%arg19 : memref<!tpu.dma_semaphore, #tpu.memory_space<semaphore_mem>>)
      } else {
      }
      %add3A_95 = arith.constant 2 : i32
      %add3A_96 = arith.addi %add3A_68, %add3A_95 : i32
      %dma_wait3A_97 = arith.constant 0 : i32
      %dma_wait3A_98 = tpu.memref_slice %arg7[%add3A_96, %dma_wait3A_97] : memref<80x128xi32, #tpu.memory_space<vmem>> -> memref<1x128xi32, #tpu.memory_space<vmem>>
      %dma_wait3A_99 = tpu.memref_squeeze %dma_wait3A_98 : memref<1x128xi32, #tpu.memory_space<vmem>> -> memref<128xi32, #tpu.memory_space<vmem>>
      %dma_wait3A_100 = arith.constant 0 : i32
      %dma_wait3A_101 = arith.constant 0 : i32
      %dma_wait3A_102 = tpu.memref_slice %arg2[%dma_wait3A_100, %dma_wait3A_101] : memref<10240x16xf32, #tpu.memory_space<hbm>> -> memref<10240x16xf32, #tpu.memory_space<hbm>>
      tpu.wait_indirect_dma semaphore(%arg20 : memref<!tpu.dma_semaphore, #tpu.memory_space<semaphore_mem>>) src(%dma_wait3A_102 : memref<10240x16xf32, #tpu.memory_space<hbm>>) dst(%arg11 : memref<128x16xf32, #tpu.memory_space<vmem>>)
      "tpu.region"() ({
        %run_scoped3A = tpu.sem_alloc : memref<!tpu.dma_semaphore, #tpu.memory_space<semaphore_mem>>
        %dma_start3A_185 = arith.constant 0 : i32
        %dma_start3A_186 = tpu.memref_slice %arg8[%add3A_96, %dma_start3A_185] : memref<80x128xi32, #tpu.memory_space<vmem>> -> memref<1x128xi32, #tpu.memory_space<vmem>>
        %dma_start3A_187 = tpu.memref_squeeze %dma_start3A_186 : memref<1x128xi32, #tpu.memory_space<vmem>> -> memref<128xi32, #tpu.memory_space<vmem>>
        %dma_start3A_188 = arith.constant 0 : i32
        %dma_start3A_189 = arith.constant 0 : i32
        %dma_start3A_190 = tpu.memref_slice %arg17[%dma_start3A_188, %dma_start3A_189] : memref<10240x16xf32, #tpu.memory_space<vmem_shared>> -> memref<10240x16xf32, #tpu.memory_space<vmem_shared>>
        tpu.enqueue_indirect_dma source(%arg11 : memref<128x16xf32, #tpu.memory_space<vmem>>) target(%dma_start3A_190 : memref<10240x16xf32, #tpu.memory_space<vmem_shared>>) offsets(%dma_start3A_187 : memref<128xi32, #tpu.memory_space<vmem>>) semaphore(%run_scoped3A : memref<!tpu.dma_semaphore, #tpu.memory_space<semaphore_mem>>) {add = true}
        %dma_wait3A_191 = arith.constant 0 : i32
        %dma_wait3A_192 = tpu.memref_slice %arg8[%add3A_96, %dma_wait3A_191] : memref<80x128xi32, #tpu.memory_space<vmem>> -> memref<1x128xi32, #tpu.memory_space<vmem>>
        %dma_wait3A_193 = tpu.memref_squeeze %dma_wait3A_192 : memref<1x128xi32, #tpu.memory_space<vmem>> -> memref<128xi32, #tpu.memory_space<vmem>>
        %dma_wait3A_194 = arith.constant 0 : i32
        %dma_wait3A_195 = arith.constant 0 : i32
        %dma_wait3A_196 = tpu.memref_slice %arg17[%dma_wait3A_194, %dma_wait3A_195] : memref<10240x16xf32, #tpu.memory_space<vmem_shared>> -> memref<10240x16xf32, #tpu.memory_space<vmem_shared>>
        tpu.wait_indirect_dma semaphore(%run_scoped3A : memref<!tpu.dma_semaphore, #tpu.memory_space<semaphore_mem>>) src(%arg11 : memref<128x16xf32, #tpu.memory_space<vmem>>) dst(%dma_wait3A_196 : memref<10240x16xf32, #tpu.memory_space<vmem_shared>>)
        tpu.yield
      }) : () -> ()
      %add3A_103 = arith.constant 8 : i32
      %add3A_104 = arith.addi %add3A_96, %add3A_103 : i32
      %lt3A_105 = arith.constant 80 : i32
      %lt3A_106 = arith.cmpi slt, %add3A_104, %lt3A_105 : i32
      %convert_element_type3A_107 = arith.extui %lt3A_106 : i1 to i32
      %cond3A_108 = arith.constant 0 : i32
      %cond3A_109 = arith.cmpi ne, %convert_element_type3A_107, %cond3A_108 : i32
      scf.if %cond3A_109 {
        %add3A_185 = arith.constant 8 : i32
        %add3A_186 = arith.addi %add3A_96, %add3A_185 : i32
        %dma_start3A_187 = arith.constant 0 : i32
        %dma_start3A_188 = tpu.memref_slice %arg7[%add3A_186, %dma_start3A_187] : memref<80x128xi32, #tpu.memory_space<vmem>> -> memref<1x128xi32, #tpu.memory_space<vmem>>
        %dma_start3A_189 = tpu.memref_squeeze %dma_start3A_188 : memref<1x128xi32, #tpu.memory_space<vmem>> -> memref<128xi32, #tpu.memory_space<vmem>>
        %dma_start3A_190 = arith.constant 0 : i32
        %dma_start3A_191 = arith.constant 0 : i32
        %dma_start3A_192 = tpu.memref_slice %arg2[%dma_start3A_190, %dma_start3A_191] : memref<10240x16xf32, #tpu.memory_space<hbm>> -> memref<10240x16xf32, #tpu.memory_space<hbm>>
        tpu.enqueue_indirect_dma source(%dma_start3A_192 : memref<10240x16xf32, #tpu.memory_space<hbm>>) target(%arg11 : memref<128x16xf32, #tpu.memory_space<vmem>>) offsets(%dma_start3A_189 : memref<128xi32, #tpu.memory_space<vmem>>) semaphore(%arg20 : memref<!tpu.dma_semaphore, #tpu.memory_space<semaphore_mem>>)
      } else {
      }
      %add3A_110 = arith.constant 3 : i32
      %add3A_111 = arith.addi %add3A_68, %add3A_110 : i32
      %dma_wait3A_112 = arith.constant 0 : i32
      %dma_wait3A_113 = tpu.memref_slice %arg7[%add3A_111, %dma_wait3A_112] : memref<80x128xi32, #tpu.memory_space<vmem>> -> memref<1x128xi32, #tpu.memory_space<vmem>>
      %dma_wait3A_114 = tpu.memref_squeeze %dma_wait3A_113 : memref<1x128xi32, #tpu.memory_space<vmem>> -> memref<128xi32, #tpu.memory_space<vmem>>
      %dma_wait3A_115 = arith.constant 0 : i32
      %dma_wait3A_116 = arith.constant 0 : i32
      %dma_wait3A_117 = tpu.memref_slice %arg2[%dma_wait3A_115, %dma_wait3A_116] : memref<10240x16xf32, #tpu.memory_space<hbm>> -> memref<10240x16xf32, #tpu.memory_space<hbm>>
      tpu.wait_indirect_dma semaphore(%arg21 : memref<!tpu.dma_semaphore, #tpu.memory_space<semaphore_mem>>) src(%dma_wait3A_117 : memref<10240x16xf32, #tpu.memory_space<hbm>>) dst(%arg12 : memref<128x16xf32, #tpu.memory_space<vmem>>)
      "tpu.region"() ({
        %run_scoped3A = tpu.sem_alloc : memref<!tpu.dma_semaphore, #tpu.memory_space<semaphore_mem>>
        %dma_start3A_185 = arith.constant 0 : i32
        %dma_start3A_186 = tpu.memref_slice %arg8[%add3A_111, %dma_start3A_185] : memref<80x128xi32, #tpu.memory_space<vmem>> -> memref<1x128xi32, #tpu.memory_space<vmem>>
        %dma_start3A_187 = tpu.memref_squeeze %dma_start3A_186 : memref<1x128xi32, #tpu.memory_space<vmem>> -> memref<128xi32, #tpu.memory_space<vmem>>
        %dma_start3A_188 = arith.constant 0 : i32
        %dma_start3A_189 = arith.constant 0 : i32
        %dma_start3A_190 = tpu.memref_slice %arg17[%dma_start3A_188, %dma_start3A_189] : memref<10240x16xf32, #tpu.memory_space<vmem_shared>> -> memref<10240x16xf32, #tpu.memory_space<vmem_shared>>
        tpu.enqueue_indirect_dma source(%arg12 : memref<128x16xf32, #tpu.memory_space<vmem>>) target(%dma_start3A_190 : memref<10240x16xf32, #tpu.memory_space<vmem_shared>>) offsets(%dma_start3A_187 : memref<128xi32, #tpu.memory_space<vmem>>) semaphore(%run_scoped3A : memref<!tpu.dma_semaphore, #tpu.memory_space<semaphore_mem>>) {add = true}
        %dma_wait3A_191 = arith.constant 0 : i32
        %dma_wait3A_192 = tpu.memref_slice %arg8[%add3A_111, %dma_wait3A_191] : memref<80x128xi32, #tpu.memory_space<vmem>> -> memref<1x128xi32, #tpu.memory_space<vmem>>
        %dma_wait3A_193 = tpu.memref_squeeze %dma_wait3A_192 : memref<1x128xi32, #tpu.memory_space<vmem>> -> memref<128xi32, #tpu.memory_space<vmem>>
        %dma_wait3A_194 = arith.constant 0 : i32
        %dma_wait3A_195 = arith.constant 0 : i32
        %dma_wait3A_196 = tpu.memref_slice %arg17[%dma_wait3A_194, %dma_wait3A_195] : memref<10240x16xf32, #tpu.memory_space<vmem_shared>> -> memref<10240x16xf32, #tpu.memory_space<vmem_shared>>
        tpu.wait_indirect_dma semaphore(%run_scoped3A : memref<!tpu.dma_semaphore, #tpu.memory_space<semaphore_mem>>) src(%arg12 : memref<128x16xf32, #tpu.memory_space<vmem>>) dst(%dma_wait3A_196 : memref<10240x16xf32, #tpu.memory_space<vmem_shared>>)
        tpu.yield
      }) : () -> ()
      %add3A_118 = arith.constant 8 : i32
      %add3A_119 = arith.addi %add3A_111, %add3A_118 : i32
      %lt3A_120 = arith.constant 80 : i32
      %lt3A_121 = arith.cmpi slt, %add3A_119, %lt3A_120 : i32
      %convert_element_type3A_122 = arith.extui %lt3A_121 : i1 to i32
      %cond3A_123 = arith.constant 0 : i32
      %cond3A_124 = arith.cmpi ne, %convert_element_type3A_122, %cond3A_123 : i32
      scf.if %cond3A_124 {
        %add3A_185 = arith.constant 8 : i32
        %add3A_186 = arith.addi %add3A_111, %add3A_185 : i32
        %dma_start3A_187 = arith.constant 0 : i32
        %dma_start3A_188 = tpu.memref_slice %arg7[%add3A_186, %dma_start3A_187] : memref<80x128xi32, #tpu.memory_space<vmem>> -> memref<1x128xi32, #tpu.memory_space<vmem>>
        %dma_start3A_189 = tpu.memref_squeeze %dma_start3A_188 : memref<1x128xi32, #tpu.memory_space<vmem>> -> memref<128xi32, #tpu.memory_space<vmem>>
        %dma_start3A_190 = arith.constant 0 : i32
        %dma_start3A_191 = arith.constant 0 : i32
        %dma_start3A_192 = tpu.memref_slice %arg2[%dma_start3A_190, %dma_start3A_191] : memref<10240x16xf32, #tpu.memory_space<hbm>> -> memref<10240x16xf32, #tpu.memory_space<hbm>>
        tpu.enqueue_indirect_dma source(%dma_start3A_192 : memref<10240x16xf32, #tpu.memory_space<hbm>>) target(%arg12 : memref<128x16xf32, #tpu.memory_space<vmem>>) offsets(%dma_start3A_189 : memref<128xi32, #tpu.memory_space<vmem>>) semaphore(%arg21 : memref<!tpu.dma_semaphore, #tpu.memory_space<semaphore_mem>>)
      } else {
      }
      %add3A_125 = arith.constant 4 : i32
      %add3A_126 = arith.addi %add3A_68, %add3A_125 : i32
      %dma_wait3A_127 = arith.constant 0 : i32
      %dma_wait3A_128 = tpu.memref_slice %arg7[%add3A_126, %dma_wait3A_127] : memref<80x128xi32, #tpu.memory_space<vmem>> -> memref<1x128xi32, #tpu.memory_space<vmem>>
      %dma_wait3A_129 = tpu.memref_squeeze %dma_wait3A_128 : memref<1x128xi32, #tpu.memory_space<vmem>> -> memref<128xi32, #tpu.memory_space<vmem>>
      %dma_wait3A_130 = arith.constant 0 : i32
      %dma_wait3A_131 = arith.constant 0 : i32
      %dma_wait3A_132 = tpu.memref_slice %arg2[%dma_wait3A_130, %dma_wait3A_131] : memref<10240x16xf32, #tpu.memory_space<hbm>> -> memref<10240x16xf32, #tpu.memory_space<hbm>>
      tpu.wait_indirect_dma semaphore(%arg22 : memref<!tpu.dma_semaphore, #tpu.memory_space<semaphore_mem>>) src(%dma_wait3A_132 : memref<10240x16xf32, #tpu.memory_space<hbm>>) dst(%arg13 : memref<128x16xf32, #tpu.memory_space<vmem>>)
      "tpu.region"() ({
        %run_scoped3A = tpu.sem_alloc : memref<!tpu.dma_semaphore, #tpu.memory_space<semaphore_mem>>
        %dma_start3A_185 = arith.constant 0 : i32
        %dma_start3A_186 = tpu.memref_slice %arg8[%add3A_126, %dma_start3A_185] : memref<80x128xi32, #tpu.memory_space<vmem>> -> memref<1x128xi32, #tpu.memory_space<vmem>>
        %dma_start3A_187 = tpu.memref_squeeze %dma_start3A_186 : memref<1x128xi32, #tpu.memory_space<vmem>> -> memref<128xi32, #tpu.memory_space<vmem>>
        %dma_start3A_188 = arith.constant 0 : i32
        %dma_start3A_189 = arith.constant 0 : i32
        %dma_start3A_190 = tpu.memref_slice %arg17[%dma_start3A_188, %dma_start3A_189] : memref<10240x16xf32, #tpu.memory_space<vmem_shared>> -> memref<10240x16xf32, #tpu.memory_space<vmem_shared>>
        tpu.enqueue_indirect_dma source(%arg13 : memref<128x16xf32, #tpu.memory_space<vmem>>) target(%dma_start3A_190 : memref<10240x16xf32, #tpu.memory_space<vmem_shared>>) offsets(%dma_start3A_187 : memref<128xi32, #tpu.memory_space<vmem>>) semaphore(%run_scoped3A : memref<!tpu.dma_semaphore, #tpu.memory_space<semaphore_mem>>) {add = true}
        %dma_wait3A_191 = arith.constant 0 : i32
        %dma_wait3A_192 = tpu.memref_slice %arg8[%add3A_126, %dma_wait3A_191] : memref<80x128xi32, #tpu.memory_space<vmem>> -> memref<1x128xi32, #tpu.memory_space<vmem>>
        %dma_wait3A_193 = tpu.memref_squeeze %dma_wait3A_192 : memref<1x128xi32, #tpu.memory_space<vmem>> -> memref<128xi32, #tpu.memory_space<vmem>>
        %dma_wait3A_194 = arith.constant 0 : i32
        %dma_wait3A_195 = arith.constant 0 : i32
        %dma_wait3A_196 = tpu.memref_slice %arg17[%dma_wait3A_194, %dma_wait3A_195] : memref<10240x16xf32, #tpu.memory_space<vmem_shared>> -> memref<10240x16xf32, #tpu.memory_space<vmem_shared>>
        tpu.wait_indirect_dma semaphore(%run_scoped3A : memref<!tpu.dma_semaphore, #tpu.memory_space<semaphore_mem>>) src(%arg13 : memref<128x16xf32, #tpu.memory_space<vmem>>) dst(%dma_wait3A_196 : memref<10240x16xf32, #tpu.memory_space<vmem_shared>>)
        tpu.yield
      }) : () -> ()
      %add3A_133 = arith.constant 8 : i32
      %add3A_134 = arith.addi %add3A_126, %add3A_133 : i32
      %lt3A_135 = arith.constant 80 : i32
      %lt3A_136 = arith.cmpi slt, %add3A_134, %lt3A_135 : i32
      %convert_element_type3A_137 = arith.extui %lt3A_136 : i1 to i32
      %cond3A_138 = arith.constant 0 : i32
      %cond3A_139 = arith.cmpi ne, %convert_element_type3A_137, %cond3A_138 : i32
      scf.if %cond3A_139 {
        %add3A_185 = arith.constant 8 : i32
        %add3A_186 = arith.addi %add3A_126, %add3A_185 : i32
        %dma_start3A_187 = arith.constant 0 : i32
        %dma_start3A_188 = tpu.memref_slice %arg7[%add3A_186, %dma_start3A_187] : memref<80x128xi32, #tpu.memory_space<vmem>> -> memref<1x128xi32, #tpu.memory_space<vmem>>
        %dma_start3A_189 = tpu.memref_squeeze %dma_start3A_188 : memref<1x128xi32, #tpu.memory_space<vmem>> -> memref<128xi32, #tpu.memory_space<vmem>>
        %dma_start3A_190 = arith.constant 0 : i32
        %dma_start3A_191 = arith.constant 0 : i32
        %dma_start3A_192 = tpu.memref_slice %arg2[%dma_start3A_190, %dma_start3A_191] : memref<10240x16xf32, #tpu.memory_space<hbm>> -> memref<10240x16xf32, #tpu.memory_space<hbm>>
        tpu.enqueue_indirect_dma source(%dma_start3A_192 : memref<10240x16xf32, #tpu.memory_space<hbm>>) target(%arg13 : memref<128x16xf32, #tpu.memory_space<vmem>>) offsets(%dma_start3A_189 : memref<128xi32, #tpu.memory_space<vmem>>) semaphore(%arg22 : memref<!tpu.dma_semaphore, #tpu.memory_space<semaphore_mem>>)
      } else {
      }
      %add3A_140 = arith.constant 5 : i32
      %add3A_141 = arith.addi %add3A_68, %add3A_140 : i32
      %dma_wait3A_142 = arith.constant 0 : i32
      %dma_wait3A_143 = tpu.memref_slice %arg7[%add3A_141, %dma_wait3A_142] : memref<80x128xi32, #tpu.memory_space<vmem>> -> memref<1x128xi32, #tpu.memory_space<vmem>>
      %dma_wait3A_144 = tpu.memref_squeeze %dma_wait3A_143 : memref<1x128xi32, #tpu.memory_space<vmem>> -> memref<128xi32, #tpu.memory_space<vmem>>
      %dma_wait3A_145 = arith.constant 0 : i32
      %dma_wait3A_146 = arith.constant 0 : i32
      %dma_wait3A_147 = tpu.memref_slice %arg2[%dma_wait3A_145, %dma_wait3A_146] : memref<10240x16xf32, #tpu.memory_space<hbm>> -> memref<10240x16xf32, #tpu.memory_space<hbm>>
      tpu.wait_indirect_dma semaphore(%arg23 : memref<!tpu.dma_semaphore, #tpu.memory_space<semaphore_mem>>) src(%dma_wait3A_147 : memref<10240x16xf32, #tpu.memory_space<hbm>>) dst(%arg14 : memref<128x16xf32, #tpu.memory_space<vmem>>)
      "tpu.region"() ({
        %run_scoped3A = tpu.sem_alloc : memref<!tpu.dma_semaphore, #tpu.memory_space<semaphore_mem>>
        %dma_start3A_185 = arith.constant 0 : i32
        %dma_start3A_186 = tpu.memref_slice %arg8[%add3A_141, %dma_start3A_185] : memref<80x128xi32, #tpu.memory_space<vmem>> -> memref<1x128xi32, #tpu.memory_space<vmem>>
        %dma_start3A_187 = tpu.memref_squeeze %dma_start3A_186 : memref<1x128xi32, #tpu.memory_space<vmem>> -> memref<128xi32, #tpu.memory_space<vmem>>
        %dma_start3A_188 = arith.constant 0 : i32
        %dma_start3A_189 = arith.constant 0 : i32
        %dma_start3A_190 = tpu.memref_slice %arg17[%dma_start3A_188, %dma_start3A_189] : memref<10240x16xf32, #tpu.memory_space<vmem_shared>> -> memref<10240x16xf32, #tpu.memory_space<vmem_shared>>
        tpu.enqueue_indirect_dma source(%arg14 : memref<128x16xf32, #tpu.memory_space<vmem>>) target(%dma_start3A_190 : memref<10240x16xf32, #tpu.memory_space<vmem_shared>>) offsets(%dma_start3A_187 : memref<128xi32, #tpu.memory_space<vmem>>) semaphore(%run_scoped3A : memref<!tpu.dma_semaphore, #tpu.memory_space<semaphore_mem>>) {add = true}
        %dma_wait3A_191 = arith.constant 0 : i32
        %dma_wait3A_192 = tpu.memref_slice %arg8[%add3A_141, %dma_wait3A_191] : memref<80x128xi32, #tpu.memory_space<vmem>> -> memref<1x128xi32, #tpu.memory_space<vmem>>
        %dma_wait3A_193 = tpu.memref_squeeze %dma_wait3A_192 : memref<1x128xi32, #tpu.memory_space<vmem>> -> memref<128xi32, #tpu.memory_space<vmem>>
        %dma_wait3A_194 = arith.constant 0 : i32
        %dma_wait3A_195 = arith.constant 0 : i32
        %dma_wait3A_196 = tpu.memref_slice %arg17[%dma_wait3A_194, %dma_wait3A_195] : memref<10240x16xf32, #tpu.memory_space<vmem_shared>> -> memref<10240x16xf32, #tpu.memory_space<vmem_shared>>
        tpu.wait_indirect_dma semaphore(%run_scoped3A : memref<!tpu.dma_semaphore, #tpu.memory_space<semaphore_mem>>) src(%arg14 : memref<128x16xf32, #tpu.memory_space<vmem>>) dst(%dma_wait3A_196 : memref<10240x16xf32, #tpu.memory_space<vmem_shared>>)
        tpu.yield
      }) : () -> ()
      %add3A_148 = arith.constant 8 : i32
      %add3A_149 = arith.addi %add3A_141, %add3A_148 : i32
      %lt3A_150 = arith.constant 80 : i32
      %lt3A_151 = arith.cmpi slt, %add3A_149, %lt3A_150 : i32
      %convert_element_type3A_152 = arith.extui %lt3A_151 : i1 to i32
      %cond3A_153 = arith.constant 0 : i32
      %cond3A_154 = arith.cmpi ne, %convert_element_type3A_152, %cond3A_153 : i32
      scf.if %cond3A_154 {
        %add3A_185 = arith.constant 8 : i32
        %add3A_186 = arith.addi %add3A_141, %add3A_185 : i32
        %dma_start3A_187 = arith.constant 0 : i32
        %dma_start3A_188 = tpu.memref_slice %arg7[%add3A_186, %dma_start3A_187] : memref<80x128xi32, #tpu.memory_space<vmem>> -> memref<1x128xi32, #tpu.memory_space<vmem>>
        %dma_start3A_189 = tpu.memref_squeeze %dma_start3A_188 : memref<1x128xi32, #tpu.memory_space<vmem>> -> memref<128xi32, #tpu.memory_space<vmem>>
        %dma_start3A_190 = arith.constant 0 : i32
        %dma_start3A_191 = arith.constant 0 : i32
        %dma_start3A_192 = tpu.memref_slice %arg2[%dma_start3A_190, %dma_start3A_191] : memref<10240x16xf32, #tpu.memory_space<hbm>> -> memref<10240x16xf32, #tpu.memory_space<hbm>>
        tpu.enqueue_indirect_dma source(%dma_start3A_192 : memref<10240x16xf32, #tpu.memory_space<hbm>>) target(%arg14 : memref<128x16xf32, #tpu.memory_space<vmem>>) offsets(%dma_start3A_189 : memref<128xi32, #tpu.memory_space<vmem>>) semaphore(%arg23 : memref<!tpu.dma_semaphore, #tpu.memory_space<semaphore_mem>>)
      } else {
      }
      %add3A_155 = arith.constant 6 : i32
      %add3A_156 = arith.addi %add3A_68, %add3A_155 : i32
      %dma_wait3A_157 = arith.constant 0 : i32
      %dma_wait3A_158 = tpu.memref_slice %arg7[%add3A_156, %dma_wait3A_157] : memref<80x128xi32, #tpu.memory_space<vmem>> -> memref<1x128xi32, #tpu.memory_space<vmem>>
      %dma_wait3A_159 = tpu.memref_squeeze %dma_wait3A_158 : memref<1x128xi32, #tpu.memory_space<vmem>> -> memref<128xi32, #tpu.memory_space<vmem>>
      %dma_wait3A_160 = arith.constant 0 : i32
      %dma_wait3A_161 = arith.constant 0 : i32
      %dma_wait3A_162 = tpu.memref_slice %arg2[%dma_wait3A_160, %dma_wait3A_161] : memref<10240x16xf32, #tpu.memory_space<hbm>> -> memref<10240x16xf32, #tpu.memory_space<hbm>>
      tpu.wait_indirect_dma semaphore(%arg24 : memref<!tpu.dma_semaphore, #tpu.memory_space<semaphore_mem>>) src(%dma_wait3A_162 : memref<10240x16xf32, #tpu.memory_space<hbm>>) dst(%arg15 : memref<128x16xf32, #tpu.memory_space<vmem>>)
      "tpu.region"() ({
        %run_scoped3A = tpu.sem_alloc : memref<!tpu.dma_semaphore, #tpu.memory_space<semaphore_mem>>
        %dma_start3A_185 = arith.constant 0 : i32
        %dma_start3A_186 = tpu.memref_slice %arg8[%add3A_156, %dma_start3A_185] : memref<80x128xi32, #tpu.memory_space<vmem>> -> memref<1x128xi32, #tpu.memory_space<vmem>>
        %dma_start3A_187 = tpu.memref_squeeze %dma_start3A_186 : memref<1x128xi32, #tpu.memory_space<vmem>> -> memref<128xi32, #tpu.memory_space<vmem>>
        %dma_start3A_188 = arith.constant 0 : i32
        %dma_start3A_189 = arith.constant 0 : i32
        %dma_start3A_190 = tpu.memref_slice %arg17[%dma_start3A_188, %dma_start3A_189] : memref<10240x16xf32, #tpu.memory_space<vmem_shared>> -> memref<10240x16xf32, #tpu.memory_space<vmem_shared>>
        tpu.enqueue_indirect_dma source(%arg15 : memref<128x16xf32, #tpu.memory_space<vmem>>) target(%dma_start3A_190 : memref<10240x16xf32, #tpu.memory_space<vmem_shared>>) offsets(%dma_start3A_187 : memref<128xi32, #tpu.memory_space<vmem>>) semaphore(%run_scoped3A : memref<!tpu.dma_semaphore, #tpu.memory_space<semaphore_mem>>) {add = true}
        %dma_wait3A_191 = arith.constant 0 : i32
        %dma_wait3A_192 = tpu.memref_slice %arg8[%add3A_156, %dma_wait3A_191] : memref<80x128xi32, #tpu.memory_space<vmem>> -> memref<1x128xi32, #tpu.memory_space<vmem>>
        %dma_wait3A_193 = tpu.memref_squeeze %dma_wait3A_192 : memref<1x128xi32, #tpu.memory_space<vmem>> -> memref<128xi32, #tpu.memory_space<vmem>>
        %dma_wait3A_194 = arith.constant 0 : i32
        %dma_wait3A_195 = arith.constant 0 : i32
        %dma_wait3A_196 = tpu.memref_slice %arg17[%dma_wait3A_194, %dma_wait3A_195] : memref<10240x16xf32, #tpu.memory_space<vmem_shared>> -> memref<10240x16xf32, #tpu.memory_space<vmem_shared>>
        tpu.wait_indirect_dma semaphore(%run_scoped3A : memref<!tpu.dma_semaphore, #tpu.memory_space<semaphore_mem>>) src(%arg15 : memref<128x16xf32, #tpu.memory_space<vmem>>) dst(%dma_wait3A_196 : memref<10240x16xf32, #tpu.memory_space<vmem_shared>>)
        tpu.yield
      }) : () -> ()
      %add3A_163 = arith.constant 8 : i32
      %add3A_164 = arith.addi %add3A_156, %add3A_163 : i32
      %lt3A_165 = arith.constant 80 : i32
      %lt3A_166 = arith.cmpi slt, %add3A_164, %lt3A_165 : i32
      %convert_element_type3A_167 = arith.extui %lt3A_166 : i1 to i32
      %cond3A_168 = arith.constant 0 : i32
      %cond3A_169 = arith.cmpi ne, %convert_element_type3A_167, %cond3A_168 : i32
      scf.if %cond3A_169 {
        %add3A_185 = arith.constant 8 : i32
        %add3A_186 = arith.addi %add3A_156, %add3A_185 : i32
        %dma_start3A_187 = arith.constant 0 : i32
        %dma_start3A_188 = tpu.memref_slice %arg7[%add3A_186, %dma_start3A_187] : memref<80x128xi32, #tpu.memory_space<vmem>> -> memref<1x128xi32, #tpu.memory_space<vmem>>
        %dma_start3A_189 = tpu.memref_squeeze %dma_start3A_188 : memref<1x128xi32, #tpu.memory_space<vmem>> -> memref<128xi32, #tpu.memory_space<vmem>>
        %dma_start3A_190 = arith.constant 0 : i32
        %dma_start3A_191 = arith.constant 0 : i32
        %dma_start3A_192 = tpu.memref_slice %arg2[%dma_start3A_190, %dma_start3A_191] : memref<10240x16xf32, #tpu.memory_space<hbm>> -> memref<10240x16xf32, #tpu.memory_space<hbm>>
        tpu.enqueue_indirect_dma source(%dma_start3A_192 : memref<10240x16xf32, #tpu.memory_space<hbm>>) target(%arg15 : memref<128x16xf32, #tpu.memory_space<vmem>>) offsets(%dma_start3A_189 : memref<128xi32, #tpu.memory_space<vmem>>) semaphore(%arg24 : memref<!tpu.dma_semaphore, #tpu.memory_space<semaphore_mem>>)
      } else {
      }
      %add3A_170 = arith.constant 7 : i32
      %add3A_171 = arith.addi %add3A_68, %add3A_170 : i32
      %dma_wait3A_172 = arith.constant 0 : i32
      %dma_wait3A_173 = tpu.memref_slice %arg7[%add3A_171, %dma_wait3A_172] : memref<80x128xi32, #tpu.memory_space<vmem>> -> memref<1x128xi32, #tpu.memory_space<vmem>>
      %dma_wait3A_174 = tpu.memref_squeeze %dma_wait3A_173 : memref<1x128xi32, #tpu.memory_space<vmem>> -> memref<128xi32, #tpu.memory_space<vmem>>
      %dma_wait3A_175 = arith.constant 0 : i32
      %dma_wait3A_176 = arith.constant 0 : i32
      %dma_wait3A_177 = tpu.memref_slice %arg2[%dma_wait3A_175, %dma_wait3A_176] : memref<10240x16xf32, #tpu.memory_space<hbm>> -> memref<10240x16xf32, #tpu.memory_space<hbm>>
      tpu.wait_indirect_dma semaphore(%arg25 : memref<!tpu.dma_semaphore, #tpu.memory_space<semaphore_mem>>) src(%dma_wait3A_177 : memref<10240x16xf32, #tpu.memory_space<hbm>>) dst(%arg16 : memref<128x16xf32, #tpu.memory_space<vmem>>)
      "tpu.region"() ({
        %run_scoped3A = tpu.sem_alloc : memref<!tpu.dma_semaphore, #tpu.memory_space<semaphore_mem>>
        %dma_start3A_185 = arith.constant 0 : i32
        %dma_start3A_186 = tpu.memref_slice %arg8[%add3A_171, %dma_start3A_185] : memref<80x128xi32, #tpu.memory_space<vmem>> -> memref<1x128xi32, #tpu.memory_space<vmem>>
        %dma_start3A_187 = tpu.memref_squeeze %dma_start3A_186 : memref<1x128xi32, #tpu.memory_space<vmem>> -> memref<128xi32, #tpu.memory_space<vmem>>
        %dma_start3A_188 = arith.constant 0 : i32
        %dma_start3A_189 = arith.constant 0 : i32
        %dma_start3A_190 = tpu.memref_slice %arg17[%dma_start3A_188, %dma_start3A_189] : memref<10240x16xf32, #tpu.memory_space<vmem_shared>> -> memref<10240x16xf32, #tpu.memory_space<vmem_shared>>
        tpu.enqueue_indirect_dma source(%arg16 : memref<128x16xf32, #tpu.memory_space<vmem>>) target(%dma_start3A_190 : memref<10240x16xf32, #tpu.memory_space<vmem_shared>>) offsets(%dma_start3A_187 : memref<128xi32, #tpu.memory_space<vmem>>) semaphore(%run_scoped3A : memref<!tpu.dma_semaphore, #tpu.memory_space<semaphore_mem>>) {add = true}
        %dma_wait3A_191 = arith.constant 0 : i32
        %dma_wait3A_192 = tpu.memref_slice %arg8[%add3A_171, %dma_wait3A_191] : memref<80x128xi32, #tpu.memory_space<vmem>> -> memref<1x128xi32, #tpu.memory_space<vmem>>
        %dma_wait3A_193 = tpu.memref_squeeze %dma_wait3A_192 : memref<1x128xi32, #tpu.memory_space<vmem>> -> memref<128xi32, #tpu.memory_space<vmem>>
        %dma_wait3A_194 = arith.constant 0 : i32
        %dma_wait3A_195 = arith.constant 0 : i32
        %dma_wait3A_196 = tpu.memref_slice %arg17[%dma_wait3A_194, %dma_wait3A_195] : memref<10240x16xf32, #tpu.memory_space<vmem_shared>> -> memref<10240x16xf32, #tpu.memory_space<vmem_shared>>
        tpu.wait_indirect_dma semaphore(%run_scoped3A : memref<!tpu.dma_semaphore, #tpu.memory_space<semaphore_mem>>) src(%arg16 : memref<128x16xf32, #tpu.memory_space<vmem>>) dst(%dma_wait3A_196 : memref<10240x16xf32, #tpu.memory_space<vmem_shared>>)
        tpu.yield
      }) : () -> ()
      %add3A_178 = arith.constant 8 : i32
      %add3A_179 = arith.addi %add3A_171, %add3A_178 : i32
      %lt3A_180 = arith.constant 80 : i32
      %lt3A_181 = arith.cmpi slt, %add3A_179, %lt3A_180 : i32
      %convert_element_type3A_182 = arith.extui %lt3A_181 : i1 to i32
      %cond3A_183 = arith.constant 0 : i32
      %cond3A_184 = arith.cmpi ne, %convert_element_type3A_182, %cond3A_183 : i32
      scf.if %cond3A_184 {
        %add3A_185 = arith.constant 8 : i32
        %add3A_186 = arith.addi %add3A_171, %add3A_185 : i32
        %dma_start3A_187 = arith.constant 0 : i32
        %dma_start3A_188 = tpu.memref_slice %arg7[%add3A_186, %dma_start3A_187] : memref<80x128xi32, #tpu.memory_space<vmem>> -> memref<1x128xi32, #tpu.memory_space<vmem>>
        %dma_start3A_189 = tpu.memref_squeeze %dma_start3A_188 : memref<1x128xi32, #tpu.memory_space<vmem>> -> memref<128xi32, #tpu.memory_space<vmem>>
        %dma_start3A_190 = arith.constant 0 : i32
        %dma_start3A_191 = arith.constant 0 : i32
        %dma_start3A_192 = tpu.memref_slice %arg2[%dma_start3A_190, %dma_start3A_191] : memref<10240x16xf32, #tpu.memory_space<hbm>> -> memref<10240x16xf32, #tpu.memory_space<hbm>>
        tpu.enqueue_indirect_dma source(%dma_start3A_192 : memref<10240x16xf32, #tpu.memory_space<hbm>>) target(%arg16 : memref<128x16xf32, #tpu.memory_space<vmem>>) offsets(%dma_start3A_189 : memref<128xi32, #tpu.memory_space<vmem>>) semaphore(%arg25 : memref<!tpu.dma_semaphore, #tpu.memory_space<semaphore_mem>>)
      } else {
      }
    }
    %scan3A_59 = arith.constant 10 : i32
    %barrier3A_60 = arith.constant 0 : index
    tpu.barrier barrier_id(%barrier3A_60)
    %mul3A_61 = arith.constant 640 : i32
    %mul3A_62 = arith.muli %arg1, %mul3A_61 : i32
    %mul3A_63 = arith.constant 640 : i32
    %mul3A_64 = arith.muli %arg1, %mul3A_63 : i32
    "tpu.region"() ({
      %run_scoped3A = tpu.sem_alloc : memref<!tpu.dma_semaphore, #tpu.memory_space<semaphore_mem>>
      %dma_start3A_65 = arith.constant 0 : i32
      %dma_start3A_66 = tpu.memref_slice %arg6[%arg0, %mul3A_64, %dma_start3A_65] : memref<2x10240x16xf32, #tpu.memory_space<hbm>> -> memref<1x640x16xf32, #tpu.memory_space<hbm>>
      %dma_start3A_67 = tpu.memref_squeeze %dma_start3A_66 : memref<1x640x16xf32, #tpu.memory_space<hbm>> -> memref<640x16xf32, #tpu.memory_space<hbm>>
      %dma_start3A_68 = arith.constant 0 : i32
      %dma_start3A_69 = tpu.memref_slice %arg17[%mul3A_62, %dma_start3A_68] : memref<10240x16xf32, #tpu.memory_space<vmem_shared>> -> memref<640x16xf32, #tpu.memory_space<vmem_shared>>
      tpu.enqueue_dma source(%dma_start3A_69 : memref<640x16xf32, #tpu.memory_space<vmem_shared>>) target(%dma_start3A_67 : memref<640x16xf32, #tpu.memory_space<hbm>>) target_semaphore(%run_scoped3A : memref<!tpu.dma_semaphore, #tpu.memory_space<semaphore_mem>>)
      %dma_wait3A = arith.constant 0 : i32
      %dma_wait3A_70 = tpu.memref_slice %arg6[%arg0, %mul3A_64, %dma_wait3A] : memref<2x10240x16xf32, #tpu.memory_space<hbm>> -> memref<1x640x16xf32, #tpu.memory_space<hbm>>
      %dma_wait3A_71 = tpu.memref_squeeze %dma_wait3A_70 : memref<1x640x16xf32, #tpu.memory_space<hbm>> -> memref<640x16xf32, #tpu.memory_space<hbm>>
      %dma_wait3A_72 = arith.constant 0 : i32
      %dma_wait3A_73 = tpu.memref_slice %arg17[%mul3A_62, %dma_wait3A_72] : memref<10240x16xf32, #tpu.memory_space<vmem_shared>> -> memref<640x16xf32, #tpu.memory_space<vmem_shared>>
      tpu.wait_dma2 semaphore(%run_scoped3A : memref<!tpu.dma_semaphore, #tpu.memory_space<semaphore_mem>>) src(%dma_wait3A_73 : memref<640x16xf32, #tpu.memory_space<vmem_shared>>) dst(%dma_wait3A_71 : memref<640x16xf32, #tpu.memory_space<hbm>>)
      tpu.yield
    }) : () -> ()
    return
  }
}

#map = affine_map<(d0, d1) -> (0, 0)>
#map1 = affine_map<(d0, d1) -> (0, 0, 0, 0)>
#map2 = affine_map<(d0, d1) -> (0, 0, 0)>
module attributes {stable_mosaic.version = 14 : i64} {
  func.func @body(%arg0: i32, %arg1: i32, %arg2: memref<10240x8xf32, #tpu.memory_space<hbm>>, %arg3: memref<2x16x80x128xi32, #tpu.memory_space<hbm>>, %arg4: memref<2x16x80x128xi32, #tpu.memory_space<hbm>>, %arg5: memref<640x8xf32, #tpu.memory_space<hbm>>, %arg6: memref<2x10240x8xf32, #tpu.memory_space<hbm>>, %arg7: memref<80x128xi32, #tpu.memory_space<vmem>>, %arg8: memref<80x128xi32, #tpu.memory_space<vmem>>, %arg9: memref<128x8xf32, #tpu.memory_space<vmem>>, %arg10: memref<128x8xf32, #tpu.memory_space<vmem>>, %arg11: memref<128x8xf32, #tpu.memory_space<vmem>>, %arg12: memref<128x8xf32, #tpu.memory_space<vmem>>, %arg13: memref<128x8xf32, #tpu.memory_space<vmem>>, %arg14: memref<128x8xf32, #tpu.memory_space<vmem>>, %arg15: memref<128x8xf32, #tpu.memory_space<vmem>>, %arg16: memref<128x8xf32, #tpu.memory_space<vmem>>, %arg17: memref<10240x8xf32, #tpu.memory_space<vmem_shared>>, %arg18: memref<!tpu.dma_semaphore, #tpu.memory_space<semaphore_mem>>, %arg19: memref<!tpu.dma_semaphore, #tpu.memory_space<semaphore_mem>>, %arg20: memref<!tpu.dma_semaphore, #tpu.memory_space<semaphore_mem>>, %arg21: memref<!tpu.dma_semaphore, #tpu.memory_space<semaphore_mem>>, %arg22: memref<!tpu.dma_semaphore, #tpu.memory_space<semaphore_mem>>, %arg23: memref<!tpu.dma_semaphore, #tpu.memory_space<semaphore_mem>>, %arg24: memref<!tpu.dma_semaphore, #tpu.memory_space<semaphore_mem>>, %arg25: memref<!tpu.dma_semaphore, #tpu.memory_space<semaphore_mem>>) attributes {dimension_semantics = [#tpu.dimension_semantics<core_parallel>, #tpu.dimension_semantics<subcore_parallel>], iteration_bounds = array<i64: 2, 16>, scalar_prefetch = 0 : i64, scratch_operands = 19 : i64, tpu.core_type = #tpu.core_type<sc_vector_subcore>, window_params = [{transform_indices = #map}, {transform_indices = #map1}, {transform_indices = #map1}, {transform_indices = #map}, {transform_indices = #map2}]} {
    %mul3A = arith.constant 640 : i32
    %mul3A_0 = arith.muli %arg1, %mul3A : i32
    "tpu.region"() ({
      %run_scoped3A = tpu.sem_alloc : memref<!tpu.dma_semaphore, #tpu.memory_space<semaphore_mem>>
      %dma_start3A_65 = arith.constant 0 : i32
      %dma_start3A_66 = tpu.memref_slice %arg17[%mul3A_0, %dma_start3A_65] : memref<10240x8xf32, #tpu.memory_space<vmem_shared>> -> memref<640x8xf32, #tpu.memory_space<vmem_shared>>
      tpu.enqueue_dma source(%arg5 : memref<640x8xf32, #tpu.memory_space<hbm>>) target(%dma_start3A_66 : memref<640x8xf32, #tpu.memory_space<vmem_shared>>) target_semaphore(%run_scoped3A : memref<!tpu.dma_semaphore, #tpu.memory_space<semaphore_mem>>)
      %dma_wait3A = arith.constant 0 : i32
      %dma_wait3A_67 = tpu.memref_slice %arg17[%mul3A_0, %dma_wait3A] : memref<10240x8xf32, #tpu.memory_space<vmem_shared>> -> memref<640x8xf32, #tpu.memory_space<vmem_shared>>
      tpu.wait_dma2 semaphore(%run_scoped3A : memref<!tpu.dma_semaphore, #tpu.memory_space<semaphore_mem>>) src(%arg5 : memref<640x8xf32, #tpu.memory_space<hbm>>) dst(%dma_wait3A_67 : memref<640x8xf32, #tpu.memory_space<vmem_shared>>)
      tpu.yield
    }) : () -> ()
    "tpu.region"() ({
      %run_scoped3A = tpu.sem_alloc : memref<!tpu.dma_semaphore, #tpu.memory_space<semaphore_mem>>
      %dma_start3A_65 = arith.constant 0 : i32
      %dma_start3A_66 = arith.constant 0 : i32
      %dma_start3A_67 = tpu.memref_slice %arg3[%arg0, %arg1, %dma_start3A_65, %dma_start3A_66] : memref<2x16x80x128xi32, #tpu.memory_space<hbm>> -> memref<1x1x80x128xi32, #tpu.memory_space<hbm>>
      %dma_start3A_68 = tpu.memref_squeeze %dma_start3A_67 : memref<1x1x80x128xi32, #tpu.memory_space<hbm>> -> memref<80x128xi32, #tpu.memory_space<hbm>>
      %dma_start3A_69 = arith.constant 0 : i32
      %dma_start3A_70 = arith.constant 0 : i32
      %dma_start3A_71 = tpu.memref_slice %arg3[%arg0, %arg1, %dma_start3A_69, %dma_start3A_70] : memref<2x16x80x128xi32, #tpu.memory_space<hbm>> -> memref<1x1x80x128xi32, #tpu.memory_space<hbm>>
      %dma_start3A_72 = tpu.memref_squeeze %dma_start3A_71 : memref<1x1x80x128xi32, #tpu.memory_space<hbm>> -> memref<80x128xi32, #tpu.memory_space<hbm>>
      tpu.enqueue_dma source(%dma_start3A_72 : memref<80x128xi32, #tpu.memory_space<hbm>>) target(%arg7 : memref<80x128xi32, #tpu.memory_space<vmem>>) target_semaphore(%run_scoped3A : memref<!tpu.dma_semaphore, #tpu.memory_space<semaphore_mem>>)
      %dma_wait3A = arith.constant 0 : i32
      %dma_wait3A_73 = arith.constant 0 : i32
      %dma_wait3A_74 = tpu.memref_slice %arg3[%arg0, %arg1, %dma_wait3A, %dma_wait3A_73] : memref<2x16x80x128xi32, #tpu.memory_space<hbm>> -> memref<1x1x80x128xi32, #tpu.memory_space<hbm>>
      %dma_wait3A_75 = tpu.memref_squeeze %dma_wait3A_74 : memref<1x1x80x128xi32, #tpu.memory_space<hbm>> -> memref<80x128xi32, #tpu.memory_space<hbm>>
      %dma_wait3A_76 = arith.constant 0 : i32
      %dma_wait3A_77 = arith.constant 0 : i32
      %dma_wait3A_78 = tpu.memref_slice %arg3[%arg0, %arg1, %dma_wait3A_76, %dma_wait3A_77] : memref<2x16x80x128xi32, #tpu.memory_space<hbm>> -> memref<1x1x80x128xi32, #tpu.memory_space<hbm>>
      %dma_wait3A_79 = tpu.memref_squeeze %dma_wait3A_78 : memref<1x1x80x128xi32, #tpu.memory_space<hbm>> -> memref<80x128xi32, #tpu.memory_space<hbm>>
      tpu.wait_dma2 semaphore(%run_scoped3A : memref<!tpu.dma_semaphore, #tpu.memory_space<semaphore_mem>>) src(%dma_wait3A_79 : memref<80x128xi32, #tpu.memory_space<hbm>>) dst(%arg7 : memref<80x128xi32, #tpu.memory_space<vmem>>)
      tpu.yield
    }) : () -> ()
    "tpu.region"() ({
      %run_scoped3A = tpu.sem_alloc : memref<!tpu.dma_semaphore, #tpu.memory_space<semaphore_mem>>
      %dma_start3A_65 = arith.constant 0 : i32
      %dma_start3A_66 = arith.constant 0 : i32
      %dma_start3A_67 = tpu.memref_slice %arg4[%arg0, %arg1, %dma_start3A_65, %dma_start3A_66] : memref<2x16x80x128xi32, #tpu.memory_space<hbm>> -> memref<1x1x80x128xi32, #tpu.memory_space<hbm>>
      %dma_start3A_68 = tpu.memref_squeeze %dma_start3A_67 : memref<1x1x80x128xi32, #tpu.memory_space<hbm>> -> memref<80x128xi32, #tpu.memory_space<hbm>>
      %dma_start3A_69 = arith.constant 0 : i32
      %dma_start3A_70 = arith.constant 0 : i32
      %dma_start3A_71 = tpu.memref_slice %arg4[%arg0, %arg1, %dma_start3A_69, %dma_start3A_70] : memref<2x16x80x128xi32, #tpu.memory_space<hbm>> -> memref<1x1x80x128xi32, #tpu.memory_space<hbm>>
      %dma_start3A_72 = tpu.memref_squeeze %dma_start3A_71 : memref<1x1x80x128xi32, #tpu.memory_space<hbm>> -> memref<80x128xi32, #tpu.memory_space<hbm>>
      tpu.enqueue_dma source(%dma_start3A_72 : memref<80x128xi32, #tpu.memory_space<hbm>>) target(%arg8 : memref<80x128xi32, #tpu.memory_space<vmem>>) target_semaphore(%run_scoped3A : memref<!tpu.dma_semaphore, #tpu.memory_space<semaphore_mem>>)
      %dma_wait3A = arith.constant 0 : i32
      %dma_wait3A_73 = arith.constant 0 : i32
      %dma_wait3A_74 = tpu.memref_slice %arg4[%arg0, %arg1, %dma_wait3A, %dma_wait3A_73] : memref<2x16x80x128xi32, #tpu.memory_space<hbm>> -> memref<1x1x80x128xi32, #tpu.memory_space<hbm>>
      %dma_wait3A_75 = tpu.memref_squeeze %dma_wait3A_74 : memref<1x1x80x128xi32, #tpu.memory_space<hbm>> -> memref<80x128xi32, #tpu.memory_space<hbm>>
      %dma_wait3A_76 = arith.constant 0 : i32
      %dma_wait3A_77 = arith.constant 0 : i32
      %dma_wait3A_78 = tpu.memref_slice %arg4[%arg0, %arg1, %dma_wait3A_76, %dma_wait3A_77] : memref<2x16x80x128xi32, #tpu.memory_space<hbm>> -> memref<1x1x80x128xi32, #tpu.memory_space<hbm>>
      %dma_wait3A_79 = tpu.memref_squeeze %dma_wait3A_78 : memref<1x1x80x128xi32, #tpu.memory_space<hbm>> -> memref<80x128xi32, #tpu.memory_space<hbm>>
      tpu.wait_dma2 semaphore(%run_scoped3A : memref<!tpu.dma_semaphore, #tpu.memory_space<semaphore_mem>>) src(%dma_wait3A_79 : memref<80x128xi32, #tpu.memory_space<hbm>>) dst(%arg8 : memref<80x128xi32, #tpu.memory_space<vmem>>)
      tpu.yield
    }) : () -> ()
    %barrier3A = arith.constant 0 : index
    tpu.barrier barrier_id(%barrier3A)
    %dma_start3A = arith.constant 0 : i32
    %dma_start3A_1 = arith.constant 0 : i32
    %dma_start3A_2 = tpu.memref_slice %arg7[%dma_start3A, %dma_start3A_1] : memref<80x128xi32, #tpu.memory_space<vmem>> -> memref<1x128xi32, #tpu.memory_space<vmem>>
    %dma_start3A_3 = tpu.memref_squeeze %dma_start3A_2 : memref<1x128xi32, #tpu.memory_space<vmem>> -> memref<128xi32, #tpu.memory_space<vmem>>
    %dma_start3A_4 = arith.constant 0 : i32
    %dma_start3A_5 = arith.constant 0 : i32
    %dma_start3A_6 = tpu.memref_slice %arg2[%dma_start3A_4, %dma_start3A_5] : memref<10240x8xf32, #tpu.memory_space<hbm>> -> memref<10240x8xf32, #tpu.memory_space<hbm>>
    tpu.enqueue_indirect_dma source(%dma_start3A_6 : memref<10240x8xf32, #tpu.memory_space<hbm>>) target(%arg9 : memref<128x8xf32, #tpu.memory_space<vmem>>) offsets(%dma_start3A_3 : memref<128xi32, #tpu.memory_space<vmem>>) semaphore(%arg18 : memref<!tpu.dma_semaphore, #tpu.memory_space<semaphore_mem>>)
    %dma_start3A_7 = arith.constant 1 : i32
    %dma_start3A_8 = arith.constant 0 : i32
    %dma_start3A_9 = tpu.memref_slice %arg7[%dma_start3A_7, %dma_start3A_8] : memref<80x128xi32, #tpu.memory_space<vmem>> -> memref<1x128xi32, #tpu.memory_space<vmem>>
    %dma_start3A_10 = tpu.memref_squeeze %dma_start3A_9 : memref<1x128xi32, #tpu.memory_space<vmem>> -> memref<128xi32, #tpu.memory_space<vmem>>
    %dma_start3A_11 = arith.constant 0 : i32
    %dma_start3A_12 = arith.constant 0 : i32
    %dma_start3A_13 = tpu.memref_slice %arg2[%dma_start3A_11, %dma_start3A_12] : memref<10240x8xf32, #tpu.memory_space<hbm>> -> memref<10240x8xf32, #tpu.memory_space<hbm>>
    tpu.enqueue_indirect_dma source(%dma_start3A_13 : memref<10240x8xf32, #tpu.memory_space<hbm>>) target(%arg10 : memref<128x8xf32, #tpu.memory_space<vmem>>) offsets(%dma_start3A_10 : memref<128xi32, #tpu.memory_space<vmem>>) semaphore(%arg19 : memref<!tpu.dma_semaphore, #tpu.memory_space<semaphore_mem>>)
    %dma_start3A_14 = arith.constant 2 : i32
    %dma_start3A_15 = arith.constant 0 : i32
    %dma_start3A_16 = tpu.memref_slice %arg7[%dma_start3A_14, %dma_start3A_15] : memref<80x128xi32, #tpu.memory_space<vmem>> -> memref<1x128xi32, #tpu.memory_space<vmem>>
    %dma_start3A_17 = tpu.memref_squeeze %dma_start3A_16 : memref<1x128xi32, #tpu.memory_space<vmem>> -> memref<128xi32, #tpu.memory_space<vmem>>
    %dma_start3A_18 = arith.constant 0 : i32
    %dma_start3A_19 = arith.constant 0 : i32
    %dma_start3A_20 = tpu.memref_slice %arg2[%dma_start3A_18, %dma_start3A_19] : memref<10240x8xf32, #tpu.memory_space<hbm>> -> memref<10240x8xf32, #tpu.memory_space<hbm>>
    tpu.enqueue_indirect_dma source(%dma_start3A_20 : memref<10240x8xf32, #tpu.memory_space<hbm>>) target(%arg11 : memref<128x8xf32, #tpu.memory_space<vmem>>) offsets(%dma_start3A_17 : memref<128xi32, #tpu.memory_space<vmem>>) semaphore(%arg20 : memref<!tpu.dma_semaphore, #tpu.memory_space<semaphore_mem>>)
    %dma_start3A_21 = arith.constant 3 : i32
    %dma_start3A_22 = arith.constant 0 : i32
    %dma_start3A_23 = tpu.memref_slice %arg7[%dma_start3A_21, %dma_start3A_22] : memref<80x128xi32, #tpu.memory_space<vmem>> -> memref<1x128xi32, #tpu.memory_space<vmem>>
    %dma_start3A_24 = tpu.memref_squeeze %dma_start3A_23 : memref<1x128xi32, #tpu.memory_space<vmem>> -> memref<128xi32, #tpu.memory_space<vmem>>
    %dma_start3A_25 = arith.constant 0 : i32
    %dma_start3A_26 = arith.constant 0 : i32
    %dma_start3A_27 = tpu.memref_slice %arg2[%dma_start3A_25, %dma_start3A_26] : memref<10240x8xf32, #tpu.memory_space<hbm>> -> memref<10240x8xf32, #tpu.memory_space<hbm>>
    tpu.enqueue_indirect_dma source(%dma_start3A_27 : memref<10240x8xf32, #tpu.memory_space<hbm>>) target(%arg12 : memref<128x8xf32, #tpu.memory_space<vmem>>) offsets(%dma_start3A_24 : memref<128xi32, #tpu.memory_space<vmem>>) semaphore(%arg21 : memref<!tpu.dma_semaphore, #tpu.memory_space<semaphore_mem>>)
    %dma_start3A_28 = arith.constant 4 : i32
    %dma_start3A_29 = arith.constant 0 : i32
    %dma_start3A_30 = tpu.memref_slice %arg7[%dma_start3A_28, %dma_start3A_29] : memref<80x128xi32, #tpu.memory_space<vmem>> -> memref<1x128xi32, #tpu.memory_space<vmem>>
    %dma_start3A_31 = tpu.memref_squeeze %dma_start3A_30 : memref<1x128xi32, #tpu.memory_space<vmem>> -> memref<128xi32, #tpu.memory_space<vmem>>
    %dma_start3A_32 = arith.constant 0 : i32
    %dma_start3A_33 = arith.constant 0 : i32
    %dma_start3A_34 = tpu.memref_slice %arg2[%dma_start3A_32, %dma_start3A_33] : memref<10240x8xf32, #tpu.memory_space<hbm>> -> memref<10240x8xf32, #tpu.memory_space<hbm>>
    tpu.enqueue_indirect_dma source(%dma_start3A_34 : memref<10240x8xf32, #tpu.memory_space<hbm>>) target(%arg13 : memref<128x8xf32, #tpu.memory_space<vmem>>) offsets(%dma_start3A_31 : memref<128xi32, #tpu.memory_space<vmem>>) semaphore(%arg22 : memref<!tpu.dma_semaphore, #tpu.memory_space<semaphore_mem>>)
    %dma_start3A_35 = arith.constant 5 : i32
    %dma_start3A_36 = arith.constant 0 : i32
    %dma_start3A_37 = tpu.memref_slice %arg7[%dma_start3A_35, %dma_start3A_36] : memref<80x128xi32, #tpu.memory_space<vmem>> -> memref<1x128xi32, #tpu.memory_space<vmem>>
    %dma_start3A_38 = tpu.memref_squeeze %dma_start3A_37 : memref<1x128xi32, #tpu.memory_space<vmem>> -> memref<128xi32, #tpu.memory_space<vmem>>
    %dma_start3A_39 = arith.constant 0 : i32
    %dma_start3A_40 = arith.constant 0 : i32
    %dma_start3A_41 = tpu.memref_slice %arg2[%dma_start3A_39, %dma_start3A_40] : memref<10240x8xf32, #tpu.memory_space<hbm>> -> memref<10240x8xf32, #tpu.memory_space<hbm>>
    tpu.enqueue_indirect_dma source(%dma_start3A_41 : memref<10240x8xf32, #tpu.memory_space<hbm>>) target(%arg14 : memref<128x8xf32, #tpu.memory_space<vmem>>) offsets(%dma_start3A_38 : memref<128xi32, #tpu.memory_space<vmem>>) semaphore(%arg23 : memref<!tpu.dma_semaphore, #tpu.memory_space<semaphore_mem>>)
    %dma_start3A_42 = arith.constant 6 : i32
    %dma_start3A_43 = arith.constant 0 : i32
    %dma_start3A_44 = tpu.memref_slice %arg7[%dma_start3A_42, %dma_start3A_43] : memref<80x128xi32, #tpu.memory_space<vmem>> -> memref<1x128xi32, #tpu.memory_space<vmem>>
    %dma_start3A_45 = tpu.memref_squeeze %dma_start3A_44 : memref<1x128xi32, #tpu.memory_space<vmem>> -> memref<128xi32, #tpu.memory_space<vmem>>
    %dma_start3A_46 = arith.constant 0 : i32
    %dma_start3A_47 = arith.constant 0 : i32
    %dma_start3A_48 = tpu.memref_slice %arg2[%dma_start3A_46, %dma_start3A_47] : memref<10240x8xf32, #tpu.memory_space<hbm>> -> memref<10240x8xf32, #tpu.memory_space<hbm>>
    tpu.enqueue_indirect_dma source(%dma_start3A_48 : memref<10240x8xf32, #tpu.memory_space<hbm>>) target(%arg15 : memref<128x8xf32, #tpu.memory_space<vmem>>) offsets(%dma_start3A_45 : memref<128xi32, #tpu.memory_space<vmem>>) semaphore(%arg24 : memref<!tpu.dma_semaphore, #tpu.memory_space<semaphore_mem>>)
    %dma_start3A_49 = arith.constant 7 : i32
    %dma_start3A_50 = arith.constant 0 : i32
    %dma_start3A_51 = tpu.memref_slice %arg7[%dma_start3A_49, %dma_start3A_50] : memref<80x128xi32, #tpu.memory_space<vmem>> -> memref<1x128xi32, #tpu.memory_space<vmem>>
    %dma_start3A_52 = tpu.memref_squeeze %dma_start3A_51 : memref<1x128xi32, #tpu.memory_space<vmem>> -> memref<128xi32, #tpu.memory_space<vmem>>
    %dma_start3A_53 = arith.constant 0 : i32
    %dma_start3A_54 = arith.constant 0 : i32
    %dma_start3A_55 = tpu.memref_slice %arg2[%dma_start3A_53, %dma_start3A_54] : memref<10240x8xf32, #tpu.memory_space<hbm>> -> memref<10240x8xf32, #tpu.memory_space<hbm>>
    tpu.enqueue_indirect_dma source(%dma_start3A_55 : memref<10240x8xf32, #tpu.memory_space<hbm>>) target(%arg16 : memref<128x8xf32, #tpu.memory_space<vmem>>) offsets(%dma_start3A_52 : memref<128xi32, #tpu.memory_space<vmem>>) semaphore(%arg25 : memref<!tpu.dma_semaphore, #tpu.memory_space<semaphore_mem>>)
    %scan3A = arith.constant 0 : i32
    %scan3A_56 = arith.constant 10 : i32
    %scan3A_57 = arith.addi %scan3A, %scan3A_56 : i32
    %scan3A_58 = arith.constant 1 : i32
    scf.for %scan3A_65 = %scan3A to %scan3A_57 step %scan3A_58  : i32 {
      %mul3A_66 = arith.constant 8 : i32
      %mul3A_67 = arith.muli %scan3A_65, %mul3A_66 : i32
      %add3A = arith.constant 0 : i32
      %add3A_68 = arith.addi %add3A, %mul3A_67 : i32
      %add3A_69 = arith.constant 0 : i32
      %add3A_70 = arith.addi %add3A_68, %add3A_69 : i32
      %dma_wait3A = arith.constant 0 : i32
      %dma_wait3A_71 = tpu.memref_slice %arg7[%add3A_70, %dma_wait3A] : memref<80x128xi32, #tpu.memory_space<vmem>> -> memref<1x128xi32, #tpu.memory_space<vmem>>
      %dma_wait3A_72 = tpu.memref_squeeze %dma_wait3A_71 : memref<1x128xi32, #tpu.memory_space<vmem>> -> memref<128xi32, #tpu.memory_space<vmem>>
      %dma_wait3A_73 = arith.constant 0 : i32
      %dma_wait3A_74 = arith.constant 0 : i32
      %dma_wait3A_75 = tpu.memref_slice %arg2[%dma_wait3A_73, %dma_wait3A_74] : memref<10240x8xf32, #tpu.memory_space<hbm>> -> memref<10240x8xf32, #tpu.memory_space<hbm>>
      tpu.wait_indirect_dma semaphore(%arg18 : memref<!tpu.dma_semaphore, #tpu.memory_space<semaphore_mem>>) src(%dma_wait3A_75 : memref<10240x8xf32, #tpu.memory_space<hbm>>) dst(%arg9 : memref<128x8xf32, #tpu.memory_space<vmem>>)
      "tpu.region"() ({
        %run_scoped3A = tpu.sem_alloc : memref<!tpu.dma_semaphore, #tpu.memory_space<semaphore_mem>>
        %dma_start3A_185 = arith.constant 0 : i32
        %dma_start3A_186 = tpu.memref_slice %arg8[%add3A_70, %dma_start3A_185] : memref<80x128xi32, #tpu.memory_space<vmem>> -> memref<1x128xi32, #tpu.memory_space<vmem>>
        %dma_start3A_187 = tpu.memref_squeeze %dma_start3A_186 : memref<1x128xi32, #tpu.memory_space<vmem>> -> memref<128xi32, #tpu.memory_space<vmem>>
        %dma_start3A_188 = arith.constant 0 : i32
        %dma_start3A_189 = arith.constant 0 : i32
        %dma_start3A_190 = tpu.memref_slice %arg17[%dma_start3A_188, %dma_start3A_189] : memref<10240x8xf32, #tpu.memory_space<vmem_shared>> -> memref<10240x8xf32, #tpu.memory_space<vmem_shared>>
        tpu.enqueue_indirect_dma source(%arg9 : memref<128x8xf32, #tpu.memory_space<vmem>>) target(%dma_start3A_190 : memref<10240x8xf32, #tpu.memory_space<vmem_shared>>) offsets(%dma_start3A_187 : memref<128xi32, #tpu.memory_space<vmem>>) semaphore(%run_scoped3A : memref<!tpu.dma_semaphore, #tpu.memory_space<semaphore_mem>>) {add = true}
        %dma_wait3A_191 = arith.constant 0 : i32
        %dma_wait3A_192 = tpu.memref_slice %arg8[%add3A_70, %dma_wait3A_191] : memref<80x128xi32, #tpu.memory_space<vmem>> -> memref<1x128xi32, #tpu.memory_space<vmem>>
        %dma_wait3A_193 = tpu.memref_squeeze %dma_wait3A_192 : memref<1x128xi32, #tpu.memory_space<vmem>> -> memref<128xi32, #tpu.memory_space<vmem>>
        %dma_wait3A_194 = arith.constant 0 : i32
        %dma_wait3A_195 = arith.constant 0 : i32
        %dma_wait3A_196 = tpu.memref_slice %arg17[%dma_wait3A_194, %dma_wait3A_195] : memref<10240x8xf32, #tpu.memory_space<vmem_shared>> -> memref<10240x8xf32, #tpu.memory_space<vmem_shared>>
        tpu.wait_indirect_dma semaphore(%run_scoped3A : memref<!tpu.dma_semaphore, #tpu.memory_space<semaphore_mem>>) src(%arg9 : memref<128x8xf32, #tpu.memory_space<vmem>>) dst(%dma_wait3A_196 : memref<10240x8xf32, #tpu.memory_space<vmem_shared>>)
        tpu.yield
      }) : () -> ()
      %add3A_76 = arith.constant 8 : i32
      %add3A_77 = arith.addi %add3A_70, %add3A_76 : i32
      %lt3A = arith.constant 80 : i32
      %lt3A_78 = arith.cmpi slt, %add3A_77, %lt3A : i32
      %convert_element_type3A = arith.extui %lt3A_78 : i1 to i32
      %cond3A = arith.constant 0 : i32
      %cond3A_79 = arith.cmpi ne, %convert_element_type3A, %cond3A : i32
      scf.if %cond3A_79 {
        %add3A_185 = arith.constant 8 : i32
        %add3A_186 = arith.addi %add3A_70, %add3A_185 : i32
        %dma_start3A_187 = arith.constant 0 : i32
        %dma_start3A_188 = tpu.memref_slice %arg7[%add3A_186, %dma_start3A_187] : memref<80x128xi32, #tpu.memory_space<vmem>> -> memref<1x128xi32, #tpu.memory_space<vmem>>
        %dma_start3A_189 = tpu.memref_squeeze %dma_start3A_188 : memref<1x128xi32, #tpu.memory_space<vmem>> -> memref<128xi32, #tpu.memory_space<vmem>>
        %dma_start3A_190 = arith.constant 0 : i32
        %dma_start3A_191 = arith.constant 0 : i32
        %dma_start3A_192 = tpu.memref_slice %arg2[%dma_start3A_190, %dma_start3A_191] : memref<10240x8xf32, #tpu.memory_space<hbm>> -> memref<10240x8xf32, #tpu.memory_space<hbm>>
        tpu.enqueue_indirect_dma source(%dma_start3A_192 : memref<10240x8xf32, #tpu.memory_space<hbm>>) target(%arg9 : memref<128x8xf32, #tpu.memory_space<vmem>>) offsets(%dma_start3A_189 : memref<128xi32, #tpu.memory_space<vmem>>) semaphore(%arg18 : memref<!tpu.dma_semaphore, #tpu.memory_space<semaphore_mem>>)
      } else {
      }
      %add3A_80 = arith.constant 1 : i32
      %add3A_81 = arith.addi %add3A_68, %add3A_80 : i32
      %dma_wait3A_82 = arith.constant 0 : i32
      %dma_wait3A_83 = tpu.memref_slice %arg7[%add3A_81, %dma_wait3A_82] : memref<80x128xi32, #tpu.memory_space<vmem>> -> memref<1x128xi32, #tpu.memory_space<vmem>>
      %dma_wait3A_84 = tpu.memref_squeeze %dma_wait3A_83 : memref<1x128xi32, #tpu.memory_space<vmem>> -> memref<128xi32, #tpu.memory_space<vmem>>
      %dma_wait3A_85 = arith.constant 0 : i32
      %dma_wait3A_86 = arith.constant 0 : i32
      %dma_wait3A_87 = tpu.memref_slice %arg2[%dma_wait3A_85, %dma_wait3A_86] : memref<10240x8xf32, #tpu.memory_space<hbm>> -> memref<10240x8xf32, #tpu.memory_space<hbm>>
      tpu.wait_indirect_dma semaphore(%arg19 : memref<!tpu.dma_semaphore, #tpu.memory_space<semaphore_mem>>) src(%dma_wait3A_87 : memref<10240x8xf32, #tpu.memory_space<hbm>>) dst(%arg10 : memref<128x8xf32, #tpu.memory_space<vmem>>)
      "tpu.region"() ({
        %run_scoped3A = tpu.sem_alloc : memref<!tpu.dma_semaphore, #tpu.memory_space<semaphore_mem>>
        %dma_start3A_185 = arith.constant 0 : i32
        %dma_start3A_186 = tpu.memref_slice %arg8[%add3A_81, %dma_start3A_185] : memref<80x128xi32, #tpu.memory_space<vmem>> -> memref<1x128xi32, #tpu.memory_space<vmem>>
        %dma_start3A_187 = tpu.memref_squeeze %dma_start3A_186 : memref<1x128xi32, #tpu.memory_space<vmem>> -> memref<128xi32, #tpu.memory_space<vmem>>
        %dma_start3A_188 = arith.constant 0 : i32
        %dma_start3A_189 = arith.constant 0 : i32
        %dma_start3A_190 = tpu.memref_slice %arg17[%dma_start3A_188, %dma_start3A_189] : memref<10240x8xf32, #tpu.memory_space<vmem_shared>> -> memref<10240x8xf32, #tpu.memory_space<vmem_shared>>
        tpu.enqueue_indirect_dma source(%arg10 : memref<128x8xf32, #tpu.memory_space<vmem>>) target(%dma_start3A_190 : memref<10240x8xf32, #tpu.memory_space<vmem_shared>>) offsets(%dma_start3A_187 : memref<128xi32, #tpu.memory_space<vmem>>) semaphore(%run_scoped3A : memref<!tpu.dma_semaphore, #tpu.memory_space<semaphore_mem>>) {add = true}
        %dma_wait3A_191 = arith.constant 0 : i32
        %dma_wait3A_192 = tpu.memref_slice %arg8[%add3A_81, %dma_wait3A_191] : memref<80x128xi32, #tpu.memory_space<vmem>> -> memref<1x128xi32, #tpu.memory_space<vmem>>
        %dma_wait3A_193 = tpu.memref_squeeze %dma_wait3A_192 : memref<1x128xi32, #tpu.memory_space<vmem>> -> memref<128xi32, #tpu.memory_space<vmem>>
        %dma_wait3A_194 = arith.constant 0 : i32
        %dma_wait3A_195 = arith.constant 0 : i32
        %dma_wait3A_196 = tpu.memref_slice %arg17[%dma_wait3A_194, %dma_wait3A_195] : memref<10240x8xf32, #tpu.memory_space<vmem_shared>> -> memref<10240x8xf32, #tpu.memory_space<vmem_shared>>
        tpu.wait_indirect_dma semaphore(%run_scoped3A : memref<!tpu.dma_semaphore, #tpu.memory_space<semaphore_mem>>) src(%arg10 : memref<128x8xf32, #tpu.memory_space<vmem>>) dst(%dma_wait3A_196 : memref<10240x8xf32, #tpu.memory_space<vmem_shared>>)
        tpu.yield
      }) : () -> ()
      %add3A_88 = arith.constant 8 : i32
      %add3A_89 = arith.addi %add3A_81, %add3A_88 : i32
      %lt3A_90 = arith.constant 80 : i32
      %lt3A_91 = arith.cmpi slt, %add3A_89, %lt3A_90 : i32
      %convert_element_type3A_92 = arith.extui %lt3A_91 : i1 to i32
      %cond3A_93 = arith.constant 0 : i32
      %cond3A_94 = arith.cmpi ne, %convert_element_type3A_92, %cond3A_93 : i32
      scf.if %cond3A_94 {
        %add3A_185 = arith.constant 8 : i32
        %add3A_186 = arith.addi %add3A_81, %add3A_185 : i32
        %dma_start3A_187 = arith.constant 0 : i32
        %dma_start3A_188 = tpu.memref_slice %arg7[%add3A_186, %dma_start3A_187] : memref<80x128xi32, #tpu.memory_space<vmem>> -> memref<1x128xi32, #tpu.memory_space<vmem>>
        %dma_start3A_189 = tpu.memref_squeeze %dma_start3A_188 : memref<1x128xi32, #tpu.memory_space<vmem>> -> memref<128xi32, #tpu.memory_space<vmem>>
        %dma_start3A_190 = arith.constant 0 : i32
        %dma_start3A_191 = arith.constant 0 : i32
        %dma_start3A_192 = tpu.memref_slice %arg2[%dma_start3A_190, %dma_start3A_191] : memref<10240x8xf32, #tpu.memory_space<hbm>> -> memref<10240x8xf32, #tpu.memory_space<hbm>>
        tpu.enqueue_indirect_dma source(%dma_start3A_192 : memref<10240x8xf32, #tpu.memory_space<hbm>>) target(%arg10 : memref<128x8xf32, #tpu.memory_space<vmem>>) offsets(%dma_start3A_189 : memref<128xi32, #tpu.memory_space<vmem>>) semaphore(%arg19 : memref<!tpu.dma_semaphore, #tpu.memory_space<semaphore_mem>>)
      } else {
      }
      %add3A_95 = arith.constant 2 : i32
      %add3A_96 = arith.addi %add3A_68, %add3A_95 : i32
      %dma_wait3A_97 = arith.constant 0 : i32
      %dma_wait3A_98 = tpu.memref_slice %arg7[%add3A_96, %dma_wait3A_97] : memref<80x128xi32, #tpu.memory_space<vmem>> -> memref<1x128xi32, #tpu.memory_space<vmem>>
      %dma_wait3A_99 = tpu.memref_squeeze %dma_wait3A_98 : memref<1x128xi32, #tpu.memory_space<vmem>> -> memref<128xi32, #tpu.memory_space<vmem>>
      %dma_wait3A_100 = arith.constant 0 : i32
      %dma_wait3A_101 = arith.constant 0 : i32
      %dma_wait3A_102 = tpu.memref_slice %arg2[%dma_wait3A_100, %dma_wait3A_101] : memref<10240x8xf32, #tpu.memory_space<hbm>> -> memref<10240x8xf32, #tpu.memory_space<hbm>>
      tpu.wait_indirect_dma semaphore(%arg20 : memref<!tpu.dma_semaphore, #tpu.memory_space<semaphore_mem>>) src(%dma_wait3A_102 : memref<10240x8xf32, #tpu.memory_space<hbm>>) dst(%arg11 : memref<128x8xf32, #tpu.memory_space<vmem>>)
      "tpu.region"() ({
        %run_scoped3A = tpu.sem_alloc : memref<!tpu.dma_semaphore, #tpu.memory_space<semaphore_mem>>
        %dma_start3A_185 = arith.constant 0 : i32
        %dma_start3A_186 = tpu.memref_slice %arg8[%add3A_96, %dma_start3A_185] : memref<80x128xi32, #tpu.memory_space<vmem>> -> memref<1x128xi32, #tpu.memory_space<vmem>>
        %dma_start3A_187 = tpu.memref_squeeze %dma_start3A_186 : memref<1x128xi32, #tpu.memory_space<vmem>> -> memref<128xi32, #tpu.memory_space<vmem>>
        %dma_start3A_188 = arith.constant 0 : i32
        %dma_start3A_189 = arith.constant 0 : i32
        %dma_start3A_190 = tpu.memref_slice %arg17[%dma_start3A_188, %dma_start3A_189] : memref<10240x8xf32, #tpu.memory_space<vmem_shared>> -> memref<10240x8xf32, #tpu.memory_space<vmem_shared>>
        tpu.enqueue_indirect_dma source(%arg11 : memref<128x8xf32, #tpu.memory_space<vmem>>) target(%dma_start3A_190 : memref<10240x8xf32, #tpu.memory_space<vmem_shared>>) offsets(%dma_start3A_187 : memref<128xi32, #tpu.memory_space<vmem>>) semaphore(%run_scoped3A : memref<!tpu.dma_semaphore, #tpu.memory_space<semaphore_mem>>) {add = true}
        %dma_wait3A_191 = arith.constant 0 : i32
        %dma_wait3A_192 = tpu.memref_slice %arg8[%add3A_96, %dma_wait3A_191] : memref<80x128xi32, #tpu.memory_space<vmem>> -> memref<1x128xi32, #tpu.memory_space<vmem>>
        %dma_wait3A_193 = tpu.memref_squeeze %dma_wait3A_192 : memref<1x128xi32, #tpu.memory_space<vmem>> -> memref<128xi32, #tpu.memory_space<vmem>>
        %dma_wait3A_194 = arith.constant 0 : i32
        %dma_wait3A_195 = arith.constant 0 : i32
        %dma_wait3A_196 = tpu.memref_slice %arg17[%dma_wait3A_194, %dma_wait3A_195] : memref<10240x8xf32, #tpu.memory_space<vmem_shared>> -> memref<10240x8xf32, #tpu.memory_space<vmem_shared>>
        tpu.wait_indirect_dma semaphore(%run_scoped3A : memref<!tpu.dma_semaphore, #tpu.memory_space<semaphore_mem>>) src(%arg11 : memref<128x8xf32, #tpu.memory_space<vmem>>) dst(%dma_wait3A_196 : memref<10240x8xf32, #tpu.memory_space<vmem_shared>>)
        tpu.yield
      }) : () -> ()
      %add3A_103 = arith.constant 8 : i32
      %add3A_104 = arith.addi %add3A_96, %add3A_103 : i32
      %lt3A_105 = arith.constant 80 : i32
      %lt3A_106 = arith.cmpi slt, %add3A_104, %lt3A_105 : i32
      %convert_element_type3A_107 = arith.extui %lt3A_106 : i1 to i32
      %cond3A_108 = arith.constant 0 : i32
      %cond3A_109 = arith.cmpi ne, %convert_element_type3A_107, %cond3A_108 : i32
      scf.if %cond3A_109 {
        %add3A_185 = arith.constant 8 : i32
        %add3A_186 = arith.addi %add3A_96, %add3A_185 : i32
        %dma_start3A_187 = arith.constant 0 : i32
        %dma_start3A_188 = tpu.memref_slice %arg7[%add3A_186, %dma_start3A_187] : memref<80x128xi32, #tpu.memory_space<vmem>> -> memref<1x128xi32, #tpu.memory_space<vmem>>
        %dma_start3A_189 = tpu.memref_squeeze %dma_start3A_188 : memref<1x128xi32, #tpu.memory_space<vmem>> -> memref<128xi32, #tpu.memory_space<vmem>>
        %dma_start3A_190 = arith.constant 0 : i32
        %dma_start3A_191 = arith.constant 0 : i32
        %dma_start3A_192 = tpu.memref_slice %arg2[%dma_start3A_190, %dma_start3A_191] : memref<10240x8xf32, #tpu.memory_space<hbm>> -> memref<10240x8xf32, #tpu.memory_space<hbm>>
        tpu.enqueue_indirect_dma source(%dma_start3A_192 : memref<10240x8xf32, #tpu.memory_space<hbm>>) target(%arg11 : memref<128x8xf32, #tpu.memory_space<vmem>>) offsets(%dma_start3A_189 : memref<128xi32, #tpu.memory_space<vmem>>) semaphore(%arg20 : memref<!tpu.dma_semaphore, #tpu.memory_space<semaphore_mem>>)
      } else {
      }
      %add3A_110 = arith.constant 3 : i32
      %add3A_111 = arith.addi %add3A_68, %add3A_110 : i32
      %dma_wait3A_112 = arith.constant 0 : i32
      %dma_wait3A_113 = tpu.memref_slice %arg7[%add3A_111, %dma_wait3A_112] : memref<80x128xi32, #tpu.memory_space<vmem>> -> memref<1x128xi32, #tpu.memory_space<vmem>>
      %dma_wait3A_114 = tpu.memref_squeeze %dma_wait3A_113 : memref<1x128xi32, #tpu.memory_space<vmem>> -> memref<128xi32, #tpu.memory_space<vmem>>
      %dma_wait3A_115 = arith.constant 0 : i32
      %dma_wait3A_116 = arith.constant 0 : i32
      %dma_wait3A_117 = tpu.memref_slice %arg2[%dma_wait3A_115, %dma_wait3A_116] : memref<10240x8xf32, #tpu.memory_space<hbm>> -> memref<10240x8xf32, #tpu.memory_space<hbm>>
      tpu.wait_indirect_dma semaphore(%arg21 : memref<!tpu.dma_semaphore, #tpu.memory_space<semaphore_mem>>) src(%dma_wait3A_117 : memref<10240x8xf32, #tpu.memory_space<hbm>>) dst(%arg12 : memref<128x8xf32, #tpu.memory_space<vmem>>)
      "tpu.region"() ({
        %run_scoped3A = tpu.sem_alloc : memref<!tpu.dma_semaphore, #tpu.memory_space<semaphore_mem>>
        %dma_start3A_185 = arith.constant 0 : i32
        %dma_start3A_186 = tpu.memref_slice %arg8[%add3A_111, %dma_start3A_185] : memref<80x128xi32, #tpu.memory_space<vmem>> -> memref<1x128xi32, #tpu.memory_space<vmem>>
        %dma_start3A_187 = tpu.memref_squeeze %dma_start3A_186 : memref<1x128xi32, #tpu.memory_space<vmem>> -> memref<128xi32, #tpu.memory_space<vmem>>
        %dma_start3A_188 = arith.constant 0 : i32
        %dma_start3A_189 = arith.constant 0 : i32
        %dma_start3A_190 = tpu.memref_slice %arg17[%dma_start3A_188, %dma_start3A_189] : memref<10240x8xf32, #tpu.memory_space<vmem_shared>> -> memref<10240x8xf32, #tpu.memory_space<vmem_shared>>
        tpu.enqueue_indirect_dma source(%arg12 : memref<128x8xf32, #tpu.memory_space<vmem>>) target(%dma_start3A_190 : memref<10240x8xf32, #tpu.memory_space<vmem_shared>>) offsets(%dma_start3A_187 : memref<128xi32, #tpu.memory_space<vmem>>) semaphore(%run_scoped3A : memref<!tpu.dma_semaphore, #tpu.memory_space<semaphore_mem>>) {add = true}
        %dma_wait3A_191 = arith.constant 0 : i32
        %dma_wait3A_192 = tpu.memref_slice %arg8[%add3A_111, %dma_wait3A_191] : memref<80x128xi32, #tpu.memory_space<vmem>> -> memref<1x128xi32, #tpu.memory_space<vmem>>
        %dma_wait3A_193 = tpu.memref_squeeze %dma_wait3A_192 : memref<1x128xi32, #tpu.memory_space<vmem>> -> memref<128xi32, #tpu.memory_space<vmem>>
        %dma_wait3A_194 = arith.constant 0 : i32
        %dma_wait3A_195 = arith.constant 0 : i32
        %dma_wait3A_196 = tpu.memref_slice %arg17[%dma_wait3A_194, %dma_wait3A_195] : memref<10240x8xf32, #tpu.memory_space<vmem_shared>> -> memref<10240x8xf32, #tpu.memory_space<vmem_shared>>
        tpu.wait_indirect_dma semaphore(%run_scoped3A : memref<!tpu.dma_semaphore, #tpu.memory_space<semaphore_mem>>) src(%arg12 : memref<128x8xf32, #tpu.memory_space<vmem>>) dst(%dma_wait3A_196 : memref<10240x8xf32, #tpu.memory_space<vmem_shared>>)
        tpu.yield
      }) : () -> ()
      %add3A_118 = arith.constant 8 : i32
      %add3A_119 = arith.addi %add3A_111, %add3A_118 : i32
      %lt3A_120 = arith.constant 80 : i32
      %lt3A_121 = arith.cmpi slt, %add3A_119, %lt3A_120 : i32
      %convert_element_type3A_122 = arith.extui %lt3A_121 : i1 to i32
      %cond3A_123 = arith.constant 0 : i32
      %cond3A_124 = arith.cmpi ne, %convert_element_type3A_122, %cond3A_123 : i32
      scf.if %cond3A_124 {
        %add3A_185 = arith.constant 8 : i32
        %add3A_186 = arith.addi %add3A_111, %add3A_185 : i32
        %dma_start3A_187 = arith.constant 0 : i32
        %dma_start3A_188 = tpu.memref_slice %arg7[%add3A_186, %dma_start3A_187] : memref<80x128xi32, #tpu.memory_space<vmem>> -> memref<1x128xi32, #tpu.memory_space<vmem>>
        %dma_start3A_189 = tpu.memref_squeeze %dma_start3A_188 : memref<1x128xi32, #tpu.memory_space<vmem>> -> memref<128xi32, #tpu.memory_space<vmem>>
        %dma_start3A_190 = arith.constant 0 : i32
        %dma_start3A_191 = arith.constant 0 : i32
        %dma_start3A_192 = tpu.memref_slice %arg2[%dma_start3A_190, %dma_start3A_191] : memref<10240x8xf32, #tpu.memory_space<hbm>> -> memref<10240x8xf32, #tpu.memory_space<hbm>>
        tpu.enqueue_indirect_dma source(%dma_start3A_192 : memref<10240x8xf32, #tpu.memory_space<hbm>>) target(%arg12 : memref<128x8xf32, #tpu.memory_space<vmem>>) offsets(%dma_start3A_189 : memref<128xi32, #tpu.memory_space<vmem>>) semaphore(%arg21 : memref<!tpu.dma_semaphore, #tpu.memory_space<semaphore_mem>>)
      } else {
      }
      %add3A_125 = arith.constant 4 : i32
      %add3A_126 = arith.addi %add3A_68, %add3A_125 : i32
      %dma_wait3A_127 = arith.constant 0 : i32
      %dma_wait3A_128 = tpu.memref_slice %arg7[%add3A_126, %dma_wait3A_127] : memref<80x128xi32, #tpu.memory_space<vmem>> -> memref<1x128xi32, #tpu.memory_space<vmem>>
      %dma_wait3A_129 = tpu.memref_squeeze %dma_wait3A_128 : memref<1x128xi32, #tpu.memory_space<vmem>> -> memref<128xi32, #tpu.memory_space<vmem>>
      %dma_wait3A_130 = arith.constant 0 : i32
      %dma_wait3A_131 = arith.constant 0 : i32
      %dma_wait3A_132 = tpu.memref_slice %arg2[%dma_wait3A_130, %dma_wait3A_131] : memref<10240x8xf32, #tpu.memory_space<hbm>> -> memref<10240x8xf32, #tpu.memory_space<hbm>>
      tpu.wait_indirect_dma semaphore(%arg22 : memref<!tpu.dma_semaphore, #tpu.memory_space<semaphore_mem>>) src(%dma_wait3A_132 : memref<10240x8xf32, #tpu.memory_space<hbm>>) dst(%arg13 : memref<128x8xf32, #tpu.memory_space<vmem>>)
      "tpu.region"() ({
        %run_scoped3A = tpu.sem_alloc : memref<!tpu.dma_semaphore, #tpu.memory_space<semaphore_mem>>
        %dma_start3A_185 = arith.constant 0 : i32
        %dma_start3A_186 = tpu.memref_slice %arg8[%add3A_126, %dma_start3A_185] : memref<80x128xi32, #tpu.memory_space<vmem>> -> memref<1x128xi32, #tpu.memory_space<vmem>>
        %dma_start3A_187 = tpu.memref_squeeze %dma_start3A_186 : memref<1x128xi32, #tpu.memory_space<vmem>> -> memref<128xi32, #tpu.memory_space<vmem>>
        %dma_start3A_188 = arith.constant 0 : i32
        %dma_start3A_189 = arith.constant 0 : i32
        %dma_start3A_190 = tpu.memref_slice %arg17[%dma_start3A_188, %dma_start3A_189] : memref<10240x8xf32, #tpu.memory_space<vmem_shared>> -> memref<10240x8xf32, #tpu.memory_space<vmem_shared>>
        tpu.enqueue_indirect_dma source(%arg13 : memref<128x8xf32, #tpu.memory_space<vmem>>) target(%dma_start3A_190 : memref<10240x8xf32, #tpu.memory_space<vmem_shared>>) offsets(%dma_start3A_187 : memref<128xi32, #tpu.memory_space<vmem>>) semaphore(%run_scoped3A : memref<!tpu.dma_semaphore, #tpu.memory_space<semaphore_mem>>) {add = true}
        %dma_wait3A_191 = arith.constant 0 : i32
        %dma_wait3A_192 = tpu.memref_slice %arg8[%add3A_126, %dma_wait3A_191] : memref<80x128xi32, #tpu.memory_space<vmem>> -> memref<1x128xi32, #tpu.memory_space<vmem>>
        %dma_wait3A_193 = tpu.memref_squeeze %dma_wait3A_192 : memref<1x128xi32, #tpu.memory_space<vmem>> -> memref<128xi32, #tpu.memory_space<vmem>>
        %dma_wait3A_194 = arith.constant 0 : i32
        %dma_wait3A_195 = arith.constant 0 : i32
        %dma_wait3A_196 = tpu.memref_slice %arg17[%dma_wait3A_194, %dma_wait3A_195] : memref<10240x8xf32, #tpu.memory_space<vmem_shared>> -> memref<10240x8xf32, #tpu.memory_space<vmem_shared>>
        tpu.wait_indirect_dma semaphore(%run_scoped3A : memref<!tpu.dma_semaphore, #tpu.memory_space<semaphore_mem>>) src(%arg13 : memref<128x8xf32, #tpu.memory_space<vmem>>) dst(%dma_wait3A_196 : memref<10240x8xf32, #tpu.memory_space<vmem_shared>>)
        tpu.yield
      }) : () -> ()
      %add3A_133 = arith.constant 8 : i32
      %add3A_134 = arith.addi %add3A_126, %add3A_133 : i32
      %lt3A_135 = arith.constant 80 : i32
      %lt3A_136 = arith.cmpi slt, %add3A_134, %lt3A_135 : i32
      %convert_element_type3A_137 = arith.extui %lt3A_136 : i1 to i32
      %cond3A_138 = arith.constant 0 : i32
      %cond3A_139 = arith.cmpi ne, %convert_element_type3A_137, %cond3A_138 : i32
      scf.if %cond3A_139 {
        %add3A_185 = arith.constant 8 : i32
        %add3A_186 = arith.addi %add3A_126, %add3A_185 : i32
        %dma_start3A_187 = arith.constant 0 : i32
        %dma_start3A_188 = tpu.memref_slice %arg7[%add3A_186, %dma_start3A_187] : memref<80x128xi32, #tpu.memory_space<vmem>> -> memref<1x128xi32, #tpu.memory_space<vmem>>
        %dma_start3A_189 = tpu.memref_squeeze %dma_start3A_188 : memref<1x128xi32, #tpu.memory_space<vmem>> -> memref<128xi32, #tpu.memory_space<vmem>>
        %dma_start3A_190 = arith.constant 0 : i32
        %dma_start3A_191 = arith.constant 0 : i32
        %dma_start3A_192 = tpu.memref_slice %arg2[%dma_start3A_190, %dma_start3A_191] : memref<10240x8xf32, #tpu.memory_space<hbm>> -> memref<10240x8xf32, #tpu.memory_space<hbm>>
        tpu.enqueue_indirect_dma source(%dma_start3A_192 : memref<10240x8xf32, #tpu.memory_space<hbm>>) target(%arg13 : memref<128x8xf32, #tpu.memory_space<vmem>>) offsets(%dma_start3A_189 : memref<128xi32, #tpu.memory_space<vmem>>) semaphore(%arg22 : memref<!tpu.dma_semaphore, #tpu.memory_space<semaphore_mem>>)
      } else {
      }
      %add3A_140 = arith.constant 5 : i32
      %add3A_141 = arith.addi %add3A_68, %add3A_140 : i32
      %dma_wait3A_142 = arith.constant 0 : i32
      %dma_wait3A_143 = tpu.memref_slice %arg7[%add3A_141, %dma_wait3A_142] : memref<80x128xi32, #tpu.memory_space<vmem>> -> memref<1x128xi32, #tpu.memory_space<vmem>>
      %dma_wait3A_144 = tpu.memref_squeeze %dma_wait3A_143 : memref<1x128xi32, #tpu.memory_space<vmem>> -> memref<128xi32, #tpu.memory_space<vmem>>
      %dma_wait3A_145 = arith.constant 0 : i32
      %dma_wait3A_146 = arith.constant 0 : i32
      %dma_wait3A_147 = tpu.memref_slice %arg2[%dma_wait3A_145, %dma_wait3A_146] : memref<10240x8xf32, #tpu.memory_space<hbm>> -> memref<10240x8xf32, #tpu.memory_space<hbm>>
      tpu.wait_indirect_dma semaphore(%arg23 : memref<!tpu.dma_semaphore, #tpu.memory_space<semaphore_mem>>) src(%dma_wait3A_147 : memref<10240x8xf32, #tpu.memory_space<hbm>>) dst(%arg14 : memref<128x8xf32, #tpu.memory_space<vmem>>)
      "tpu.region"() ({
        %run_scoped3A = tpu.sem_alloc : memref<!tpu.dma_semaphore, #tpu.memory_space<semaphore_mem>>
        %dma_start3A_185 = arith.constant 0 : i32
        %dma_start3A_186 = tpu.memref_slice %arg8[%add3A_141, %dma_start3A_185] : memref<80x128xi32, #tpu.memory_space<vmem>> -> memref<1x128xi32, #tpu.memory_space<vmem>>
        %dma_start3A_187 = tpu.memref_squeeze %dma_start3A_186 : memref<1x128xi32, #tpu.memory_space<vmem>> -> memref<128xi32, #tpu.memory_space<vmem>>
        %dma_start3A_188 = arith.constant 0 : i32
        %dma_start3A_189 = arith.constant 0 : i32
        %dma_start3A_190 = tpu.memref_slice %arg17[%dma_start3A_188, %dma_start3A_189] : memref<10240x8xf32, #tpu.memory_space<vmem_shared>> -> memref<10240x8xf32, #tpu.memory_space<vmem_shared>>
        tpu.enqueue_indirect_dma source(%arg14 : memref<128x8xf32, #tpu.memory_space<vmem>>) target(%dma_start3A_190 : memref<10240x8xf32, #tpu.memory_space<vmem_shared>>) offsets(%dma_start3A_187 : memref<128xi32, #tpu.memory_space<vmem>>) semaphore(%run_scoped3A : memref<!tpu.dma_semaphore, #tpu.memory_space<semaphore_mem>>) {add = true}
        %dma_wait3A_191 = arith.constant 0 : i32
        %dma_wait3A_192 = tpu.memref_slice %arg8[%add3A_141, %dma_wait3A_191] : memref<80x128xi32, #tpu.memory_space<vmem>> -> memref<1x128xi32, #tpu.memory_space<vmem>>
        %dma_wait3A_193 = tpu.memref_squeeze %dma_wait3A_192 : memref<1x128xi32, #tpu.memory_space<vmem>> -> memref<128xi32, #tpu.memory_space<vmem>>
        %dma_wait3A_194 = arith.constant 0 : i32
        %dma_wait3A_195 = arith.constant 0 : i32
        %dma_wait3A_196 = tpu.memref_slice %arg17[%dma_wait3A_194, %dma_wait3A_195] : memref<10240x8xf32, #tpu.memory_space<vmem_shared>> -> memref<10240x8xf32, #tpu.memory_space<vmem_shared>>
        tpu.wait_indirect_dma semaphore(%run_scoped3A : memref<!tpu.dma_semaphore, #tpu.memory_space<semaphore_mem>>) src(%arg14 : memref<128x8xf32, #tpu.memory_space<vmem>>) dst(%dma_wait3A_196 : memref<10240x8xf32, #tpu.memory_space<vmem_shared>>)
        tpu.yield
      }) : () -> ()
      %add3A_148 = arith.constant 8 : i32
      %add3A_149 = arith.addi %add3A_141, %add3A_148 : i32
      %lt3A_150 = arith.constant 80 : i32
      %lt3A_151 = arith.cmpi slt, %add3A_149, %lt3A_150 : i32
      %convert_element_type3A_152 = arith.extui %lt3A_151 : i1 to i32
      %cond3A_153 = arith.constant 0 : i32
      %cond3A_154 = arith.cmpi ne, %convert_element_type3A_152, %cond3A_153 : i32
      scf.if %cond3A_154 {
        %add3A_185 = arith.constant 8 : i32
        %add3A_186 = arith.addi %add3A_141, %add3A_185 : i32
        %dma_start3A_187 = arith.constant 0 : i32
        %dma_start3A_188 = tpu.memref_slice %arg7[%add3A_186, %dma_start3A_187] : memref<80x128xi32, #tpu.memory_space<vmem>> -> memref<1x128xi32, #tpu.memory_space<vmem>>
        %dma_start3A_189 = tpu.memref_squeeze %dma_start3A_188 : memref<1x128xi32, #tpu.memory_space<vmem>> -> memref<128xi32, #tpu.memory_space<vmem>>
        %dma_start3A_190 = arith.constant 0 : i32
        %dma_start3A_191 = arith.constant 0 : i32
        %dma_start3A_192 = tpu.memref_slice %arg2[%dma_start3A_190, %dma_start3A_191] : memref<10240x8xf32, #tpu.memory_space<hbm>> -> memref<10240x8xf32, #tpu.memory_space<hbm>>
        tpu.enqueue_indirect_dma source(%dma_start3A_192 : memref<10240x8xf32, #tpu.memory_space<hbm>>) target(%arg14 : memref<128x8xf32, #tpu.memory_space<vmem>>) offsets(%dma_start3A_189 : memref<128xi32, #tpu.memory_space<vmem>>) semaphore(%arg23 : memref<!tpu.dma_semaphore, #tpu.memory_space<semaphore_mem>>)
      } else {
      }
      %add3A_155 = arith.constant 6 : i32
      %add3A_156 = arith.addi %add3A_68, %add3A_155 : i32
      %dma_wait3A_157 = arith.constant 0 : i32
      %dma_wait3A_158 = tpu.memref_slice %arg7[%add3A_156, %dma_wait3A_157] : memref<80x128xi32, #tpu.memory_space<vmem>> -> memref<1x128xi32, #tpu.memory_space<vmem>>
      %dma_wait3A_159 = tpu.memref_squeeze %dma_wait3A_158 : memref<1x128xi32, #tpu.memory_space<vmem>> -> memref<128xi32, #tpu.memory_space<vmem>>
      %dma_wait3A_160 = arith.constant 0 : i32
      %dma_wait3A_161 = arith.constant 0 : i32
      %dma_wait3A_162 = tpu.memref_slice %arg2[%dma_wait3A_160, %dma_wait3A_161] : memref<10240x8xf32, #tpu.memory_space<hbm>> -> memref<10240x8xf32, #tpu.memory_space<hbm>>
      tpu.wait_indirect_dma semaphore(%arg24 : memref<!tpu.dma_semaphore, #tpu.memory_space<semaphore_mem>>) src(%dma_wait3A_162 : memref<10240x8xf32, #tpu.memory_space<hbm>>) dst(%arg15 : memref<128x8xf32, #tpu.memory_space<vmem>>)
      "tpu.region"() ({
        %run_scoped3A = tpu.sem_alloc : memref<!tpu.dma_semaphore, #tpu.memory_space<semaphore_mem>>
        %dma_start3A_185 = arith.constant 0 : i32
        %dma_start3A_186 = tpu.memref_slice %arg8[%add3A_156, %dma_start3A_185] : memref<80x128xi32, #tpu.memory_space<vmem>> -> memref<1x128xi32, #tpu.memory_space<vmem>>
        %dma_start3A_187 = tpu.memref_squeeze %dma_start3A_186 : memref<1x128xi32, #tpu.memory_space<vmem>> -> memref<128xi32, #tpu.memory_space<vmem>>
        %dma_start3A_188 = arith.constant 0 : i32
        %dma_start3A_189 = arith.constant 0 : i32
        %dma_start3A_190 = tpu.memref_slice %arg17[%dma_start3A_188, %dma_start3A_189] : memref<10240x8xf32, #tpu.memory_space<vmem_shared>> -> memref<10240x8xf32, #tpu.memory_space<vmem_shared>>
        tpu.enqueue_indirect_dma source(%arg15 : memref<128x8xf32, #tpu.memory_space<vmem>>) target(%dma_start3A_190 : memref<10240x8xf32, #tpu.memory_space<vmem_shared>>) offsets(%dma_start3A_187 : memref<128xi32, #tpu.memory_space<vmem>>) semaphore(%run_scoped3A : memref<!tpu.dma_semaphore, #tpu.memory_space<semaphore_mem>>) {add = true}
        %dma_wait3A_191 = arith.constant 0 : i32
        %dma_wait3A_192 = tpu.memref_slice %arg8[%add3A_156, %dma_wait3A_191] : memref<80x128xi32, #tpu.memory_space<vmem>> -> memref<1x128xi32, #tpu.memory_space<vmem>>
        %dma_wait3A_193 = tpu.memref_squeeze %dma_wait3A_192 : memref<1x128xi32, #tpu.memory_space<vmem>> -> memref<128xi32, #tpu.memory_space<vmem>>
        %dma_wait3A_194 = arith.constant 0 : i32
        %dma_wait3A_195 = arith.constant 0 : i32
        %dma_wait3A_196 = tpu.memref_slice %arg17[%dma_wait3A_194, %dma_wait3A_195] : memref<10240x8xf32, #tpu.memory_space<vmem_shared>> -> memref<10240x8xf32, #tpu.memory_space<vmem_shared>>
        tpu.wait_indirect_dma semaphore(%run_scoped3A : memref<!tpu.dma_semaphore, #tpu.memory_space<semaphore_mem>>) src(%arg15 : memref<128x8xf32, #tpu.memory_space<vmem>>) dst(%dma_wait3A_196 : memref<10240x8xf32, #tpu.memory_space<vmem_shared>>)
        tpu.yield
      }) : () -> ()
      %add3A_163 = arith.constant 8 : i32
      %add3A_164 = arith.addi %add3A_156, %add3A_163 : i32
      %lt3A_165 = arith.constant 80 : i32
      %lt3A_166 = arith.cmpi slt, %add3A_164, %lt3A_165 : i32
      %convert_element_type3A_167 = arith.extui %lt3A_166 : i1 to i32
      %cond3A_168 = arith.constant 0 : i32
      %cond3A_169 = arith.cmpi ne, %convert_element_type3A_167, %cond3A_168 : i32
      scf.if %cond3A_169 {
        %add3A_185 = arith.constant 8 : i32
        %add3A_186 = arith.addi %add3A_156, %add3A_185 : i32
        %dma_start3A_187 = arith.constant 0 : i32
        %dma_start3A_188 = tpu.memref_slice %arg7[%add3A_186, %dma_start3A_187] : memref<80x128xi32, #tpu.memory_space<vmem>> -> memref<1x128xi32, #tpu.memory_space<vmem>>
        %dma_start3A_189 = tpu.memref_squeeze %dma_start3A_188 : memref<1x128xi32, #tpu.memory_space<vmem>> -> memref<128xi32, #tpu.memory_space<vmem>>
        %dma_start3A_190 = arith.constant 0 : i32
        %dma_start3A_191 = arith.constant 0 : i32
        %dma_start3A_192 = tpu.memref_slice %arg2[%dma_start3A_190, %dma_start3A_191] : memref<10240x8xf32, #tpu.memory_space<hbm>> -> memref<10240x8xf32, #tpu.memory_space<hbm>>
        tpu.enqueue_indirect_dma source(%dma_start3A_192 : memref<10240x8xf32, #tpu.memory_space<hbm>>) target(%arg15 : memref<128x8xf32, #tpu.memory_space<vmem>>) offsets(%dma_start3A_189 : memref<128xi32, #tpu.memory_space<vmem>>) semaphore(%arg24 : memref<!tpu.dma_semaphore, #tpu.memory_space<semaphore_mem>>)
      } else {
      }
      %add3A_170 = arith.constant 7 : i32
      %add3A_171 = arith.addi %add3A_68, %add3A_170 : i32
      %dma_wait3A_172 = arith.constant 0 : i32
      %dma_wait3A_173 = tpu.memref_slice %arg7[%add3A_171, %dma_wait3A_172] : memref<80x128xi32, #tpu.memory_space<vmem>> -> memref<1x128xi32, #tpu.memory_space<vmem>>
      %dma_wait3A_174 = tpu.memref_squeeze %dma_wait3A_173 : memref<1x128xi32, #tpu.memory_space<vmem>> -> memref<128xi32, #tpu.memory_space<vmem>>
      %dma_wait3A_175 = arith.constant 0 : i32
      %dma_wait3A_176 = arith.constant 0 : i32
      %dma_wait3A_177 = tpu.memref_slice %arg2[%dma_wait3A_175, %dma_wait3A_176] : memref<10240x8xf32, #tpu.memory_space<hbm>> -> memref<10240x8xf32, #tpu.memory_space<hbm>>
      tpu.wait_indirect_dma semaphore(%arg25 : memref<!tpu.dma_semaphore, #tpu.memory_space<semaphore_mem>>) src(%dma_wait3A_177 : memref<10240x8xf32, #tpu.memory_space<hbm>>) dst(%arg16 : memref<128x8xf32, #tpu.memory_space<vmem>>)
      "tpu.region"() ({
        %run_scoped3A = tpu.sem_alloc : memref<!tpu.dma_semaphore, #tpu.memory_space<semaphore_mem>>
        %dma_start3A_185 = arith.constant 0 : i32
        %dma_start3A_186 = tpu.memref_slice %arg8[%add3A_171, %dma_start3A_185] : memref<80x128xi32, #tpu.memory_space<vmem>> -> memref<1x128xi32, #tpu.memory_space<vmem>>
        %dma_start3A_187 = tpu.memref_squeeze %dma_start3A_186 : memref<1x128xi32, #tpu.memory_space<vmem>> -> memref<128xi32, #tpu.memory_space<vmem>>
        %dma_start3A_188 = arith.constant 0 : i32
        %dma_start3A_189 = arith.constant 0 : i32
        %dma_start3A_190 = tpu.memref_slice %arg17[%dma_start3A_188, %dma_start3A_189] : memref<10240x8xf32, #tpu.memory_space<vmem_shared>> -> memref<10240x8xf32, #tpu.memory_space<vmem_shared>>
        tpu.enqueue_indirect_dma source(%arg16 : memref<128x8xf32, #tpu.memory_space<vmem>>) target(%dma_start3A_190 : memref<10240x8xf32, #tpu.memory_space<vmem_shared>>) offsets(%dma_start3A_187 : memref<128xi32, #tpu.memory_space<vmem>>) semaphore(%run_scoped3A : memref<!tpu.dma_semaphore, #tpu.memory_space<semaphore_mem>>) {add = true}
        %dma_wait3A_191 = arith.constant 0 : i32
        %dma_wait3A_192 = tpu.memref_slice %arg8[%add3A_171, %dma_wait3A_191] : memref<80x128xi32, #tpu.memory_space<vmem>> -> memref<1x128xi32, #tpu.memory_space<vmem>>
        %dma_wait3A_193 = tpu.memref_squeeze %dma_wait3A_192 : memref<1x128xi32, #tpu.memory_space<vmem>> -> memref<128xi32, #tpu.memory_space<vmem>>
        %dma_wait3A_194 = arith.constant 0 : i32
        %dma_wait3A_195 = arith.constant 0 : i32
        %dma_wait3A_196 = tpu.memref_slice %arg17[%dma_wait3A_194, %dma_wait3A_195] : memref<10240x8xf32, #tpu.memory_space<vmem_shared>> -> memref<10240x8xf32, #tpu.memory_space<vmem_shared>>
        tpu.wait_indirect_dma semaphore(%run_scoped3A : memref<!tpu.dma_semaphore, #tpu.memory_space<semaphore_mem>>) src(%arg16 : memref<128x8xf32, #tpu.memory_space<vmem>>) dst(%dma_wait3A_196 : memref<10240x8xf32, #tpu.memory_space<vmem_shared>>)
        tpu.yield
      }) : () -> ()
      %add3A_178 = arith.constant 8 : i32
      %add3A_179 = arith.addi %add3A_171, %add3A_178 : i32
      %lt3A_180 = arith.constant 80 : i32
      %lt3A_181 = arith.cmpi slt, %add3A_179, %lt3A_180 : i32
      %convert_element_type3A_182 = arith.extui %lt3A_181 : i1 to i32
      %cond3A_183 = arith.constant 0 : i32
      %cond3A_184 = arith.cmpi ne, %convert_element_type3A_182, %cond3A_183 : i32
      scf.if %cond3A_184 {
        %add3A_185 = arith.constant 8 : i32
        %add3A_186 = arith.addi %add3A_171, %add3A_185 : i32
        %dma_start3A_187 = arith.constant 0 : i32
        %dma_start3A_188 = tpu.memref_slice %arg7[%add3A_186, %dma_start3A_187] : memref<80x128xi32, #tpu.memory_space<vmem>> -> memref<1x128xi32, #tpu.memory_space<vmem>>
        %dma_start3A_189 = tpu.memref_squeeze %dma_start3A_188 : memref<1x128xi32, #tpu.memory_space<vmem>> -> memref<128xi32, #tpu.memory_space<vmem>>
        %dma_start3A_190 = arith.constant 0 : i32
        %dma_start3A_191 = arith.constant 0 : i32
        %dma_start3A_192 = tpu.memref_slice %arg2[%dma_start3A_190, %dma_start3A_191] : memref<10240x8xf32, #tpu.memory_space<hbm>> -> memref<10240x8xf32, #tpu.memory_space<hbm>>
        tpu.enqueue_indirect_dma source(%dma_start3A_192 : memref<10240x8xf32, #tpu.memory_space<hbm>>) target(%arg16 : memref<128x8xf32, #tpu.memory_space<vmem>>) offsets(%dma_start3A_189 : memref<128xi32, #tpu.memory_space<vmem>>) semaphore(%arg25 : memref<!tpu.dma_semaphore, #tpu.memory_space<semaphore_mem>>)
      } else {
      }
    }
    %scan3A_59 = arith.constant 10 : i32
    %barrier3A_60 = arith.constant 0 : index
    tpu.barrier barrier_id(%barrier3A_60)
    %mul3A_61 = arith.constant 640 : i32
    %mul3A_62 = arith.muli %arg1, %mul3A_61 : i32
    %mul3A_63 = arith.constant 640 : i32
    %mul3A_64 = arith.muli %arg1, %mul3A_63 : i32
    "tpu.region"() ({
      %run_scoped3A = tpu.sem_alloc : memref<!tpu.dma_semaphore, #tpu.memory_space<semaphore_mem>>
      %dma_start3A_65 = arith.constant 0 : i32
      %dma_start3A_66 = tpu.memref_slice %arg6[%arg0, %mul3A_64, %dma_start3A_65] : memref<2x10240x8xf32, #tpu.memory_space<hbm>> -> memref<1x640x8xf32, #tpu.memory_space<hbm>>
      %dma_start3A_67 = tpu.memref_squeeze %dma_start3A_66 : memref<1x640x8xf32, #tpu.memory_space<hbm>> -> memref<640x8xf32, #tpu.memory_space<hbm>>
      %dma_start3A_68 = arith.constant 0 : i32
      %dma_start3A_69 = tpu.memref_slice %arg17[%mul3A_62, %dma_start3A_68] : memref<10240x8xf32, #tpu.memory_space<vmem_shared>> -> memref<640x8xf32, #tpu.memory_space<vmem_shared>>
      tpu.enqueue_dma source(%dma_start3A_69 : memref<640x8xf32, #tpu.memory_space<vmem_shared>>) target(%dma_start3A_67 : memref<640x8xf32, #tpu.memory_space<hbm>>) target_semaphore(%run_scoped3A : memref<!tpu.dma_semaphore, #tpu.memory_space<semaphore_mem>>)
      %dma_wait3A = arith.constant 0 : i32
      %dma_wait3A_70 = tpu.memref_slice %arg6[%arg0, %mul3A_64, %dma_wait3A] : memref<2x10240x8xf32, #tpu.memory_space<hbm>> -> memref<1x640x8xf32, #tpu.memory_space<hbm>>
      %dma_wait3A_71 = tpu.memref_squeeze %dma_wait3A_70 : memref<1x640x8xf32, #tpu.memory_space<hbm>> -> memref<640x8xf32, #tpu.memory_space<hbm>>
      %dma_wait3A_72 = arith.constant 0 : i32
      %dma_wait3A_73 = tpu.memref_slice %arg17[%mul3A_62, %dma_wait3A_72] : memref<10240x8xf32, #tpu.memory_space<vmem_shared>> -> memref<640x8xf32, #tpu.memory_space<vmem_shared>>
      tpu.wait_dma2 semaphore(%run_scoped3A : memref<!tpu.dma_semaphore, #tpu.memory_space<semaphore_mem>>) src(%dma_wait3A_73 : memref<640x8xf32, #tpu.memory_space<vmem_shared>>) dst(%dma_wait3A_71 : memref<640x8xf32, #tpu.memory_space<hbm>>)
      tpu.yield
    }) : () -> ()
    return
  }
}

module attributes {stable_mosaic.version = 14 : i64} {
  func.func @body(%arg0: i32, %arg1: memref<1024x128xf32, #tpu.memory_space<vmem>>, %arg2: memref<128x16xf32, #tpu.memory_space<vmem>>, %arg3: memref<1024x16xf32, #tpu.memory_space<vmem>>) attributes {dimension_semantics = [#tpu.dimension_semantics<arbitrary>], iteration_bounds = array<i64: 10>, scalar_prefetch = 0 : i64, scratch_operands = 0 : i64, tpu.core_type = #tpu.core_type<tc>, window_params = [{transform_indices = @transform_0, window_bounds = array<i64: 1024, 128>}, {pipeline_mode = #tpu.pipeline_mode<synchronous>, transform_indices = @transform_1, window_bounds = array<i64: 128, 16>}, {transform_indices = @transform_2, window_bounds = array<i64: 1024, 16>}]} {
    %get3A = arith.constant 0 : index
    %get3A_0 = arith.constant 0 : index
    %get3A_1 = vector.load %arg1[%get3A, %get3A_0] : memref<1024x128xf32, #tpu.memory_space<vmem>>, vector<1024x128xf32>
    %get3A_2 = arith.constant 0 : index
    %get3A_3 = arith.constant 0 : index
    %get3A_4 = vector.load %arg2[%get3A_2, %get3A_3] : memref<128x16xf32, #tpu.memory_space<vmem>>, vector<128x16xf32>
    %dot_general3A = arith.constant dense<0.000000e+00> : vector<1024x16xf32>
    %dot_general3A_5 = tpu.matmul %get3A_1, %get3A_4, %dot_general3A {dimension_numbers = #tpu.dot_dimension_numbers<[1], [0], [0], [1], [0, 0, 1, 1], [], []>, transpose_lhs_hint = false} : vector<1024x128xf32>, vector<128x16xf32>, vector<1024x16xf32> -> vector<1024x16xf32>
    %swap3A = arith.constant 0 : index
    %swap3A_6 = arith.constant 0 : index
    %swap3A_7 = vector.load %arg3[%swap3A, %swap3A_6] : memref<1024x16xf32, #tpu.memory_space<vmem>>, vector<1024x16xf32>
    tpu.vector_store %arg3[%swap3A, %swap3A_6], %dot_general3A_5 {strides = array<i32>} : memref<1024x16xf32, #tpu.memory_space<vmem>>, vector<1024x16xf32>,
    return
  }
  func.func @transform_0(%arg0: i32) -> (i32, i32) {
    %c0_i32 = arith.constant 0 : i32
    %c0_i32_0 = arith.constant 0 : i32
    return %arg0, %c0_i32 : i32, i32
  }
  func.func @transform_1(%arg0: i32) -> (i32, i32) {
    %c0_i32 = arith.constant 0 : i32
    %c0_i32_0 = arith.constant 0 : i32
    %c0_i32_1 = arith.constant 0 : i32
    return %c0_i32, %c0_i32_0 : i32, i32
  }
  func.func @transform_2(%arg0: i32) -> (i32, i32) {
    %c0_i32 = arith.constant 0 : i32
    %c0_i32_0 = arith.constant 0 : i32
    return %arg0, %c0_i32 : i32, i32
  }
}

module attributes {stable_mosaic.version = 14 : i64} {
  func.func @body(%arg0: i32, %arg1: memref<2x1024x1xf32, #tpu.memory_space<vmem>>, %arg2: memref<1024x16xf32, #tpu.memory_space<vmem>>, %arg3: memref<1024x1xf32, #tpu.memory_space<vmem>>, %arg4: memref<1024x16xf32, #tpu.memory_space<vmem>>) attributes {dimension_semantics = [#tpu.dimension_semantics<arbitrary>], iteration_bounds = array<i64: 10>, scalar_prefetch = 0 : i64, scratch_operands = 0 : i64, tpu.core_type = #tpu.core_type<tc>, window_params = [{transform_indices = @transform_0, window_bounds = array<i64: 2, 1024, 1>}, {transform_indices = @transform_1, window_bounds = array<i64: 1024, 16>}, {transform_indices = @transform_2, window_bounds = array<i64: 1024, 1>}, {transform_indices = @transform_3, window_bounds = array<i64: 1024, 16>}]} {
    %get3A = arith.constant 0 : index
    %get3A_0 = arith.constant 0 : index
    %get3A_1 = arith.constant 0 : index
    %get3A_2 = vector.load %arg1[%get3A, %get3A_0, %get3A_1] : memref<2x1024x1xf32, #tpu.memory_space<vmem>>, vector<1x1024x1xf32>
    %get3A_3 = vector.shape_cast %get3A_2 : vector<1x1024x1xf32> to vector<1024x1xf32>
    %get3A_4 = arith.constant 1 : index
    %get3A_5 = arith.constant 0 : index
    %get3A_6 = arith.constant 0 : index
    %get3A_7 = vector.load %arg1[%get3A_4, %get3A_5, %get3A_6] : memref<2x1024x1xf32, #tpu.memory_space<vmem>>, vector<1x1024x1xf32>
    %get3A_8 = vector.shape_cast %get3A_7 : vector<1x1024x1xf32> to vector<1024x1xf32>
    %add3A = arith.addf %get3A_3, %get3A_8 : vector<1024x1xf32>
    %add3A_9 = arith.constant 1.000000e+00 : f32
    %add3A_10 = vector.broadcast %add3A_9 : f32 to vector<1024x1xf32>
    %add3A_11 = arith.addf %add3A, %add3A_10 : vector<1024x1xf32>
    %rsqrt3A = math.rsqrt %add3A_11 : vector<1024x1xf32>
    %swap3A = arith.constant 0 : index
    %swap3A_12 = arith.constant 0 : index
    %swap3A_13 = vector.load %arg3[%swap3A, %swap3A_12] : memref<1024x1xf32, #tpu.memory_space<vmem>>, vector<1024x1xf32>
    tpu.vector_store %arg3[%swap3A, %swap3A_12], %rsqrt3A {strides = array<i32>} : memref<1024x1xf32, #tpu.memory_space<vmem>>, vector<1024x1xf32>,
    %get3A_14 = arith.constant 0 : index
    %get3A_15 = arith.constant 0 : index
    %get3A_16 = vector.load %arg2[%get3A_14, %get3A_15] : memref<1024x16xf32, #tpu.memory_space<vmem>>, vector<1024x16xf32>
    %mul3A = vector.broadcast %rsqrt3A : vector<1024x1xf32> to vector<1024x16xf32>
    %mul3A_17 = arith.mulf %get3A_16, %mul3A : vector<1024x16xf32>
    %swap3A_18 = arith.constant 0 : index
    %swap3A_19 = arith.constant 0 : index
    %swap3A_20 = vector.load %arg4[%swap3A_18, %swap3A_19] : memref<1024x16xf32, #tpu.memory_space<vmem>>, vector<1024x16xf32>
    tpu.vector_store %arg4[%swap3A_18, %swap3A_19], %mul3A_17 {strides = array<i32>} : memref<1024x16xf32, #tpu.memory_space<vmem>>, vector<1024x16xf32>,
    return
  }
  func.func @transform_0(%arg0: i32) -> (i32, i32, i32) {
    %c0_i32 = arith.constant 0 : i32
    %c0_i32_0 = arith.constant 0 : i32
    %c0_i32_1 = arith.constant 0 : i32
    return %c0_i32, %arg0, %c0_i32_0 : i32, i32, i32
  }
  func.func @transform_1(%arg0: i32) -> (i32, i32) {
    %c0_i32 = arith.constant 0 : i32
    %c0_i32_0 = arith.constant 0 : i32
    return %arg0, %c0_i32 : i32, i32
  }
  func.func @transform_2(%arg0: i32) -> (i32, i32) {
    %c0_i32 = arith.constant 0 : i32
    %c0_i32_0 = arith.constant 0 : i32
    return %arg0, %c0_i32 : i32, i32
  }
  func.func @transform_3(%arg0: i32) -> (i32, i32) {
    %c0_i32 = arith.constant 0 : i32
    %c0_i32_0 = arith.constant 0 : i32
    return %arg0, %c0_i32 : i32, i32
  }
}

module attributes {stable_mosaic.version = 14 : i64} {
  func.func @body(%arg0: i32, %arg1: memref<2x1024x16xf32, #tpu.memory_space<vmem>>, %arg2: memref<1024x16xf32, #tpu.memory_space<vmem>>, %arg3: memref<1024x1xf32, #tpu.memory_space<vmem>>, %arg4: memref<16x8xf32, #tpu.memory_space<vmem>>, %arg5: memref<1x16xf32, #tpu.memory_space<vmem>>, %arg6: memref<1024x8xf32, #tpu.memory_space<vmem>>) attributes {dimension_semantics = [#tpu.dimension_semantics<arbitrary>], iteration_bounds = array<i64: 10>, scalar_prefetch = 0 : i64, scratch_operands = 0 : i64, tpu.core_type = #tpu.core_type<tc>, window_params = [{transform_indices = @transform_0, window_bounds = array<i64: 2, 1024, 16>}, {transform_indices = @transform_1, window_bounds = array<i64: 1024, 16>}, {transform_indices = @transform_2, window_bounds = array<i64: 1024, 1>}, {pipeline_mode = #tpu.pipeline_mode<synchronous>, transform_indices = @transform_3, window_bounds = array<i64: 16, 8>}, {pipeline_mode = #tpu.pipeline_mode<synchronous>, transform_indices = @transform_4, window_bounds = array<i64: 1, 16>}, {transform_indices = @transform_5, window_bounds = array<i64: 1024, 8>}]} {
    %get3A = arith.constant 0 : index
    %get3A_0 = arith.constant 0 : index
    %get3A_1 = arith.constant 0 : index
    %get3A_2 = vector.load %arg1[%get3A, %get3A_0, %get3A_1] : memref<2x1024x16xf32, #tpu.memory_space<vmem>>, vector<1x1024x16xf32>
    %get3A_3 = vector.shape_cast %get3A_2 : vector<1x1024x16xf32> to vector<1024x16xf32>
    %get3A_4 = arith.constant 1 : index
    %get3A_5 = arith.constant 0 : index
    %get3A_6 = arith.constant 0 : index
    %get3A_7 = vector.load %arg1[%get3A_4, %get3A_5, %get3A_6] : memref<2x1024x16xf32, #tpu.memory_space<vmem>>, vector<1x1024x16xf32>
    %get3A_8 = vector.shape_cast %get3A_7 : vector<1x1024x16xf32> to vector<1024x16xf32>
    %add3A = arith.addf %get3A_3, %get3A_8 : vector<1024x16xf32>
    %get3A_9 = arith.constant 0 : index
    %get3A_10 = arith.constant 0 : index
    %get3A_11 = vector.load %arg2[%get3A_9, %get3A_10] : memref<1024x16xf32, #tpu.memory_space<vmem>>, vector<1024x16xf32>
    %add3A_12 = arith.addf %add3A, %get3A_11 : vector<1024x16xf32>
    %get3A_13 = arith.constant 0 : index
    %get3A_14 = arith.constant 0 : index
    %get3A_15 = vector.load %arg3[%get3A_13, %get3A_14] : memref<1024x1xf32, #tpu.memory_space<vmem>>, vector<1024x1xf32>
    %mul3A = vector.broadcast %get3A_15 : vector<1024x1xf32> to vector<1024x16xf32>
    %mul3A_16 = arith.mulf %add3A_12, %mul3A : vector<1024x16xf32>
    %get3A_17 = arith.constant 0 : index
    %get3A_18 = arith.constant 0 : index
    %get3A_19 = vector.load %arg5[%get3A_17, %get3A_18] : memref<1x16xf32, #tpu.memory_space<vmem>>, vector<1x16xf32>
    %add3A_20 = vector.broadcast %get3A_19 : vector<1x16xf32> to vector<1024x16xf32>
    %add3A_21 = arith.addf %mul3A_16, %add3A_20 : vector<1024x16xf32>
    %max3A = arith.constant 0.000000e+00 : f32
    %max3A_22 = vector.broadcast %max3A : f32 to vector<1024x16xf32>
    %max3A_23 = arith.maximumf %add3A_21, %max3A_22 : vector<1024x16xf32>
    %get3A_24 = arith.constant 0 : index
    %get3A_25 = arith.constant 0 : index
    %get3A_26 = vector.load %arg4[%get3A_24, %get3A_25] : memref<16x8xf32, #tpu.memory_space<vmem>>, vector<16x8xf32>
    %dot_general3A = arith.constant dense<0.000000e+00> : vector<1024x8xf32>
    %dot_general3A_27 = tpu.matmul %max3A_23, %get3A_26, %dot_general3A {dimension_numbers = #tpu.dot_dimension_numbers<[1], [0], [0], [1], [0, 0, 1, 1], [], []>, transpose_lhs_hint = false} : vector<1024x16xf32>, vector<16x8xf32>, vector<1024x8xf32> -> vector<1024x8xf32>
    %get3A_28 = arith.constant 0 : index
    %get3A_29 = arith.constant 0 : index
    %get3A_30 = vector.load %arg3[%get3A_28, %get3A_29] : memref<1024x1xf32, #tpu.memory_space<vmem>>, vector<1024x1xf32>
    %mul3A_31 = vector.broadcast %get3A_30 : vector<1024x1xf32> to vector<1024x8xf32>
    %mul3A_32 = arith.mulf %dot_general3A_27, %mul3A_31 : vector<1024x8xf32>
    %swap3A = arith.constant 0 : index
    %swap3A_33 = arith.constant 0 : index
    %swap3A_34 = vector.load %arg6[%swap3A, %swap3A_33] : memref<1024x8xf32, #tpu.memory_space<vmem>>, vector<1024x8xf32>
    tpu.vector_store %arg6[%swap3A, %swap3A_33], %mul3A_32 {strides = array<i32>} : memref<1024x8xf32, #tpu.memory_space<vmem>>, vector<1024x8xf32>,
    return
  }
  func.func @transform_0(%arg0: i32) -> (i32, i32, i32) {
    %c0_i32 = arith.constant 0 : i32
    %c0_i32_0 = arith.constant 0 : i32
    %c0_i32_1 = arith.constant 0 : i32
    return %c0_i32, %arg0, %c0_i32_0 : i32, i32, i32
  }
  func.func @transform_1(%arg0: i32) -> (i32, i32) {
    %c0_i32 = arith.constant 0 : i32
    %c0_i32_0 = arith.constant 0 : i32
    return %arg0, %c0_i32 : i32, i32
  }
  func.func @transform_2(%arg0: i32) -> (i32, i32) {
    %c0_i32 = arith.constant 0 : i32
    %c0_i32_0 = arith.constant 0 : i32
    return %arg0, %c0_i32 : i32, i32
  }
  func.func @transform_3(%arg0: i32) -> (i32, i32) {
    %c0_i32 = arith.constant 0 : i32
    %c0_i32_0 = arith.constant 0 : i32
    %c0_i32_1 = arith.constant 0 : i32
    return %c0_i32, %c0_i32_0 : i32, i32
  }
  func.func @transform_4(%arg0: i32) -> (i32, i32) {
    %c0_i32 = arith.constant 0 : i32
    %c0_i32_0 = arith.constant 0 : i32
    %c0_i32_1 = arith.constant 0 : i32
    return %c0_i32, %c0_i32_0 : i32, i32
  }
  func.func @transform_5(%arg0: i32) -> (i32, i32) {
    %c0_i32 = arith.constant 0 : i32
    %c0_i32_0 = arith.constant 0 : i32
    return %arg0, %c0_i32 : i32, i32
  }
}

module attributes {stable_mosaic.version = 14 : i64} {
  func.func @body(%arg0: i32, %arg1: memref<2x1024x8xf32, #tpu.memory_space<vmem>>, %arg2: memref<1024x8xf32, #tpu.memory_space<vmem>>, %arg3: memref<1024x1xf32, #tpu.memory_space<vmem>>, %arg4: memref<8x1xf32, #tpu.memory_space<vmem>>, %arg5: memref<1x8xf32, #tpu.memory_space<vmem>>, %arg6: memref<1x1xf32, #tpu.memory_space<vmem>>, %arg7: memref<1024x1xf32, #tpu.memory_space<vmem>>) attributes {dimension_semantics = [#tpu.dimension_semantics<arbitrary>], iteration_bounds = array<i64: 10>, scalar_prefetch = 0 : i64, scratch_operands = 0 : i64, tpu.core_type = #tpu.core_type<tc>, window_params = [{transform_indices = @transform_0, window_bounds = array<i64: 2, 1024, 8>}, {transform_indices = @transform_1, window_bounds = array<i64: 1024, 8>}, {transform_indices = @transform_2, window_bounds = array<i64: 1024, 1>}, {pipeline_mode = #tpu.pipeline_mode<synchronous>, transform_indices = @transform_3, window_bounds = array<i64: 8, 1>}, {pipeline_mode = #tpu.pipeline_mode<synchronous>, transform_indices = @transform_4, window_bounds = array<i64: 1, 8>}, {pipeline_mode = #tpu.pipeline_mode<synchronous>, transform_indices = @transform_5, window_bounds = array<i64: 1, 1>}, {transform_indices = @transform_6, window_bounds = array<i64: 1024, 1>}]} {
    %get3A = arith.constant 0 : index
    %get3A_0 = arith.constant 0 : index
    %get3A_1 = arith.constant 0 : index
    %get3A_2 = vector.load %arg1[%get3A, %get3A_0, %get3A_1] : memref<2x1024x8xf32, #tpu.memory_space<vmem>>, vector<1x1024x8xf32>
    %get3A_3 = vector.shape_cast %get3A_2 : vector<1x1024x8xf32> to vector<1024x8xf32>
    %get3A_4 = arith.constant 1 : index
    %get3A_5 = arith.constant 0 : index
    %get3A_6 = arith.constant 0 : index
    %get3A_7 = vector.load %arg1[%get3A_4, %get3A_5, %get3A_6] : memref<2x1024x8xf32, #tpu.memory_space<vmem>>, vector<1x1024x8xf32>
    %get3A_8 = vector.shape_cast %get3A_7 : vector<1x1024x8xf32> to vector<1024x8xf32>
    %add3A = arith.addf %get3A_3, %get3A_8 : vector<1024x8xf32>
    %get3A_9 = arith.constant 0 : index
    %get3A_10 = arith.constant 0 : index
    %get3A_11 = vector.load %arg2[%get3A_9, %get3A_10] : memref<1024x8xf32, #tpu.memory_space<vmem>>, vector<1024x8xf32>
    %add3A_12 = arith.addf %add3A, %get3A_11 : vector<1024x8xf32>
    %get3A_13 = arith.constant 0 : index
    %get3A_14 = arith.constant 0 : index
    %get3A_15 = vector.load %arg3[%get3A_13, %get3A_14] : memref<1024x1xf32, #tpu.memory_space<vmem>>, vector<1024x1xf32>
    %mul3A = vector.broadcast %get3A_15 : vector<1024x1xf32> to vector<1024x8xf32>
    %mul3A_16 = arith.mulf %add3A_12, %mul3A : vector<1024x8xf32>
    %get3A_17 = arith.constant 0 : index
    %get3A_18 = arith.constant 0 : index
    %get3A_19 = vector.load %arg5[%get3A_17, %get3A_18] : memref<1x8xf32, #tpu.memory_space<vmem>>, vector<1x8xf32>
    %add3A_20 = vector.broadcast %get3A_19 : vector<1x8xf32> to vector<1024x8xf32>
    %add3A_21 = arith.addf %mul3A_16, %add3A_20 : vector<1024x8xf32>
    %max3A = arith.constant 0.000000e+00 : f32
    %max3A_22 = vector.broadcast %max3A : f32 to vector<1024x8xf32>
    %max3A_23 = arith.maximumf %add3A_21, %max3A_22 : vector<1024x8xf32>
    %get3A_24 = arith.constant 0 : index
    %get3A_25 = arith.constant 0 : index
    %get3A_26 = vector.load %arg4[%get3A_24, %get3A_25] : memref<8x1xf32, #tpu.memory_space<vmem>>, vector<8x1xf32>
    %dot_general3A = arith.constant dense<0.000000e+00> : vector<1024x1xf32>
    %dot_general3A_27 = tpu.matmul %max3A_23, %get3A_26, %dot_general3A {dimension_numbers = #tpu.dot_dimension_numbers<[1], [0], [0], [1], [0, 0, 1, 1], [], []>, transpose_lhs_hint = false} : vector<1024x8xf32>, vector<8x1xf32>, vector<1024x1xf32> -> vector<1024x1xf32>
    %get3A_28 = arith.constant 0 : index
    %get3A_29 = arith.constant 0 : index
    %get3A_30 = vector.load %arg6[%get3A_28, %get3A_29] : memref<1x1xf32, #tpu.memory_space<vmem>>, vector<1x1xf32>
    %add3A_31 = vector.broadcast %get3A_30 : vector<1x1xf32> to vector<1024x1xf32>
    %add3A_32 = arith.addf %dot_general3A_27, %add3A_31 : vector<1024x1xf32>
    %swap3A = arith.constant 0 : index
    %swap3A_33 = arith.constant 0 : index
    %swap3A_34 = vector.load %arg7[%swap3A, %swap3A_33] : memref<1024x1xf32, #tpu.memory_space<vmem>>, vector<1024x1xf32>
    tpu.vector_store %arg7[%swap3A, %swap3A_33], %add3A_32 {strides = array<i32>} : memref<1024x1xf32, #tpu.memory_space<vmem>>, vector<1024x1xf32>,
    return
  }
  func.func @transform_0(%arg0: i32) -> (i32, i32, i32) {
    %c0_i32 = arith.constant 0 : i32
    %c0_i32_0 = arith.constant 0 : i32
    %c0_i32_1 = arith.constant 0 : i32
    return %c0_i32, %arg0, %c0_i32_0 : i32, i32, i32
  }
  func.func @transform_1(%arg0: i32) -> (i32, i32) {
    %c0_i32 = arith.constant 0 : i32
    %c0_i32_0 = arith.constant 0 : i32
    return %arg0, %c0_i32 : i32, i32
  }
  func.func @transform_2(%arg0: i32) -> (i32, i32) {
    %c0_i32 = arith.constant 0 : i32
    %c0_i32_0 = arith.constant 0 : i32
    return %arg0, %c0_i32 : i32, i32
  }
  func.func @transform_3(%arg0: i32) -> (i32, i32) {
    %c0_i32 = arith.constant 0 : i32
    %c0_i32_0 = arith.constant 0 : i32
    %c0_i32_1 = arith.constant 0 : i32
    return %c0_i32, %c0_i32_0 : i32, i32
  }
  func.func @transform_4(%arg0: i32) -> (i32, i32) {
    %c0_i32 = arith.constant 0 : i32
    %c0_i32_0 = arith.constant 0 : i32
    %c0_i32_1 = arith.constant 0 : i32
    return %c0_i32, %c0_i32_0 : i32, i32
  }
  func.func @transform_5(%arg0: i32) -> (i32, i32) {
    %c0_i32 = arith.constant 0 : i32
    %c0_i32_0 = arith.constant 0 : i32
    %c0_i32_1 = arith.constant 0 : i32
    return %c0_i32, %c0_i32_0 : i32, i32
  }
  func.func @transform_6(%arg0: i32) -> (i32, i32) {
    %c0_i32 = arith.constant 0 : i32
    %c0_i32_0 = arith.constant 0 : i32
    return %arg0, %c0_i32 : i32, i32
  }
}

</mosaic_0001>

<sc_bundles>
// kernel: kernel.12.cloned.1.call-start
scs
__scs_entry_jumppad:
0x0: {  	(pc) =	sbr.rel $0x88, $3  }
0x1: {  	(tag) =	ssettag $0x0;
	lr =	simm.s32 $0x1  }
0x2: {  	[smem:$0x3F99] =	sst lr;
	_ =	strace $0xD0000000  }
0x3: {  	_ = 	snop  }
0x4: {  	_ = 	snop  }
0x5: {  	_ = 	snop  }
0x6: {  	_ = 	snop  }
0x7: {  	_ = 	snop  }
__scs_overlays_trampoline_lowered:
0x8: {  	[smem:$0x3FA8] =	sst s0  }
0x9: {  	[smem:$0x3FA9] =	sst s1  }
0xa: {  	[smem:$0x3FAA] =	sst s2  }
0xb: {  	[smem:$0x3FAB] =	sst s3  }
0xc: {  	[smem:$0x3FAC] =	sst s4  }
0xd: {  	[smem:$0x3FAD] =	sst s5  }
0xe: {  	[smem:$0x3FAE] =	sst s6  }
0xf: {  	[smem:$0x3FAF] =	sst s7  }
0x10: {  	[smem:$0x3FB0] =	sst s8  }
0x11: {  	[smem:$0x3FB1] =	sst s9;
	s0 =	simm.s32 @!p0 $0x0  }
0x12: {  	s1 =	sld [smem:$0x3F97];
	s0 =	simm.s32 @p0 $0x1  }
0x13: {  	[smem:$0x3FB2] =	sst s0;
	s0 =	simm.s32 @!p1 $0x0  }
0x14: {  	s2 =	sld [smem:$0x3F96];
	s0 =	simm.s32 @p1 $0x1  }
0x15: {  	[smem:$0x3FB3] =	sst s0;
	s0 =	simm.s32 @!p2 $0x0  }
0x16: {  	s3 =	sld [smem:$0x3FDB];
	s0 =	simm.s32 @p2 $0x1  }
0x17: {  	s4 =	simm.s32 $0x1BF5;
	[smem:$0x3FB5] =	sst s0  }
0x18: {  	s0 =	sld [smem:$0x3F98];
	_ =	swait.ge [sflag:s4], $0x0  }
0x19: {  	s7 =	sld [smem:$0x3F99]  }
0x1a: {  	s8 =	sadd.s32 $0xFFFFE003, lr  }
0x1b: {  	s9 =	sadd.s32 $0xFFFFFEF7, lr;
	s5 =	simm.s32 $0xFFFFFFFF;
	p2 =	slt.u32 s8, $0xFFFFF086  }
0x1c: {  	p1 =	slt.u32 s9, $0xF7A;
	s5 =	simm.s32 @!p2 $0x0  }
0x1d: {  	s5 =	simm.s32 @p1 $0x1;
	p0 =	seq.s32 s7, s2  }
0x1e: {  	s7 =	smul.u32 @!p0 $0xF7A, s2;
	p2 =	seq.s32 @!p0 s5, $0x0  }
0x1f: {  	s9 =	smul.u32 $0xF7A, s1;
	s8 =	simm.s32 @!p0 $0x1BF5;
	p2 =	por !p2, p0  }
0x20: {  	[sflag:s8] =	ssyncset.s32 @!p0 $0xFFFFF086;
	s6 =	sadd.s32 @!p0 s3, s7;
	s7 =	simm.s32 @!p0 $0x108  }
0x21: {  	s3 =	sadd.s32 s3, s9;
	s6 =	sadd.s32 @!p0 $0x88, s6;
	s7 =	simm.s32 @p2 $0x1082  }
0x22: {  	[simem:s7], [sflag:s8] =	dma.local @!p0 [hbm:s6], $0xF7A  }
0x23: {  	s9 =	sor.u32 $0xD0000000, s2;
	s6 =	simm.s32 $0x108;
	_ =	swait.ge @!p0 [sflag:s8], $0x0  }
0x24: {  	s3 =	sadd.s32 $0x88, s3;
	s6 =	simm.s32 @!p1 $0x1082;
	[sflag:s4] =	ssyncset.s32 $0xFFFFF086  }
0x25: {  	[simem:s6], [sflag:s4] =	dma.local [hbm:s3], $0xF7A  }
0x26: {  	[smem:$0x3F99] =	sst s1;
	(tag) =	ssettag s2;
	_ =	strace s9  }
0x27: {  	s1 =	sld [smem:$0x3FA9]  }
0x28: {  	s2 =	sld [smem:$0x3FAA]  }
0x29: {  	s4 =	sld [smem:$0x3FAC]  }
0x2a: {  	p0 =	seq.s32 s5, $0x0;
	s5 =	sld [smem:$0x3FAD]  }
0x2b: {  	s6 =	sld [smem:$0x3FAE]  }
0x2c: {  	s7 =	sld [smem:$0x3FAF]  }
0x2d: {  	s3 =	simm.s32 $0x108;
	s8 =	sld [smem:$0x3FB0]  }
0x2e: {  	s3 =	simm.s32 @!p0 $0x1082;
	s9 =	sld [smem:$0x3FB1]  }
0x2f: {  	lr =	sadd.s32 s0, s3;
	s0 =	sld [smem:$0x3FA8]  }
0x30: {  	s3 =	sld [smem:$0x3FAB]  }
0x31: {  	[smem:$0x3FB4] =	sst s10  }
0x32: {  	s10 =	sld [smem:$0x3FB2];
	_ =	sdelay $0x3  }
0x33: {  	p0 =	seq.s32 s10, $0x1;
	s10 =	sld [smem:$0x3FB4];
	_ =	sdelay $0x3  }
0x34: {  	[smem:$0x3FB4] =	sst s10  }
0x35: {  	s10 =	sld [smem:$0x3FB3];
	_ =	sdelay $0x3  }
0x36: {  	p1 =	seq.s32 s10, $0x1;
	s10 =	sld [smem:$0x3FB4];
	_ =	sdelay $0x3  }
0x37: {  	[smem:$0x3FB4] =	sst s10  }
0x38: {  	s10 =	sld [smem:$0x3FB5]  }
0x39: {  	_ = 	snop;
	(pc) =	sbr.ind lr, $3  }
0x3a: {  	_ = 	snop  }
0x3b: {  	_ = 	snop  }
0x3c: {  	p2 =	seq.s32 s10, $0x1;
	s10 =	sld [smem:$0x3FB4]  }
0x3d: {  	_ =	shalt  }
0x3e: {  	_ =	shalt  }
0x3f: {  	_ =	shalt  }
0x40: {  	_ =	shalt  }
0x41: {  	_ =	shalt  }
0x42: {  	_ =	shalt  }
0x43: {  	_ =	shalt  }
0x44: {  	_ =	shalt  }
0x45: {  	_ =	shalt  }
0x46: {  	_ =	shalt  }
0x47: {  	_ =	shalt  }
0x48: {  	_ =	shalt  }
0x49: {  	_ =	shalt  }
0x4a: {  	_ =	shalt  }
0x4b: {  	_ =	shalt  }
0x4c: {  	_ =	shalt  }
0x4d: {  	_ =	shalt  }
0x4e: {  	_ =	shalt  }
0x4f: {  	_ =	shalt  }
0x50: {  	_ =	shalt  }
0x51: {  	_ =	shalt  }
0x52: {  	_ =	shalt  }
0x53: {  	_ =	shalt  }
0x54: {  	_ =	shalt  }
0x55: {  	_ =	shalt  }
0x56: {  	_ =	shalt  }
0x57: {  	_ =	shalt  }
0x58: {  	_ =	shalt  }
0x59: {  	_ =	shalt  }
0x5a: {  	_ =	shalt  }
0x5b: {  	_ =	shalt  }
0x5c: {  	_ =	shalt  }
0x5d: {  	_ =	shalt  }
0x5e: {  	_ =	shalt  }
0x5f: {  	_ =	shalt  }
0x60: {  	_ =	shalt  }
0x61: {  	_ =	shalt  }
0x62: {  	_ =	shalt  }
0x63: {  	_ =	shalt  }
0x64: {  	_ =	shalt  }
0x65: {  	_ =	shalt  }
0x66: {  	_ =	shalt  }
0x67: {  	_ =	shalt  }
0x68: {  	_ =	shalt  }
0x69: {  	_ =	shalt  }
0x6a: {  	_ =	shalt  }
0x6b: {  	_ =	shalt  }
0x6c: {  	_ =	shalt  }
0x6d: {  	_ =	shalt  }
0x6e: {  	_ =	shalt  }
0x6f: {  	_ =	shalt  }
0x70: {  	_ =	shalt  }
0x71: {  	_ =	shalt  }
0x72: {  	_ =	shalt  }
0x73: {  	_ =	shalt  }
0x74: {  	_ =	shalt  }
0x75: {  	_ =	shalt  }
0x76: {  	_ =	shalt  }
0x77: {  	_ =	shalt  }
0x78: {  	_ =	shalt  }
0x79: {  	_ =	shalt  }
0x7a: {  	_ =	shalt  }
0x7b: {  	_ =	shalt  }
0x7c: {  	_ =	shalt  }
0x7d: {  	_ =	shalt  }
0x7e: {  	_ =	shalt  }
0x7f: {  	_ =	shalt  }
0x80: {  	_ =	shalt  }
0x81: {  	_ =	shalt  }
0x82: {  	_ =	shalt  }
0x83: {  	_ =	shalt  }
0x84: {  	_ =	shalt  }
0x85: {  	_ =	shalt  }
0x86: {  	_ =	shalt  }
0x87: {  	_ =	shalt  }
.Lfunc_end0:
.L_simem_size_0:
called_computation.1_lowered:
.L_overlay_start_0:
0x88: {  	s2 =	sld [smem:$0x3FD9]  }
0x89: {  	s3 =	sld [smem:$0x3FFE];
	_ =	sdelay $0x1  }
0x8a: {  	s1 =	srdreg.scid  }
0x8b: {  	s0 =	sand.u32 $0x1, s1  }
0x8c: {  	s16 =	sshll.u32 s0, $0xA;
	s2 =	sadd.s32 s3, s2  }
0x8d: {  	s2 =	sadd.s32 s2, s16  }
0x8e: {  	[smem:$0x3FC0] =	sst s2  }
0x8f: {  	_ = 	snop  }
0x90: {  	(tm) =	ssettm $0x1  }
0x91: {  	s17 =	sld [smem:$0x3FFB];
	_ =	sdelay $0x3  }
0x92: {  	_ =	strace s17  }
0x93: {  	s2 =	sld [smem:$0x3FFC];
	_ =	sdelay $0x3  }
0x94: {  	_ =	strace s2  }
0x95: {  	s2 =	sld [smem:$0x3FFD];
	_ =	sdelay $0x3  }
0x96: {  	_ =	strace s2  }
0x97: {  	_ =	strace $0x8FFFFFFF  }
0x98: {  	s18 =	sld [smem:$0x3FDB];
	_ =	sdelay $0x1  }
0x99: {  	s19 =	simm.s32 $_scs_section_size  }
0x9a: {  	s4 =	simm.s32 $_size__tile_overlayer_lowered;
	s5 =	simm.s32 $_tile_overlayer_lowered  }
0x9b: {  	s22 =	simm.s32 $0x1BFF;
	s21 =	sshll.u32 s5, $0x1;
	s2 =	sadd.s32 s19, s18  }
0x9c: {  	s6 =	simm.s32 $0x0;
	s20 =	sshll.u32 s4, $0x1;
	s4 =	sadd.s32 s21, s2  }
0x9d: {  	[timem:s6], [sflag:s22] =	dma.local [hbm:s4], s20  }
0x9e: {  	_ =	swait.ge [sflag:s22], s20  }
0x9f: {  	s3 =	ssub.s32 $0x0, s20;
	[sflag:s22] =	ssyncset.done $0x0  }
0xa0: {  	[sflag:s22] =	ssyncadd.s32 s3;
	_ =	sdelay $0x1  }
0xa1: {  	s23 =	simm.s32 $0x1B8B  }
0xa2: {  	_ =	swait.ge [sflag:s23], $0x1  }
0xa3: {  	[sflag:s23] =	ssyncset.done $0x0  }
0xa4: {  	s25 =	simm.s32 $0x1B8E;
	s24 =	sld [smem:$0x3FFE];
	[sflag:s23] =	ssyncadd.s32 $0xFFFFFFFF  }
0xa5: {  	s26 =	simm.s32 $execute0_lowered;
	[smem:$0x3FD2] =	sst s25  }
0xa6: {  	s4 =	sshll.u32 s26, $0x1;
	_ =	strace $0x80000049;
	[dreg:$0x1] =	wrdreg $0xFFFFFFFF  }
0xa7: {  	s28 =	simm.s32 $_size_execute0_lowered;
	s2 =	sadd.s32 s2, s4;
	[dreg:$0x0] =	wrdreg $0x0  }
0xa8: {  	s4 =	sshll.u32 s28, $0x1;
	[dreg:$0x2] =	wrdreg s2  }
0xa9: {  	[dreg:$0x3] =	wrdreg s4  }
0xaa: {  	[dreg:$0x4] =	wrdreg $0xC0  }
0xab: {  	_ =	task [dreg:s6], $0x5FFFF  }
0xac: {  	[dreg:$0x1] =	wrdreg $0xFFFFFFFF  }
0xad: {  	[dreg:$0x0] =	wrdreg $0x60  }
0xae: {  	[dreg:$0x2] =	wrdreg s24  }
0xaf: {  	[dreg:$0x3] =	wrdreg $0x90000  }
0xb0: {  	[dreg:$0x4] =	wrdreg $0x9  }
0xb1: {  	_ =	task.clear_ibuf [dreg:s6], $0x5FFFF;
	_ =	strace $0x90000049  }
0xb2: {  	s29 =	simm.s32 $0x9;
	_ =	strace $0x8000004B  }
0xb3: {  	_ =	swait.ge [sflag:s29], $0x1  }
0xb4: {  	[sflag:s29] =	ssyncadd.s32 $0xFFFFFFFF  }
0xb5: {  	_ =	strace $0x9000004B  }
0xb6: {  	_ =	sfence  }
0xb7: {  	s30 =	sld [smem:$0x0];
	_ =	sdelay $0x2  }
0xb8: {  	s31 =	sshll.u32 s1, $0xD;
	s1 =	sshrl.u32 s1, $0x2  }
0xb9: {  	s3 =	sand.u32 $0x4000, s31;
	s1 =	sadd.s32 s1, s30  }
0xba: {  	s0 =	sor.u32 s3, s0;
	s1 =	sshll.u32 s1, $0x11  }
0xbb: {  	s0 =	sor.u32 s1, s0  }
0xbc: {  	s0 =	sadd.s32 $0x8F2B, s0  }
0xbd: {  	[sflag:s0] =	ssyncadd.remote.s32 $0x1  }
0xbe: {  	_ =	sfence.sel $0xFFFF  }
0xbf: {  	[dreg:$0x0] =	wrdreg $0xFFFFFFFF;
	(pc) =	sbr.abs _section_cstart, $3  }
0xc0: {  	[dreg:$0x1] =	wrdreg $0xFFFFFFFF  }
0xc1: {  	_ =	task.clear_ibuf [dreg:s6], $0x2FFFF;
	_ =	strace $0x9FFFFFFF  }
0xc2: {  	(tm) =	ssettm $0x7FFFFFFF  }
0xc3: {  	_ =	shalt  }
tec
execute0_lowered:
.L_overlay_start_1:
0x0: {  	(tag) =	ssettag $0x1  }
0x1: {  	s0 =	rddreg [dreg:$0x0]  }
0x2: {  	s2 =	rddreg [dreg:$0x1];
	s1 =	srdreg.scid  }
0x3: {  	s9 =	stileid.u32;
	s3 =	simm.s32 $0x0;
	s12 =	simm.s32 $0x9  }
0x4: {  	s14 =	simm.s32 $0x80;
	s15 =	simm.s32 $0x5000;
	s18 =	simm.s32 $0x6000  }
0x5: {  	s22 =	simm.s32 $0x7000;
	s29 =	simm.s32 $0x8800;
	s30 =	simm.s32 $0x1  }
0x6: {  	s31 =	simm.s32 $0x3;
	s13 =	simm.s32 $0x8;
	s16 =	simm.s32 $0x0  }
0x7: {  	s1 =	sand.u32 $0x1, s1;
	s6 =	smul.u32 $0x2800, s9;
	[smem:$0x7FF] =	sst s3  }
0x8: {  	s4 =	sadd.s32 $0xBA00, s0;
	s25 =	sadd.s32 $0x1AA00, s0;
	s26 =	sshll.u32 s9, $0x6  }
0x9: {  	s5 =	smul.u32 $0x28000, s1;
	_ =	strace $0x8000004A;
	s1 =	ssub.s32 $0x2, s1  }
0xa: {  	[dreg:$0x3] =	wrdreg s25;
	s8 =	sshrl.u32 s1, $0x1;
	s11 =	sadd.s32 s6, s2  }
.Ltmp0:
0xb: {  	s7 =	sadd.s32 s6, s5;
	s1 =	ssub.s32 s1, s8;
	(pc) =	sbr.rel .LBB2_1-.Ltmp0, $4  }
0xc: {  	s6 =	sor.u32 $0x1C09, s26;
	s11 =	sshrl.u32 s11, $0x3;
	s7 =	sshrl.u32 s7, $0x3  }
0xd: {  	s26 =	simm.s32 $0x8000;
	s10 =	smax.u32 s1, $0x1;
	s0 =	sadd.s32 s7, s0  }
0xe: {  	s1 =	simm.s32 $0x7;
	s28 =	sadd.s32 $0x10A00, s0;
	s8 =	sadd.s32 $0x1A00, s0  }
0xf: {  	s9 =	sadd.s32 $0x1B000, s0;
	s0 =	simm.s32 $0x5;
	[dreg:$0x4] =	wrdreg s28  }
.LBB2_4:
0x10: {  	_ =	swait.ge [sflag:s13], $0x800  }
0x11: {  	[sflag:s13] =	ssyncset.done $0x0  }
0x12: {  	[sflag:s13] =	ssyncadd.s32 $0xFFFFF800  }
0x13: {  	[spmem:s2] =	stream.indirect.scatter.add.f32 [tilespmem:s29], [sflag:$0x9], $0x10, s20, s14, $0xb8;
	[tilespmem:$0xB800] =	vst v63  }
0x14: {  	_ =	swait.ge [sflag:s12], $0x800  }
0x15: {  	s16 =	sadd.s32 $0x1, s16;
	[sflag:s12] =	ssyncset.done $0x0  }
0x16: {  	p0 =	sne.s32 s16, s10;
	[sflag:s12] =	ssyncadd.s32 $0xFFFFF800  }
.Ltmp1:
0x17: {  	[bflag:$0x0] =	sbarrier.arrive $0xFFFF;
	(pc) =	sbr.rel @!p0 .LBB2_5-.Ltmp1, $4  }
0x18: {  	[hbm:s9], [sflag:s6] =	dma.local [spmem:s11], $0x500  }
0x19: {  	_ =	swait.ge [sflag:s12], $0x500  }
0x1a: {  	[sflag:s12] =	ssyncset.done $0x0  }
0x1b: {  	[sflag:s12] =	ssyncadd.s32 $0xFFFFFB00  }
.LBB2_1:
0x1c: {  	s5 =	rddreg [dreg:$0x3]  }
0x1d: {  	[spmem:s11], [sflag:s6] =	dma.local [hbm:s5], $0x500  }
0x1e: {  	_ =	swait.ge [sflag:s12], $0x500  }
0x1f: {  	[sflag:s12] =	ssyncset.done $0x0  }
0x20: {  	s28 =	rddreg [dreg:$0x4];
	[sflag:s12] =	ssyncadd.s32 $0xFFFFFB00  }
0x21: {  	[tilespmem:s3], [sflag:$0x9] =	stream.linear.gather [hbm4b:s28+s3], $0x2800, $0x38;
	[tilespmem:$0xB800] =	vst v63  }
0x22: {  	_ =	swait.ge [sflag:s12], $0x2800  }
0x23: {  	[sflag:s12] =	ssyncset.done $0x0  }
0x24: {  	s7 =	simm.s32 $0x2800;
	[sflag:s12] =	ssyncadd.s32 $0xFFFFD800  }
0x25: {  	[tilespmem:s7], [sflag:$0x9] =	stream.linear.gather [hbm4b:s8+s3], $0x2800, $0x38;
	[tilespmem:$0xB800] =	vst v63  }
0x26: {  	_ =	swait.ge [sflag:s12], $0x2800  }
0x27: {  	[sflag:s12] =	ssyncset.done $0x0  }
0x28: {  	[sflag:s12] =	ssyncadd.s32 $0xFFFFD800  }
0x29: {  	[bflag:$0x0] =	sbarrier.arrive $0xFFFF  }
0x2a: {  	[tilespmem:s15], [sflag:$0x1] =	stream.indirect.gather [hbm4b:s4+s14], $0x10, s3, s14, $0xb8;
	[tilespmem:$0xB800] =	vst v63  }
0x2b: {  	s17 =	simm.s32 $0x5800  }
0x2c: {  	[tilespmem:s17], [sflag:$0x2] =	stream.indirect.gather [hbm4b:s4+s14], $0x10, s14, s14, $0xb8;
	[tilespmem:$0xB800] =	vst v63  }
0x2d: {  	s19 =	simm.s32 $0x100  }
0x2e: {  	[tilespmem:s18], [sflag:$0x3] =	stream.indirect.gather [hbm4b:s4+s14], $0x10, s19, s14, $0xb8;
	[tilespmem:$0xB800] =	vst v63  }
0x2f: {  	s20 =	simm.s32 $0x180;
	s7 =	simm.s32 $0x6800  }
0x30: {  	[tilespmem:s7], [sflag:$0x4] =	stream.indirect.gather [hbm4b:s4+s14], $0x10, s20, s14, $0xb8;
	[tilespmem:$0xB800] =	vst v63  }
0x31: {  	s21 =	simm.s32 $0x200  }
0x32: {  	[tilespmem:s22], [sflag:$0x5] =	stream.indirect.gather [hbm4b:s4+s14], $0x10, s21, s14, $0xb8;
	[tilespmem:$0xB800] =	vst v63  }
0x33: {  	s23 =	simm.s32 $0x280;
	s24 =	simm.s32 $0x7800  }
0x34: {  	[tilespmem:s24], [sflag:$0x6] =	stream.indirect.gather [hbm4b:s4+s14], $0x10, s23, s14, $0xb8;
	[tilespmem:$0xB800] =	vst v63  }
0x35: {  	s25 =	simm.s32 $0x300  }
0x36: {  	[tilespmem:s26], [sflag:$0x7] =	stream.indirect.gather [hbm4b:s4+s14], $0x10, s25, s14, $0xb8;
	[tilespmem:$0xB800] =	vst v63  }
0x37: {  	s28 =	simm.s32 $0x380;
	s17 =	simm.s32 $0x0  }
0x38: {  	[tilespmem:s29], [sflag:$0x8] =	stream.indirect.gather [hbm4b:s4+s14], $0x10, s28, s14, $0xb8;
	[tilespmem:$0xB800] =	vst v63  }
.LBB2_2:
0x39: {  	_ =	swait.ge [sflag:s30], $0x800  }
0x3a: {  	s19 =	sshra.s32 s17, $0x2;
	[sflag:s30] =	ssyncset.done $0x0  }
0x3b: {  	s20 =	sadd.s32 $0x2800, s19;
	[sflag:s30] =	ssyncadd.s32 $0xFFFFF800  }
0x3c: {  	[spmem:s2] =	stream.indirect.scatter.add.f32 [tilespmem:s15], [sflag:$0x9], $0x10, s20, s14, $0xb8;
	[tilespmem:$0xB800] =	vst v63  }
0x3d: {  	_ =	swait.ge [sflag:s12], $0x800  }
0x3e: {  	p0 =	seq.s32 s17, $0x9000;
	[sflag:s12] =	ssyncset.done $0x0  }
0x3f: {  	s20 =	simm.s32 @p0 $0x2;
	[sflag:s12] =	ssyncadd.s32 $0xFFFFF800  }
0x40: {  	s23 =	sshra.s32 @p0 s17, $0x2;
	_ =	swait.ge @p0 [sflag:s20], $0x800  }
0x41: {  	s24 =	simm.s32 @p0 $0x80;
	s21 =	simm.s32 @p0 $0x5800;
	[sflag:s20] =	ssyncset.done @p0 $0x0  }
0x42: {  	s25 =	simm.s32 @p0 $0x9;
	[sflag:s20] =	ssyncadd.s32 @p0 $0xFFFFF800;
	s20 =	sadd.s32 @p0 $0x2880, s23  }
0x43: {  	[spmem:s2] =	stream.indirect.scatter.add.f32 @p0 [tilespmem:s21], [sflag:$0x9], $0x10, s20, s24, $0xb8;
	[tilespmem:$0xB800] =	vst v63  }
0x44: {  	_ =	swait.ge @p0 [sflag:s25], $0x800  }
0x45: {  	s5 =	simm.s32 @!p0 $0x5000;
	s20 =	sshra.s32 @!p0 s17, $0x2;
	[sflag:s25] =	ssyncset.done @p0 $0x0  }
0x46: {  	s21 =	simm.s32 @!p0 $0x80;
	s28 =	sadd.s32 @!p0 $0x400, s20;
	[sflag:s25] =	ssyncadd.s32 @p0 $0xFFFFF800  }
0x47: {  	[tilespmem:s5], [sflag:$0x1] =	stream.indirect.gather @!p0 [hbm4b:s4+s21], $0x10, s28, s21, $0xb8;
	[tilespmem:$0xB800] =	vst v63  }
0x48: {  	s5 =	simm.s32 @!p0 $0x2  }
0x49: {  	_ =	swait.ge @!p0 [sflag:s5], $0x800  }
0x4a: {  	s7 =	simm.s32 @!p0 $0x5800;
	[sflag:s5] =	ssyncset.done @!p0 $0x0  }
0x4b: {  	s28 =	simm.s32 @!p0 $0x9;
	[sflag:s5] =	ssyncadd.s32 @!p0 $0xFFFFF800;
	s5 =	sadd.s32 @!p0 $0x2880, s20  }
0x4c: {  	[spmem:s2] =	stream.indirect.scatter.add.f32 @!p0 [tilespmem:s7], [sflag:$0x9], $0x10, s5, s21, $0xb8;
	[tilespmem:$0xB800] =	vst v63  }
0x4d: {  	_ =	swait.ge @!p0 [sflag:s28], $0x800  }
0x4e: {  	[sflag:s28] =	ssyncset.done @!p0 $0x0  }
0x4f: {  	s5 =	sadd.s32 @!p0 $0x480, s20;
	[sflag:s28] =	ssyncadd.s32 @!p0 $0xFFFFF800  }
0x50: {  	[tilespmem:s7], [sflag:$0x2] =	stream.indirect.gather @!p0 [hbm4b:s4+s21], $0x10, s5, s21, $0xb8;
	[tilespmem:$0xB800] =	vst v63  }
0x51: {  	_ =	swait.ge [sflag:s31], $0x800  }
0x52: {  	[sflag:s31] =	ssyncset.done $0x0  }
0x53: {  	s7 =	sadd.s32 $0x2900, s19;
	[sflag:s31] =	ssyncadd.s32 $0xFFFFF800  }
0x54: {  	[spmem:s2] =	stream.indirect.scatter.add.f32 [tilespmem:s18], [sflag:$0x9], $0x10, s7, s14, $0xb8;
	[tilespmem:$0xB800] =	vst v63  }
0x55: {  	_ =	swait.ge [sflag:s12], $0x800  }
0x56: {  	[sflag:s12] =	ssyncset.done $0x0  }
0x57: {  	s5 =	simm.s32 @p0 $0x4;
	[sflag:s12] =	ssyncadd.s32 $0xFFFFF800  }
0x58: {  	_ =	swait.ge @p0 [sflag:s5], $0x800  }
0x59: {  	[sflag:s5] =	ssyncset.done @p0 $0x0  }
0x5a: {  	s7 =	simm.s32 @p0 $0x6800;
	[sflag:s5] =	ssyncadd.s32 @p0 $0xFFFFF800;
	s5 =	sadd.s32 @p0 $0x2980, s23  }
0x5b: {  	[spmem:s2] =	stream.indirect.scatter.add.f32 @p0 [tilespmem:s7], [sflag:$0x9], $0x10, s5, s24, $0xb8;
	[tilespmem:$0xB800] =	vst v63  }
0x5c: {  	_ =	swait.ge @p0 [sflag:s25], $0x800  }
0x5d: {  	[sflag:s25] =	ssyncset.done @p0 $0x0  }
0x5e: {  	s5 =	sadd.s32 @!p0 $0x500, s20;
	s7 =	simm.s32 @!p0 $0x6000;
	[sflag:s25] =	ssyncadd.s32 @p0 $0xFFFFF800  }
0x5f: {  	[tilespmem:s7], [sflag:$0x3] =	stream.indirect.gather @!p0 [hbm4b:s4+s21], $0x10, s5, s21, $0xb8;
	[tilespmem:$0xB800] =	vst v63  }
0x60: {  	s5 =	simm.s32 @!p0 $0x4  }
0x61: {  	_ =	swait.ge @!p0 [sflag:s5], $0x800  }
0x62: {  	[sflag:s5] =	ssyncset.done @!p0 $0x0  }
0x63: {  	s7 =	simm.s32 @!p0 $0x6800;
	[sflag:s5] =	ssyncadd.s32 @!p0 $0xFFFFF800;
	s5 =	sadd.s32 @!p0 $0x2980, s20  }
0x64: {  	[spmem:s2] =	stream.indirect.scatter.add.f32 @!p0 [tilespmem:s7], [sflag:$0x9], $0x10, s5, s21, $0xb8;
	[tilespmem:$0xB800] =	vst v63  }
0x65: {  	_ =	swait.ge @!p0 [sflag:s28], $0x800  }
0x66: {  	[sflag:s28] =	ssyncset.done @!p0 $0x0  }
0x67: {  	s5 =	sadd.s32 @!p0 $0x580, s20;
	[sflag:s28] =	ssyncadd.s32 @!p0 $0xFFFFF800  }
0x68: {  	[tilespmem:s7], [sflag:$0x4] =	stream.indirect.gather @!p0 [hbm4b:s4+s21], $0x10, s5, s21, $0xb8;
	[tilespmem:$0xB800] =	vst v63  }
0x69: {  	_ =	swait.ge [sflag:s0], $0x800  }
0x6a: {  	[sflag:s0] =	ssyncset.done $0x0  }
0x6b: {  	s7 =	sadd.s32 $0x2A00, s19;
	[sflag:s0] =	ssyncadd.s32 $0xFFFFF800  }
0x6c: {  	[spmem:s2] =	stream.indirect.scatter.add.f32 [tilespmem:s22], [sflag:$0x9], $0x10, s7, s14, $0xb8;
	[tilespmem:$0xB800] =	vst v63  }
0x6d: {  	_ =	swait.ge [sflag:s12], $0x800  }
0x6e: {  	[sflag:s12] =	ssyncset.done $0x0  }
0x6f: {  	s5 =	simm.s32 @p0 $0x6;
	[sflag:s12] =	ssyncadd.s32 $0xFFFFF800  }
0x70: {  	_ =	swait.ge @p0 [sflag:s5], $0x800  }
0x71: {  	[sflag:s5] =	ssyncset.done @p0 $0x0  }
0x72: {  	s7 =	simm.s32 @p0 $0x7800;
	[sflag:s5] =	ssyncadd.s32 @p0 $0xFFFFF800;
	s5 =	sadd.s32 @p0 $0x2A80, s23  }
0x73: {  	[spmem:s2] =	stream.indirect.scatter.add.f32 @p0 [tilespmem:s7], [sflag:$0x9], $0x10, s5, s24, $0xb8;
	[tilespmem:$0xB800] =	vst v63  }
0x74: {  	_ =	swait.ge @p0 [sflag:s25], $0x800  }
0x75: {  	[sflag:s25] =	ssyncset.done @p0 $0x0  }
0x76: {  	s5 =	sadd.s32 @!p0 $0x600, s20;
	s7 =	simm.s32 @!p0 $0x7000;
	[sflag:s25] =	ssyncadd.s32 @p0 $0xFFFFF800  }
0x77: {  	[tilespmem:s7], [sflag:$0x5] =	stream.indirect.gather @!p0 [hbm4b:s4+s21], $0x10, s5, s21, $0xb8;
	[tilespmem:$0xB800] =	vst v63  }
0x78: {  	s5 =	simm.s32 @!p0 $0x6  }
0x79: {  	_ =	swait.ge @!p0 [sflag:s5], $0x800  }
0x7a: {  	[sflag:s5] =	ssyncset.done @!p0 $0x0  }
0x7b: {  	s7 =	simm.s32 @!p0 $0x7800;
	[sflag:s5] =	ssyncadd.s32 @!p0 $0xFFFFF800;
	s5 =	sadd.s32 @!p0 $0x2A80, s20  }
0x7c: {  	[spmem:s2] =	stream.indirect.scatter.add.f32 @!p0 [tilespmem:s7], [sflag:$0x9], $0x10, s5, s21, $0xb8;
	[tilespmem:$0xB800] =	vst v63  }
0x7d: {  	_ =	swait.ge @!p0 [sflag:s28], $0x800  }
0x7e: {  	[sflag:s28] =	ssyncset.done @!p0 $0x0  }
0x7f: {  	s5 =	sadd.s32 @!p0 $0x680, s20;
	[sflag:s28] =	ssyncadd.s32 @!p0 $0xFFFFF800  }
0x80: {  	[tilespmem:s7], [sflag:$0x6] =	stream.indirect.gather @!p0 [hbm4b:s4+s21], $0x10, s5, s21, $0xb8;
	[tilespmem:$0xB800] =	vst v63  }
0x81: {  	_ =	swait.ge [sflag:s1], $0x800  }
0x82: {  	[sflag:s1] =	ssyncset.done $0x0  }
.Ltmp2:
0x83: {  	s28 =	sadd.s32 $0x2B00, s19;
	[sflag:s1] =	ssyncadd.s32 $0xFFFFF800;
	(pc) =	sbr.rel @p0 .LBB2_4-.Ltmp2, $4  }
0x84: {  	[spmem:s2] =	stream.indirect.scatter.add.f32 [tilespmem:s26], [sflag:$0x9], $0x10, s28, s14, $0xb8;
	[tilespmem:$0xB800] =	vst v63  }
0x85: {  	_ =	swait.ge [sflag:s12], $0x800  }
0x86: {  	[sflag:s12] =	ssyncset.done $0x0  }
0x87: {  	s20 =	sadd.s32 $0x2B80, s19;
	[sflag:s12] =	ssyncadd.s32 $0xFFFFF800  }
0x88: {  	s5 =	sadd.s32 $0x700, s19  }
0x89: {  	[tilespmem:s26], [sflag:$0x7] =	stream.indirect.gather [hbm4b:s4+s14], $0x10, s5, s14, $0xb8;
	[tilespmem:$0xB800] =	vst v63  }
0x8a: {  	_ =	swait.ge [sflag:s13], $0x800  }
0x8b: {  	[sflag:s13] =	ssyncset.done $0x0  }
0x8c: {  	[sflag:s13] =	ssyncadd.s32 $0xFFFFF800  }
0x8d: {  	[spmem:s2] =	stream.indirect.scatter.add.f32 [tilespmem:s29], [sflag:$0x9], $0x10, s20, s14, $0xb8;
	[tilespmem:$0xB800] =	vst v63  }
.Ltmp3:
0x8e: {  	_ = 	snop;
	(pc) =	sbr.rel .LBB2_2-.Ltmp3, $4  }
0x8f: {  	_ =	swait.ge [sflag:s12], $0x800  }
0x90: {  	[sflag:s12] =	ssyncset.done $0x0  }
0x91: {  	s28 =	sadd.s32 $0x780, s19;
	s17 =	sadd.s32 $0x1000, s17;
	[sflag:s12] =	ssyncadd.s32 $0xFFFFF800  }
0x92: {  	[tilespmem:s29], [sflag:$0x8] =	stream.indirect.gather [hbm4b:s4+s14], $0x10, s28, s14, $0xb8;
	[tilespmem:$0xB800] =	vst v63  }
.LBB2_5:
0x93: {  	_ =	sfence.sel $0x180000  }
0x94: {  	[bflag:$0x0] =	sbarrier.arrive $0xFFFF  }
0x95: {  	_ =	strace $0x9000004A  }
0x96: {  	s0 =	stileid.u32;
	[bflag:$0x2] =	sbarrier.arrive $0xFFFF  }
0x97: {  	p0 =	sne.s32 s0, $0x0;
	s0 =	rddreg [dreg:$0x2]  }
0x98: {  	s0 =	sadd.s32 @!p0 $0x100000, s0  }
0x99: {  	[sflag:s0] =	ssyncadd.tile.s32 @!p0 $0x1;
	_ =	shalt  }
.Lfunc_end2:
_tile_overlayer_lowered:
.L_overlay_start_2:
0x9a: {  	(tag) =	ssettag $0x2  }
0x9b: {  	s0 =	rddreg [dreg:$0x0];
	s2 =	stileid.u32  }
0x9c: {  	s1 =	rddreg [dreg:$0x1];
	p0 =	sne.s32 s2, $0x0  }
0x9d: {  	s3 =	rddreg [dreg:$0x2];
	[bflag:$0x3] =	sbarrier.arrive $0xFFFF;
	s2 =	simm.s32 @!p0 $0x1C09  }
0x9e: {  	[timem:s3], [sflag:s2] =	dma.local @!p0 [hbm:s0], s1  }
0x9f: {  	s0 =	simm.s32 @!p0 $0x9  }
0xa0: {  	_ =	swait.ge @!p0 [sflag:s0], s1  }
0xa1: {  	s1 =	ssub.s32 @!p0 $0x0, s1;
	[sflag:s0] =	ssyncset.done @!p0 $0x0  }
0xa2: {  	[sflag:s0] =	ssyncadd.s32 @!p0 s1  }
0xa3: {  	[bflag:$0x3] =	sbarrier.arrive $0xFFFF  }
0xa4: {  	_ =	shalt  }

// kernel: kernel.15.cloned.1.call-start
scs
__scs_entry_jumppad:
0x0: {  	(pc) =	sbr.rel $0x88, $3  }
0x1: {  	(tag) =	ssettag $0x0;
	lr =	simm.s32 $0x1  }
0x2: {  	[smem:$0x3F99] =	sst lr;
	_ =	strace $0xD0000000  }
0x3: {  	_ = 	snop  }
0x4: {  	_ = 	snop  }
0x5: {  	_ = 	snop  }
0x6: {  	_ = 	snop  }
0x7: {  	_ = 	snop  }
__scs_overlays_trampoline_lowered:
0x8: {  	[smem:$0x3FA8] =	sst s0  }
0x9: {  	[smem:$0x3FA9] =	sst s1  }
0xa: {  	[smem:$0x3FAA] =	sst s2  }
0xb: {  	[smem:$0x3FAB] =	sst s3  }
0xc: {  	[smem:$0x3FAC] =	sst s4  }
0xd: {  	[smem:$0x3FAD] =	sst s5  }
0xe: {  	[smem:$0x3FAE] =	sst s6  }
0xf: {  	[smem:$0x3FAF] =	sst s7  }
0x10: {  	[smem:$0x3FB0] =	sst s8  }
0x11: {  	[smem:$0x3FB1] =	sst s9;
	s0 =	simm.s32 @!p0 $0x0  }
0x12: {  	s1 =	sld [smem:$0x3F97];
	s0 =	simm.s32 @p0 $0x1  }
0x13: {  	[smem:$0x3FB2] =	sst s0;
	s0 =	simm.s32 @!p1 $0x0  }
0x14: {  	s2 =	sld [smem:$0x3F96];
	s0 =	simm.s32 @p1 $0x1  }
0x15: {  	[smem:$0x3FB3] =	sst s0;
	s0 =	simm.s32 @!p2 $0x0  }
0x16: {  	s3 =	sld [smem:$0x3FDB];
	s0 =	simm.s32 @p2 $0x1  }
0x17: {  	s4 =	simm.s32 $0x1BF5;
	[smem:$0x3FB5] =	sst s0  }
0x18: {  	s0 =	sld [smem:$0x3F98];
	_ =	swait.ge [sflag:s4], $0x0  }
0x19: {  	s7 =	sld [smem:$0x3F99]  }
0x1a: {  	s8 =	sadd.s32 $0xFFFFE003, lr  }
0x1b: {  	s9 =	sadd.s32 $0xFFFFFEF7, lr;
	s5 =	simm.s32 $0xFFFFFFFF;
	p2 =	slt.u32 s8, $0xFFFFF086  }
0x1c: {  	p1 =	slt.u32 s9, $0xF7A;
	s5 =	simm.s32 @!p2 $0x0  }
0x1d: {  	s5 =	simm.s32 @p1 $0x1;
	p0 =	seq.s32 s7, s2  }
0x1e: {  	s7 =	smul.u32 @!p0 $0xF7A, s2;
	p2 =	seq.s32 @!p0 s5, $0x0  }
0x1f: {  	s9 =	smul.u32 $0xF7A, s1;
	s8 =	simm.s32 @!p0 $0x1BF5;
	p2 =	por !p2, p0  }
0x20: {  	[sflag:s8] =	ssyncset.s32 @!p0 $0xFFFFF086;
	s6 =	sadd.s32 @!p0 s3, s7;
	s7 =	simm.s32 @!p0 $0x108  }
0x21: {  	s3 =	sadd.s32 s3, s9;
	s6 =	sadd.s32 @!p0 $0x88, s6;
	s7 =	simm.s32 @p2 $0x1082  }
0x22: {  	[simem:s7], [sflag:s8] =	dma.local @!p0 [hbm:s6], $0xF7A  }
0x23: {  	s9 =	sor.u32 $0xD0000000, s2;
	s6 =	simm.s32 $0x108;
	_ =	swait.ge @!p0 [sflag:s8], $0x0  }
0x24: {  	s3 =	sadd.s32 $0x88, s3;
	s6 =	simm.s32 @!p1 $0x1082;
	[sflag:s4] =	ssyncset.s32 $0xFFFFF086  }
0x25: {  	[simem:s6], [sflag:s4] =	dma.local [hbm:s3], $0xF7A  }
0x26: {  	[smem:$0x3F99] =	sst s1;
	(tag) =	ssettag s2;
	_ =	strace s9  }
0x27: {  	s1 =	sld [smem:$0x3FA9]  }
0x28: {  	s2 =	sld [smem:$0x3FAA]  }
0x29: {  	s4 =	sld [smem:$0x3FAC]  }
0x2a: {  	p0 =	seq.s32 s5, $0x0;
	s5 =	sld [smem:$0x3FAD]  }
0x2b: {  	s6 =	sld [smem:$0x3FAE]  }
0x2c: {  	s7 =	sld [smem:$0x3FAF]  }
0x2d: {  	s3 =	simm.s32 $0x108;
	s8 =	sld [smem:$0x3FB0]  }
0x2e: {  	s3 =	simm.s32 @!p0 $0x1082;
	s9 =	sld [smem:$0x3FB1]  }
0x2f: {  	lr =	sadd.s32 s0, s3;
	s0 =	sld [smem:$0x3FA8]  }
0x30: {  	s3 =	sld [smem:$0x3FAB]  }
0x31: {  	[smem:$0x3FB4] =	sst s10  }
0x32: {  	s10 =	sld [smem:$0x3FB2];
	_ =	sdelay $0x3  }
0x33: {  	p0 =	seq.s32 s10, $0x1;
	s10 =	sld [smem:$0x3FB4];
	_ =	sdelay $0x3  }
0x34: {  	[smem:$0x3FB4] =	sst s10  }
0x35: {  	s10 =	sld [smem:$0x3FB3];
	_ =	sdelay $0x3  }
0x36: {  	p1 =	seq.s32 s10, $0x1;
	s10 =	sld [smem:$0x3FB4];
	_ =	sdelay $0x3  }
0x37: {  	[smem:$0x3FB4] =	sst s10  }
0x38: {  	s10 =	sld [smem:$0x3FB5]  }
0x39: {  	_ = 	snop;
	(pc) =	sbr.ind lr, $3  }
0x3a: {  	_ = 	snop  }
0x3b: {  	_ = 	snop  }
0x3c: {  	p2 =	seq.s32 s10, $0x1;
	s10 =	sld [smem:$0x3FB4]  }
0x3d: {  	_ =	shalt  }
0x3e: {  	_ =	shalt  }
0x3f: {  	_ =	shalt  }
0x40: {  	_ =	shalt  }
0x41: {  	_ =	shalt  }
0x42: {  	_ =	shalt  }
0x43: {  	_ =	shalt  }
0x44: {  	_ =	shalt  }
0x45: {  	_ =	shalt  }
0x46: {  	_ =	shalt  }
0x47: {  	_ =	shalt  }
0x48: {  	_ =	shalt  }
0x49: {  	_ =	shalt  }
0x4a: {  	_ =	shalt  }
0x4b: {  	_ =	shalt  }
0x4c: {  	_ =	shalt  }
0x4d: {  	_ =	shalt  }
0x4e: {  	_ =	shalt  }
0x4f: {  	_ =	shalt  }
0x50: {  	_ =	shalt  }
0x51: {  	_ =	shalt  }
0x52: {  	_ =	shalt  }
0x53: {  	_ =	shalt  }
0x54: {  	_ =	shalt  }
0x55: {  	_ =	shalt  }
0x56: {  	_ =	shalt  }
0x57: {  	_ =	shalt  }
0x58: {  	_ =	shalt  }
0x59: {  	_ =	shalt  }
0x5a: {  	_ =	shalt  }
0x5b: {  	_ =	shalt  }
0x5c: {  	_ =	shalt  }
0x5d: {  	_ =	shalt  }
0x5e: {  	_ =	shalt  }
0x5f: {  	_ =	shalt  }
0x60: {  	_ =	shalt  }
0x61: {  	_ =	shalt  }
0x62: {  	_ =	shalt  }
0x63: {  	_ =	shalt  }
0x64: {  	_ =	shalt  }
0x65: {  	_ =	shalt  }
0x66: {  	_ =	shalt  }
0x67: {  	_ =	shalt  }
0x68: {  	_ =	shalt  }
0x69: {  	_ =	shalt  }
0x6a: {  	_ =	shalt  }
0x6b: {  	_ =	shalt  }
0x6c: {  	_ =	shalt  }
0x6d: {  	_ =	shalt  }
0x6e: {  	_ =	shalt  }
0x6f: {  	_ =	shalt  }
0x70: {  	_ =	shalt  }
0x71: {  	_ =	shalt  }
0x72: {  	_ =	shalt  }
0x73: {  	_ =	shalt  }
0x74: {  	_ =	shalt  }
0x75: {  	_ =	shalt  }
0x76: {  	_ =	shalt  }
0x77: {  	_ =	shalt  }
0x78: {  	_ =	shalt  }
0x79: {  	_ =	shalt  }
0x7a: {  	_ =	shalt  }
0x7b: {  	_ =	shalt  }
0x7c: {  	_ =	shalt  }
0x7d: {  	_ =	shalt  }
0x7e: {  	_ =	shalt  }
0x7f: {  	_ =	shalt  }
0x80: {  	_ =	shalt  }
0x81: {  	_ =	shalt  }
0x82: {  	_ =	shalt  }
0x83: {  	_ =	shalt  }
0x84: {  	_ =	shalt  }
0x85: {  	_ =	shalt  }
0x86: {  	_ =	shalt  }
0x87: {  	_ =	shalt  }
.Lfunc_end0:
.L_simem_size_0:
called_computation.2_lowered:
.L_overlay_start_0:
0x88: {  	s2 =	sld [smem:$0x3FD9]  }
0x89: {  	s3 =	sld [smem:$0x3FFE];
	_ =	sdelay $0x1  }
0x8a: {  	s1 =	srdreg.scid  }
0x8b: {  	s0 =	sand.u32 $0x1, s1  }
0x8c: {  	s17 =	sshll.u32 s0, $0xA;
	s2 =	sadd.s32 s3, s2  }
0x8d: {  	s2 =	sadd.s32 s2, s17  }
0x8e: {  	[smem:$0x3FC0] =	sst s2  }
0x8f: {  	_ = 	snop  }
0x90: {  	s2 =	sld [smem:$0x3FD0];
	(tm) =	ssettm $0x1  }
0x91: {  	s18 =	sld [smem:$0x3FFB];
	_ =	sdelay $0x3  }
0x92: {  	_ =	strace s18  }
0x93: {  	s3 =	sld [smem:$0x3FFC];
	_ =	sdelay $0x3  }
0x94: {  	_ =	strace s3  }
0x95: {  	s3 =	sld [smem:$0x3FFD];
	_ =	sdelay $0x3  }
0x96: {  	_ =	strace s3  }
0x97: {  	_ =	strace $0x8FFFFFFF  }
0x98: {  	s19 =	sld [smem:$0x3FDB];
	_ =	sdelay $0x1  }
0x99: {  	s4 =	simm.s32 $_scs_section_size  }
0x9a: {  	s5 =	simm.s32 $_size__tile_overlayer_lowered;
	s6 =	simm.s32 $_tile_overlayer_lowered  }
0x9b: {  	s22 =	simm.s32 $0x1BFF;
	s21 =	sshll.u32 s6, $0x1;
	s3 =	sadd.s32 s4, s19  }
0x9c: {  	s7 =	simm.s32 $0x0;
	s20 =	sshll.u32 s5, $0x1;
	s5 =	sadd.s32 s21, s3  }
0x9d: {  	[timem:s7], [sflag:s22] =	dma.local [hbm:s5], s20  }
0x9e: {  	_ =	swait.ge [sflag:s22], s20  }
0x9f: {  	s4 =	ssub.s32 $0x0, s20;
	[sflag:s22] =	ssyncset.done $0x0  }
0xa0: {  	[sflag:s22] =	ssyncadd.s32 s4;
	_ =	sdelay $0x1  }
0xa1: {  	s23 =	simm.s32 $0x1B8B  }
0xa2: {  	_ =	swait.ge [sflag:s23], $0x1  }
0xa3: {  	[sflag:s23] =	ssyncset.done $0x0  }
0xa4: {  	s25 =	simm.s32 $0x1B8E;
	s24 =	sld [smem:$0x3FFE];
	[sflag:s23] =	ssyncadd.s32 $0xFFFFFFFF  }
0xa5: {  	s26 =	simm.s32 $execute0_lowered;
	[smem:$0x3FD2] =	sst s25  }
0xa6: {  	s5 =	sshll.u32 s26, $0x1;
	_ =	strace $0x8000004C;
	[dreg:$0x1] =	wrdreg $0xFFFFFFFF  }
0xa7: {  	s28 =	simm.s32 $_size_execute0_lowered;
	s3 =	sadd.s32 s3, s5;
	[dreg:$0x0] =	wrdreg $0x0  }
0xa8: {  	s5 =	sshll.u32 s28, $0x1;
	[dreg:$0x2] =	wrdreg s3  }
0xa9: {  	[dreg:$0x3] =	wrdreg s5  }
0xaa: {  	[dreg:$0x4] =	wrdreg $0xC0  }
0xab: {  	_ =	task [dreg:s7], $0x5FFFF  }
0xac: {  	[dreg:$0x1] =	wrdreg $0xFFFFFFFF  }
0xad: {  	[dreg:$0x0] =	wrdreg $0x60  }
0xae: {  	[dreg:$0x2] =	wrdreg s24  }
0xaf: {  	[dreg:$0x3] =	wrdreg s2  }
0xb0: {  	[dreg:$0x4] =	wrdreg $0x70000  }
0xb1: {  	[dreg:$0x5] =	wrdreg $0x9  }
0xb2: {  	_ =	task.clear_ibuf [dreg:s7], $0x6FFFF;
	_ =	strace $0x9000004C  }
0xb3: {  	s29 =	simm.s32 $0x9;
	_ =	strace $0x8000004E  }
0xb4: {  	_ =	swait.ge [sflag:s29], $0x1  }
0xb5: {  	[sflag:s29] =	ssyncadd.s32 $0xFFFFFFFF  }
0xb6: {  	_ =	strace $0x9000004E  }
0xb7: {  	_ =	sfence  }
0xb8: {  	s30 =	sld [smem:$0x0];
	_ =	sdelay $0x2  }
0xb9: {  	s31 =	sshll.u32 s1, $0xD;
	s1 =	sshrl.u32 s1, $0x2  }
0xba: {  	s3 =	sand.u32 $0x4000, s31;
	s1 =	sadd.s32 s1, s30  }
0xbb: {  	s0 =	sor.u32 s3, s0;
	s1 =	sshll.u32 s1, $0x11  }
0xbc: {  	s0 =	sor.u32 s1, s0  }
0xbd: {  	s0 =	sadd.s32 $0x8F2B, s0  }
0xbe: {  	[sflag:s0] =	ssyncadd.remote.s32 $0x1  }
0xbf: {  	_ =	sfence.sel $0xFFFF  }
0xc0: {  	[dreg:$0x0] =	wrdreg $0xFFFFFFFF;
	(pc) =	sbr.abs _section_cstart, $3  }
0xc1: {  	[dreg:$0x1] =	wrdreg $0xFFFFFFFF  }
0xc2: {  	_ =	task.clear_ibuf [dreg:s7], $0x2FFFF;
	_ =	strace $0x9FFFFFFF  }
0xc3: {  	(tm) =	ssettm $0x7FFFFFFF  }
tec
execute0_lowered:
.L_overlay_start_1:
0x0: {  	(tag) =	ssettag $0x1  }
0x1: {  	s0 =	rddreg [dreg:$0x0]  }
0x2: {  	s1 =	srdreg.scid;
	s9 =	stileid.u32  }
0x3: {  	s3 =	rddreg [dreg:$0x2];
	s4 =	simm.s32 $0x0;
	s12 =	simm.s32 $0x9  }
0x4: {  	s14 =	simm.s32 $0x80;
	s15 =	simm.s32 $0x5000;
	s18 =	simm.s32 $0x5800  }
0x5: {  	s22 =	simm.s32 $0x6000;
	s29 =	simm.s32 $0x6C00;
	s30 =	simm.s32 $0x1  }
0x6: {  	s31 =	simm.s32 $0x3;
	s13 =	simm.s32 $0x0;
	s6 =	smul.u32 $0x2800, s9  }
0x7: {  	s1 =	sand.u32 $0x1, s1;
	s7 =	smul.u32 $0x1400, s9;
	[smem:$0x7FF] =	sst s4  }
0x8: {  	s5 =	sadd.s32 $0xBA00, s0;
	s26 =	sshll.u32 s9, $0x6;
	s2 =	smul.u32 $0x28000, s1  }
0x9: {  	s8 =	smul.u32 $0x14000, s1;
	_ =	strace $0x8000004D;
	s1 =	ssub.s32 $0x2, s1  }
0xa: {  	s25 =	sshrl.u32 s1, $0x1;
	s11 =	sadd.s32 s7, s3;
	s2 =	sadd.s32 s6, s2  }
0xb: {  	s24 =	sadd.s32 s7, s8;
	s1 =	ssub.s32 s1, s25;
	s11 =	sshrl.u32 s11, $0x3  }
.Ltmp0:
0xc: {  	s2 =	sshrl.u32 s2, $0x3;
	s6 =	sshrl.u32 s24, $0x3;
	(pc) =	sbr.rel .LBB2_1-.Ltmp0, $4  }
0xd: {  	s10 =	smax.u32 s1, $0x1;
	s1 =	simm.s32 $0x5;
	s2 =	sadd.s32 s2, s0  }
0xe: {  	s0 =	sadd.s32 s6, s0;
	s6 =	sor.u32 $0x1C09, s26;
	s26 =	simm.s32 $0x6800  }
0xf: {  	s28 =	sadd.s32 $0x10A00, s2;
	s8 =	sadd.s32 $0x1A00, s2;
	s9 =	sadd.s32 $0x1AA00, s0  }
0x10: {  	s0 =	simm.s32 $0x7;
	s2 =	simm.s32 $0x8;
	[dreg:$0x4] =	wrdreg s28  }
.LBB2_4:
0x11: {  	_ =	swait.ge [sflag:s2], $0x400  }
0x12: {  	[sflag:s2] =	ssyncset.done $0x0  }
0x13: {  	[sflag:s2] =	ssyncadd.s32 $0xFFFFFC00  }
0x14: {  	[spmem:s3] =	stream.indirect.scatter.add.f32 [tilespmem:s29], [sflag:$0x9], $0x8, s19, s14, $0xb8;
	[tilespmem:$0x8400] =	vst v63  }
0x15: {  	_ =	swait.ge [sflag:s12], $0x400  }
0x16: {  	s13 =	sadd.s32 $0x1, s13;
	[sflag:s12] =	ssyncset.done $0x0  }
0x17: {  	p0 =	sne.s32 s13, s10;
	[sflag:s12] =	ssyncadd.s32 $0xFFFFFC00  }
.Ltmp1:
0x18: {  	[bflag:$0x0] =	sbarrier.arrive $0xFFFF;
	(pc) =	sbr.rel @!p0 .LBB2_5-.Ltmp1, $4  }
0x19: {  	[hbm:s9], [sflag:s6] =	dma.local [spmem:s11], $0x280  }
0x1a: {  	_ =	swait.ge [sflag:s12], $0x280  }
0x1b: {  	[sflag:s12] =	ssyncset.done $0x0  }
0x1c: {  	[sflag:s12] =	ssyncadd.s32 $0xFFFFFD80  }
.LBB2_1:
0x1d: {  	s7 =	rddreg [dreg:$0x1]  }
0x1e: {  	[spmem:s11], [sflag:s6] =	dma.local [hbm:s7], $0x280  }
0x1f: {  	_ =	swait.ge [sflag:s12], $0x280  }
0x20: {  	[sflag:s12] =	ssyncset.done $0x0  }
0x21: {  	s28 =	rddreg [dreg:$0x4];
	[sflag:s12] =	ssyncadd.s32 $0xFFFFFD80  }
0x22: {  	[tilespmem:s4], [sflag:$0x9] =	stream.linear.gather [hbm4b:s28+s4], $0x2800, $0x38;
	[tilespmem:$0x8400] =	vst v63  }
0x23: {  	_ =	swait.ge [sflag:s12], $0x2800  }
0x24: {  	[sflag:s12] =	ssyncset.done $0x0  }
0x25: {  	s16 =	simm.s32 $0x2800;
	[sflag:s12] =	ssyncadd.s32 $0xFFFFD800  }
0x26: {  	[tilespmem:s16], [sflag:$0x9] =	stream.linear.gather [hbm4b:s8+s4], $0x2800, $0x38;
	[tilespmem:$0x8400] =	vst v63  }
0x27: {  	_ =	swait.ge [sflag:s12], $0x2800  }
0x28: {  	[sflag:s12] =	ssyncset.done $0x0  }
0x29: {  	[sflag:s12] =	ssyncadd.s32 $0xFFFFD800  }
0x2a: {  	[bflag:$0x0] =	sbarrier.arrive $0xFFFF  }
0x2b: {  	[tilespmem:s15], [sflag:$0x1] =	stream.indirect.gather [hbm4b:s5+s14], $0x8, s4, s14, $0xb8;
	[tilespmem:$0x8400] =	vst v63  }
0x2c: {  	s17 =	simm.s32 $0x5400  }
0x2d: {  	[tilespmem:s17], [sflag:$0x2] =	stream.indirect.gather [hbm4b:s5+s14], $0x8, s14, s14, $0xb8;
	[tilespmem:$0x8400] =	vst v63  }
0x2e: {  	s19 =	simm.s32 $0x100  }
0x2f: {  	[tilespmem:s18], [sflag:$0x3] =	stream.indirect.gather [hbm4b:s5+s14], $0x8, s19, s14, $0xb8;
	[tilespmem:$0x8400] =	vst v63  }
0x30: {  	s20 =	simm.s32 $0x180;
	s16 =	simm.s32 $0x5C00  }
0x31: {  	[tilespmem:s16], [sflag:$0x4] =	stream.indirect.gather [hbm4b:s5+s14], $0x8, s20, s14, $0xb8;
	[tilespmem:$0x8400] =	vst v63  }
0x32: {  	s21 =	simm.s32 $0x200  }
0x33: {  	[tilespmem:s22], [sflag:$0x5] =	stream.indirect.gather [hbm4b:s5+s14], $0x8, s21, s14, $0xb8;
	[tilespmem:$0x8400] =	vst v63  }
0x34: {  	s23 =	simm.s32 $0x280;
	s24 =	simm.s32 $0x6400  }
0x35: {  	[tilespmem:s24], [sflag:$0x6] =	stream.indirect.gather [hbm4b:s5+s14], $0x8, s23, s14, $0xb8;
	[tilespmem:$0x8400] =	vst v63  }
0x36: {  	s25 =	simm.s32 $0x300  }
0x37: {  	[tilespmem:s26], [sflag:$0x7] =	stream.indirect.gather [hbm4b:s5+s14], $0x8, s25, s14, $0xb8;
	[tilespmem:$0x8400] =	vst v63  }
0x38: {  	s28 =	simm.s32 $0x380;
	s16 =	simm.s32 $0x0  }
0x39: {  	[tilespmem:s29], [sflag:$0x8] =	stream.indirect.gather [hbm4b:s5+s14], $0x8, s28, s14, $0xb8;
	[tilespmem:$0x8400] =	vst v63  }
.LBB2_2:
0x3a: {  	_ =	swait.ge [sflag:s30], $0x400  }
0x3b: {  	s17 =	sshra.s32 s16, $0x2;
	[sflag:s30] =	ssyncset.done $0x0  }
0x3c: {  	s19 =	sadd.s32 $0x2800, s17;
	[sflag:s30] =	ssyncadd.s32 $0xFFFFFC00  }
0x3d: {  	[spmem:s3] =	stream.indirect.scatter.add.f32 [tilespmem:s15], [sflag:$0x9], $0x8, s19, s14, $0xb8;
	[tilespmem:$0x8400] =	vst v63  }
0x3e: {  	_ =	swait.ge [sflag:s12], $0x400  }
0x3f: {  	p0 =	seq.s32 s16, $0x9000;
	[sflag:s12] =	ssyncset.done $0x0  }
0x40: {  	s19 =	simm.s32 @p0 $0x2;
	[sflag:s12] =	ssyncadd.s32 $0xFFFFFC00  }
0x41: {  	s21 =	sshra.s32 @p0 s16, $0x2;
	_ =	swait.ge @p0 [sflag:s19], $0x400  }
0x42: {  	s23 =	simm.s32 @p0 $0x80;
	s20 =	simm.s32 @p0 $0x5400;
	[sflag:s19] =	ssyncset.done @p0 $0x0  }
0x43: {  	s24 =	simm.s32 @p0 $0x9;
	[sflag:s19] =	ssyncadd.s32 @p0 $0xFFFFFC00;
	s19 =	sadd.s32 @p0 $0x2880, s21  }
0x44: {  	[spmem:s3] =	stream.indirect.scatter.add.f32 @p0 [tilespmem:s20], [sflag:$0x9], $0x8, s19, s23, $0xb8;
	[tilespmem:$0x8400] =	vst v63  }
0x45: {  	_ =	swait.ge @p0 [sflag:s24], $0x400  }
0x46: {  	s28 =	simm.s32 @!p0 $0x5000;
	s19 =	sshra.s32 @!p0 s16, $0x2;
	[sflag:s24] =	ssyncset.done @p0 $0x0  }
0x47: {  	s20 =	simm.s32 @!p0 $0x80;
	s25 =	sadd.s32 @!p0 $0x400, s19;
	[sflag:s24] =	ssyncadd.s32 @p0 $0xFFFFFC00  }
0x48: {  	[tilespmem:s28], [sflag:$0x1] =	stream.indirect.gather @!p0 [hbm4b:s5+s20], $0x8, s25, s20, $0xb8;
	[tilespmem:$0x8400] =	vst v63  }
0x49: {  	s25 =	simm.s32 @!p0 $0x2  }
0x4a: {  	_ =	swait.ge @!p0 [sflag:s25], $0x400  }
0x4b: {  	[sflag:s25] =	ssyncset.done @!p0 $0x0  }
0x4c: {  	s28 =	simm.s32 @!p0 $0x5400;
	[sflag:s25] =	ssyncadd.s32 @!p0 $0xFFFFFC00;
	s25 =	sadd.s32 @!p0 $0x2880, s19  }
0x4d: {  	[spmem:s3] =	stream.indirect.scatter.add.f32 @!p0 [tilespmem:s28], [sflag:$0x9], $0x8, s25, s20, $0xb8;
	[tilespmem:$0x8400] =	vst v63  }
0x4e: {  	s25 =	simm.s32 @!p0 $0x9  }
0x4f: {  	_ =	swait.ge @!p0 [sflag:s25], $0x400  }
0x50: {  	[sflag:s25] =	ssyncset.done @!p0 $0x0  }
0x51: {  	s7 =	sadd.s32 @!p0 $0x480, s19;
	[sflag:s25] =	ssyncadd.s32 @!p0 $0xFFFFFC00  }
0x52: {  	[tilespmem:s28], [sflag:$0x2] =	stream.indirect.gather @!p0 [hbm4b:s5+s20], $0x8, s7, s20, $0xb8;
	[tilespmem:$0x8400] =	vst v63  }
0x53: {  	_ =	swait.ge [sflag:s31], $0x400  }
0x54: {  	[sflag:s31] =	ssyncset.done $0x0  }
0x55: {  	s28 =	sadd.s32 $0x2900, s17;
	[sflag:s31] =	ssyncadd.s32 $0xFFFFFC00  }
0x56: {  	[spmem:s3] =	stream.indirect.scatter.add.f32 [tilespmem:s18], [sflag:$0x9], $0x8, s28, s14, $0xb8;
	[tilespmem:$0x8400] =	vst v63  }
0x57: {  	_ =	swait.ge [sflag:s12], $0x400  }
0x58: {  	[sflag:s12] =	ssyncset.done $0x0  }
0x59: {  	s7 =	simm.s32 @p0 $0x4;
	[sflag:s12] =	ssyncadd.s32 $0xFFFFFC00  }
0x5a: {  	_ =	swait.ge @p0 [sflag:s7], $0x400  }
0x5b: {  	[sflag:s7] =	ssyncset.done @p0 $0x0  }
0x5c: {  	s28 =	simm.s32 @p0 $0x5C00;
	[sflag:s7] =	ssyncadd.s32 @p0 $0xFFFFFC00;
	s7 =	sadd.s32 @p0 $0x2980, s21  }
0x5d: {  	[spmem:s3] =	stream.indirect.scatter.add.f32 @p0 [tilespmem:s28], [sflag:$0x9], $0x8, s7, s23, $0xb8;
	[tilespmem:$0x8400] =	vst v63  }
0x5e: {  	_ =	swait.ge @p0 [sflag:s24], $0x400  }
0x5f: {  	[sflag:s24] =	ssyncset.done @p0 $0x0  }
0x60: {  	s7 =	sadd.s32 @!p0 $0x500, s19;
	s28 =	simm.s32 @!p0 $0x5800;
	[sflag:s24] =	ssyncadd.s32 @p0 $0xFFFFFC00  }
0x61: {  	[tilespmem:s28], [sflag:$0x3] =	stream.indirect.gather @!p0 [hbm4b:s5+s20], $0x8, s7, s20, $0xb8;
	[tilespmem:$0x8400] =	vst v63  }
0x62: {  	s7 =	simm.s32 @!p0 $0x4  }
0x63: {  	_ =	swait.ge @!p0 [sflag:s7], $0x400  }
0x64: {  	[sflag:s7] =	ssyncset.done @!p0 $0x0  }
0x65: {  	s28 =	simm.s32 @!p0 $0x5C00;
	[sflag:s7] =	ssyncadd.s32 @!p0 $0xFFFFFC00;
	s7 =	sadd.s32 @!p0 $0x2980, s19  }
0x66: {  	[spmem:s3] =	stream.indirect.scatter.add.f32 @!p0 [tilespmem:s28], [sflag:$0x9], $0x8, s7, s20, $0xb8;
	[tilespmem:$0x8400] =	vst v63  }
0x67: {  	_ =	swait.ge @!p0 [sflag:s25], $0x400  }
0x68: {  	[sflag:s25] =	ssyncset.done @!p0 $0x0  }
0x69: {  	s7 =	sadd.s32 @!p0 $0x580, s19;
	[sflag:s25] =	ssyncadd.s32 @!p0 $0xFFFFFC00  }
0x6a: {  	[tilespmem:s28], [sflag:$0x4] =	stream.indirect.gather @!p0 [hbm4b:s5+s20], $0x8, s7, s20, $0xb8;
	[tilespmem:$0x8400] =	vst v63  }
0x6b: {  	_ =	swait.ge [sflag:s1], $0x400  }
0x6c: {  	[sflag:s1] =	ssyncset.done $0x0  }
0x6d: {  	s28 =	sadd.s32 $0x2A00, s17;
	[sflag:s1] =	ssyncadd.s32 $0xFFFFFC00  }
0x6e: {  	[spmem:s3] =	stream.indirect.scatter.add.f32 [tilespmem:s22], [sflag:$0x9], $0x8, s28, s14, $0xb8;
	[tilespmem:$0x8400] =	vst v63  }
0x6f: {  	_ =	swait.ge [sflag:s12], $0x400  }
0x70: {  	[sflag:s12] =	ssyncset.done $0x0  }
0x71: {  	s7 =	simm.s32 @p0 $0x6;
	[sflag:s12] =	ssyncadd.s32 $0xFFFFFC00  }
0x72: {  	_ =	swait.ge @p0 [sflag:s7], $0x400  }
0x73: {  	[sflag:s7] =	ssyncset.done @p0 $0x0  }
0x74: {  	[sflag:s7] =	ssyncadd.s32 @p0 $0xFFFFFC00;
	s7 =	sadd.s32 @p0 $0x2A80, s21;
	s21 =	simm.s32 @p0 $0x6400  }
0x75: {  	[spmem:s3] =	stream.indirect.scatter.add.f32 @p0 [tilespmem:s21], [sflag:$0x9], $0x8, s7, s23, $0xb8;
	[tilespmem:$0x8400] =	vst v63  }
0x76: {  	_ =	swait.ge @p0 [sflag:s24], $0x400  }
0x77: {  	[sflag:s24] =	ssyncset.done @p0 $0x0  }
0x78: {  	s7 =	sadd.s32 @!p0 $0x600, s19;
	s21 =	simm.s32 @!p0 $0x6000;
	[sflag:s24] =	ssyncadd.s32 @p0 $0xFFFFFC00  }
0x79: {  	[tilespmem:s21], [sflag:$0x5] =	stream.indirect.gather @!p0 [hbm4b:s5+s20], $0x8, s7, s20, $0xb8;
	[tilespmem:$0x8400] =	vst v63  }
0x7a: {  	s7 =	simm.s32 @!p0 $0x6  }
0x7b: {  	_ =	swait.ge @!p0 [sflag:s7], $0x400  }
0x7c: {  	[sflag:s7] =	ssyncset.done @!p0 $0x0  }
0x7d: {  	s21 =	simm.s32 @!p0 $0x6400;
	[sflag:s7] =	ssyncadd.s32 @!p0 $0xFFFFFC00;
	s7 =	sadd.s32 @!p0 $0x2A80, s19  }
0x7e: {  	[spmem:s3] =	stream.indirect.scatter.add.f32 @!p0 [tilespmem:s21], [sflag:$0x9], $0x8, s7, s20, $0xb8;
	[tilespmem:$0x8400] =	vst v63  }
0x7f: {  	_ =	swait.ge @!p0 [sflag:s25], $0x400  }
0x80: {  	[sflag:s25] =	ssyncset.done @!p0 $0x0  }
0x81: {  	s7 =	sadd.s32 @!p0 $0x680, s19;
	[sflag:s25] =	ssyncadd.s32 @!p0 $0xFFFFFC00  }
0x82: {  	[tilespmem:s21], [sflag:$0x6] =	stream.indirect.gather @!p0 [hbm4b:s5+s20], $0x8, s7, s20, $0xb8;
	[tilespmem:$0x8400] =	vst v63  }
0x83: {  	_ =	swait.ge [sflag:s0], $0x400  }
0x84: {  	[sflag:s0] =	ssyncset.done $0x0  }
.Ltmp2:
0x85: {  	s28 =	sadd.s32 $0x2B00, s17;
	[sflag:s0] =	ssyncadd.s32 $0xFFFFFC00;
	(pc) =	sbr.rel @p0 .LBB2_4-.Ltmp2, $4  }
0x86: {  	[spmem:s3] =	stream.indirect.scatter.add.f32 [tilespmem:s26], [sflag:$0x9], $0x8, s28, s14, $0xb8;
	[tilespmem:$0x8400] =	vst v63  }
0x87: {  	_ =	swait.ge [sflag:s12], $0x400  }
0x88: {  	[sflag:s12] =	ssyncset.done $0x0  }
0x89: {  	s19 =	sadd.s32 $0x2B80, s17;
	[sflag:s12] =	ssyncadd.s32 $0xFFFFFC00  }
0x8a: {  	s7 =	sadd.s32 $0x700, s17  }
0x8b: {  	[tilespmem:s26], [sflag:$0x7] =	stream.indirect.gather [hbm4b:s5+s14], $0x8, s7, s14, $0xb8;
	[tilespmem:$0x8400] =	vst v63  }
0x8c: {  	_ =	swait.ge [sflag:s2], $0x400  }
0x8d: {  	[sflag:s2] =	ssyncset.done $0x0  }
0x8e: {  	[sflag:s2] =	ssyncadd.s32 $0xFFFFFC00  }
0x8f: {  	[spmem:s3] =	stream.indirect.scatter.add.f32 [tilespmem:s29], [sflag:$0x9], $0x8, s19, s14, $0xb8;
	[tilespmem:$0x8400] =	vst v63  }
.Ltmp3:
0x90: {  	_ = 	snop;
	(pc) =	sbr.rel .LBB2_2-.Ltmp3, $4  }
0x91: {  	_ =	swait.ge [sflag:s12], $0x400  }
0x92: {  	[sflag:s12] =	ssyncset.done $0x0  }
0x93: {  	s28 =	sadd.s32 $0x780, s17;
	s16 =	sadd.s32 $0x1000, s16;
	[sflag:s12] =	ssyncadd.s32 $0xFFFFFC00  }
0x94: {  	[tilespmem:s29], [sflag:$0x8] =	stream.indirect.gather [hbm4b:s5+s14], $0x8, s28, s14, $0xb8;
	[tilespmem:$0x8400] =	vst v63  }
.LBB2_5:
0x95: {  	_ =	sfence.sel $0x180000  }
0x96: {  	[bflag:$0x0] =	sbarrier.arrive $0xFFFF  }
0x97: {  	_ =	strace $0x9000004D  }
0x98: {  	s0 =	stileid.u32;
	[bflag:$0x2] =	sbarrier.arrive $0xFFFF  }
0x99: {  	p0 =	sne.s32 s0, $0x0;
	s0 =	rddreg [dreg:$0x3]  }
0x9a: {  	s0 =	sadd.s32 @!p0 $0x100000, s0  }
0x9b: {  	[sflag:s0] =	ssyncadd.tile.s32 @!p0 $0x1;
	_ =	shalt  }
.Lfunc_end2:
_tile_overlayer_lowered:
.L_overlay_start_2:
0x9c: {  	(tag) =	ssettag $0x2  }
0x9d: {  	s0 =	rddreg [dreg:$0x0];
	s2 =	stileid.u32  }
0x9e: {  	s1 =	rddreg [dreg:$0x1];
	p0 =	sne.s32 s2, $0x0  }
0x9f: {  	s3 =	rddreg [dreg:$0x2];
	[bflag:$0x3] =	sbarrier.arrive $0xFFFF;
	s2 =	simm.s32 @!p0 $0x1C09  }
0xa0: {  	[timem:s3], [sflag:s2] =	dma.local @!p0 [hbm:s0], s1  }
0xa1: {  	s0 =	simm.s32 @!p0 $0x9  }
0xa2: {  	_ =	swait.ge @!p0 [sflag:s0], s1  }
0xa3: {  	s1 =	ssub.s32 @!p0 $0x0, s1;
	[sflag:s0] =	ssyncset.done @!p0 $0x0  }
0xa4: {  	[sflag:s0] =	ssyncadd.s32 @!p0 s1  }
0xa5: {  	[bflag:$0x3] =	sbarrier.arrive $0xFFFF  }
0xa6: {  	_ =	shalt  }

// kernel: kernel.9.cloned.1.call-start
scs
__scs_entry_jumppad:
0x0: {  	(pc) =	sbr.rel $0x88, $3  }
0x1: {  	(tag) =	ssettag $0x0;
	lr =	simm.s32 $0x1  }
0x2: {  	[smem:$0x3F99] =	sst lr;
	_ =	strace $0xD0000000  }
0x3: {  	_ = 	snop  }
0x4: {  	_ = 	snop  }
0x5: {  	_ = 	snop  }
0x6: {  	_ = 	snop  }
0x7: {  	_ = 	snop  }
__scs_overlays_trampoline_lowered:
0x8: {  	[smem:$0x3FA8] =	sst s0  }
0x9: {  	[smem:$0x3FA9] =	sst s1  }
0xa: {  	[smem:$0x3FAA] =	sst s2  }
0xb: {  	[smem:$0x3FAB] =	sst s3  }
0xc: {  	[smem:$0x3FAC] =	sst s4  }
0xd: {  	[smem:$0x3FAD] =	sst s5  }
0xe: {  	[smem:$0x3FAE] =	sst s6  }
0xf: {  	[smem:$0x3FAF] =	sst s7  }
0x10: {  	[smem:$0x3FB0] =	sst s8  }
0x11: {  	[smem:$0x3FB1] =	sst s9;
	s0 =	simm.s32 @!p0 $0x0  }
0x12: {  	s1 =	sld [smem:$0x3F97];
	s0 =	simm.s32 @p0 $0x1  }
0x13: {  	[smem:$0x3FB2] =	sst s0;
	s0 =	simm.s32 @!p1 $0x0  }
0x14: {  	s2 =	sld [smem:$0x3F96];
	s0 =	simm.s32 @p1 $0x1  }
0x15: {  	[smem:$0x3FB3] =	sst s0;
	s0 =	simm.s32 @!p2 $0x0  }
0x16: {  	s3 =	sld [smem:$0x3FDB];
	s0 =	simm.s32 @p2 $0x1  }
0x17: {  	s4 =	simm.s32 $0x1BF5;
	[smem:$0x3FB5] =	sst s0  }
0x18: {  	s0 =	sld [smem:$0x3F98];
	_ =	swait.ge [sflag:s4], $0x0  }
0x19: {  	s7 =	sld [smem:$0x3F99]  }
0x1a: {  	s8 =	sadd.s32 $0xFFFFE003, lr  }
0x1b: {  	s9 =	sadd.s32 $0xFFFFFEF7, lr;
	s5 =	simm.s32 $0xFFFFFFFF;
	p2 =	slt.u32 s8, $0xFFFFF086  }
0x1c: {  	p1 =	slt.u32 s9, $0xF7A;
	s5 =	simm.s32 @!p2 $0x0  }
0x1d: {  	s5 =	simm.s32 @p1 $0x1;
	p0 =	seq.s32 s7, s2  }
0x1e: {  	s7 =	smul.u32 @!p0 $0xF7A, s2;
	p2 =	seq.s32 @!p0 s5, $0x0  }
0x1f: {  	s9 =	smul.u32 $0xF7A, s1;
	s8 =	simm.s32 @!p0 $0x1BF5;
	p2 =	por !p2, p0  }
0x20: {  	[sflag:s8] =	ssyncset.s32 @!p0 $0xFFFFF086;
	s6 =	sadd.s32 @!p0 s3, s7;
	s7 =	simm.s32 @!p0 $0x108  }
0x21: {  	s3 =	sadd.s32 s3, s9;
	s6 =	sadd.s32 @!p0 $0x88, s6;
	s7 =	simm.s32 @p2 $0x1082  }
0x22: {  	[simem:s7], [sflag:s8] =	dma.local @!p0 [hbm:s6], $0xF7A  }
0x23: {  	s9 =	sor.u32 $0xD0000000, s2;
	s6 =	simm.s32 $0x108;
	_ =	swait.ge @!p0 [sflag:s8], $0x0  }
0x24: {  	s3 =	sadd.s32 $0x88, s3;
	s6 =	simm.s32 @!p1 $0x1082;
	[sflag:s4] =	ssyncset.s32 $0xFFFFF086  }
0x25: {  	[simem:s6], [sflag:s4] =	dma.local [hbm:s3], $0xF7A  }
0x26: {  	[smem:$0x3F99] =	sst s1;
	(tag) =	ssettag s2;
	_ =	strace s9  }
0x27: {  	s1 =	sld [smem:$0x3FA9]  }
0x28: {  	s2 =	sld [smem:$0x3FAA]  }
0x29: {  	s4 =	sld [smem:$0x3FAC]  }
0x2a: {  	p0 =	seq.s32 s5, $0x0;
	s5 =	sld [smem:$0x3FAD]  }
0x2b: {  	s6 =	sld [smem:$0x3FAE]  }
0x2c: {  	s7 =	sld [smem:$0x3FAF]  }
0x2d: {  	s3 =	simm.s32 $0x108;
	s8 =	sld [smem:$0x3FB0]  }
0x2e: {  	s3 =	simm.s32 @!p0 $0x1082;
	s9 =	sld [smem:$0x3FB1]  }
0x2f: {  	lr =	sadd.s32 s0, s3;
	s0 =	sld [smem:$0x3FA8]  }
0x30: {  	s3 =	sld [smem:$0x3FAB]  }
0x31: {  	[smem:$0x3FB4] =	sst s10  }
0x32: {  	s10 =	sld [smem:$0x3FB2];
	_ =	sdelay $0x3  }
0x33: {  	p0 =	seq.s32 s10, $0x1;
	s10 =	sld [smem:$0x3FB4];
	_ =	sdelay $0x3  }
0x34: {  	[smem:$0x3FB4] =	sst s10  }
0x35: {  	s10 =	sld [smem:$0x3FB3];
	_ =	sdelay $0x3  }
0x36: {  	p1 =	seq.s32 s10, $0x1;
	s10 =	sld [smem:$0x3FB4];
	_ =	sdelay $0x3  }
0x37: {  	[smem:$0x3FB4] =	sst s10  }
0x38: {  	s10 =	sld [smem:$0x3FB5]  }
0x39: {  	_ = 	snop;
	(pc) =	sbr.ind lr, $3  }
0x3a: {  	_ = 	snop  }
0x3b: {  	_ = 	snop  }
0x3c: {  	p2 =	seq.s32 s10, $0x1;
	s10 =	sld [smem:$0x3FB4]  }
0x3d: {  	_ =	shalt  }
0x3e: {  	_ =	shalt  }
0x3f: {  	_ =	shalt  }
0x40: {  	_ =	shalt  }
0x41: {  	_ =	shalt  }
0x42: {  	_ =	shalt  }
0x43: {  	_ =	shalt  }
0x44: {  	_ =	shalt  }
0x45: {  	_ =	shalt  }
0x46: {  	_ =	shalt  }
0x47: {  	_ =	shalt  }
0x48: {  	_ =	shalt  }
0x49: {  	_ =	shalt  }
0x4a: {  	_ =	shalt  }
0x4b: {  	_ =	shalt  }
0x4c: {  	_ =	shalt  }
0x4d: {  	_ =	shalt  }
0x4e: {  	_ =	shalt  }
0x4f: {  	_ =	shalt  }
0x50: {  	_ =	shalt  }
0x51: {  	_ =	shalt  }
0x52: {  	_ =	shalt  }
0x53: {  	_ =	shalt  }
0x54: {  	_ =	shalt  }
0x55: {  	_ =	shalt  }
0x56: {  	_ =	shalt  }
0x57: {  	_ =	shalt  }
0x58: {  	_ =	shalt  }
0x59: {  	_ =	shalt  }
0x5a: {  	_ =	shalt  }
0x5b: {  	_ =	shalt  }
0x5c: {  	_ =	shalt  }
0x5d: {  	_ =	shalt  }
0x5e: {  	_ =	shalt  }
0x5f: {  	_ =	shalt  }
0x60: {  	_ =	shalt  }
0x61: {  	_ =	shalt  }
0x62: {  	_ =	shalt  }
0x63: {  	_ =	shalt  }
0x64: {  	_ =	shalt  }
0x65: {  	_ =	shalt  }
0x66: {  	_ =	shalt  }
0x67: {  	_ =	shalt  }
0x68: {  	_ =	shalt  }
0x69: {  	_ =	shalt  }
0x6a: {  	_ =	shalt  }
0x6b: {  	_ =	shalt  }
0x6c: {  	_ =	shalt  }
0x6d: {  	_ =	shalt  }
0x6e: {  	_ =	shalt  }
0x6f: {  	_ =	shalt  }
0x70: {  	_ =	shalt  }
0x71: {  	_ =	shalt  }
0x72: {  	_ =	shalt  }
0x73: {  	_ =	shalt  }
0x74: {  	_ =	shalt  }
0x75: {  	_ =	shalt  }
0x76: {  	_ =	shalt  }
0x77: {  	_ =	shalt  }
0x78: {  	_ =	shalt  }
0x79: {  	_ =	shalt  }
0x7a: {  	_ =	shalt  }
0x7b: {  	_ =	shalt  }
0x7c: {  	_ =	shalt  }
0x7d: {  	_ =	shalt  }
0x7e: {  	_ =	shalt  }
0x7f: {  	_ =	shalt  }
0x80: {  	_ =	shalt  }
0x81: {  	_ =	shalt  }
0x82: {  	_ =	shalt  }
0x83: {  	_ =	shalt  }
0x84: {  	_ =	shalt  }
0x85: {  	_ =	shalt  }
0x86: {  	_ =	shalt  }
0x87: {  	_ =	shalt  }
.Lfunc_end0:
.L_simem_size_0:
called_computation_lowered:
.L_overlay_start_0:
0x88: {  	s2 =	sld [smem:$0x3FD9]  }
0x89: {  	s3 =	sld [smem:$0x3FFE];
	_ =	sdelay $0x1  }
0x8a: {  	s1 =	srdreg.scid  }
0x8b: {  	s0 =	sand.u32 $0x1, s1  }
0x8c: {  	s17 =	sshll.u32 s0, $0xA;
	s2 =	sadd.s32 s3, s2  }
0x8d: {  	s2 =	sadd.s32 s2, s17  }
0x8e: {  	[smem:$0x3FC0] =	sst s2  }
0x8f: {  	_ = 	snop  }
0x90: {  	s2 =	sld [smem:$0x3FD0];
	(tm) =	ssettm $0x1  }
0x91: {  	s18 =	sld [smem:$0x3FFB];
	_ =	sdelay $0x3  }
0x92: {  	_ =	strace s18  }
0x93: {  	s3 =	sld [smem:$0x3FFC];
	_ =	sdelay $0x3  }
0x94: {  	_ =	strace s3  }
0x95: {  	s3 =	sld [smem:$0x3FFD];
	_ =	sdelay $0x3  }
0x96: {  	_ =	strace s3  }
0x97: {  	_ =	strace $0x8FFFFFFF  }
0x98: {  	s19 =	sld [smem:$0x3FDB];
	_ =	sdelay $0x1  }
0x99: {  	s4 =	simm.s32 $_scs_section_size  }
0x9a: {  	s5 =	simm.s32 $_size__tile_overlayer_lowered;
	s6 =	simm.s32 $_tile_overlayer_lowered  }
0x9b: {  	s22 =	simm.s32 $0x1BFF;
	s21 =	sshll.u32 s6, $0x1;
	s3 =	sadd.s32 s4, s19  }
0x9c: {  	s7 =	simm.s32 $0x0;
	s20 =	sshll.u32 s5, $0x1;
	s5 =	sadd.s32 s21, s3  }
0x9d: {  	[timem:s7], [sflag:s22] =	dma.local [hbm:s5], s20  }
0x9e: {  	_ =	swait.ge [sflag:s22], s20  }
0x9f: {  	s4 =	ssub.s32 $0x0, s20;
	[sflag:s22] =	ssyncset.done $0x0  }
0xa0: {  	[sflag:s22] =	ssyncadd.s32 s4;
	_ =	sdelay $0x1  }
0xa1: {  	s23 =	simm.s32 $0x1B8B  }
0xa2: {  	_ =	swait.ge [sflag:s23], $0x1  }
0xa3: {  	[sflag:s23] =	ssyncset.done $0x0  }
0xa4: {  	s25 =	simm.s32 $0x1B8E;
	s24 =	sld [smem:$0x3FFE];
	[sflag:s23] =	ssyncadd.s32 $0xFFFFFFFF  }
0xa5: {  	s26 =	simm.s32 $execute0_lowered;
	[smem:$0x3FD2] =	sst s25  }
0xa6: {  	s5 =	sshll.u32 s26, $0x1;
	_ =	strace $0x80000046;
	[dreg:$0x1] =	wrdreg $0xFFFFFFFF  }
0xa7: {  	s28 =	simm.s32 $_size_execute0_lowered;
	s3 =	sadd.s32 s3, s5;
	[dreg:$0x0] =	wrdreg $0x0  }
0xa8: {  	s5 =	sshll.u32 s28, $0x1;
	[dreg:$0x2] =	wrdreg s3  }
0xa9: {  	[dreg:$0x3] =	wrdreg s5  }
0xaa: {  	[dreg:$0x4] =	wrdreg $0xC0  }
0xab: {  	_ =	task [dreg:s7], $0x5FFFF  }
0xac: {  	[dreg:$0x1] =	wrdreg $0xFFFFFFFF  }
0xad: {  	[dreg:$0x0] =	wrdreg $0x60  }
0xae: {  	[dreg:$0x2] =	wrdreg s24  }
0xaf: {  	[dreg:$0x3] =	wrdreg s2  }
0xb0: {  	[dreg:$0x4] =	wrdreg $0x2C000  }
0xb1: {  	[dreg:$0x5] =	wrdreg $0x9  }
0xb2: {  	_ =	task.clear_ibuf [dreg:s7], $0x6FFFF;
	_ =	strace $0x90000046  }
0xb3: {  	s29 =	simm.s32 $0x9;
	_ =	strace $0x80000048  }
0xb4: {  	_ =	swait.ge [sflag:s29], $0x1  }
0xb5: {  	[sflag:s29] =	ssyncadd.s32 $0xFFFFFFFF  }
0xb6: {  	_ =	strace $0x90000048  }
0xb7: {  	_ =	sfence  }
0xb8: {  	s30 =	sld [smem:$0x0];
	_ =	sdelay $0x2  }
0xb9: {  	s31 =	sshll.u32 s1, $0xD;
	s1 =	sshrl.u32 s1, $0x2  }
0xba: {  	s3 =	sand.u32 $0x4000, s31;
	s1 =	sadd.s32 s1, s30  }
0xbb: {  	s0 =	sor.u32 s3, s0;
	s1 =	sshll.u32 s1, $0x11  }
0xbc: {  	s0 =	sor.u32 s1, s0  }
0xbd: {  	s0 =	sadd.s32 $0x8F2B, s0  }
0xbe: {  	[sflag:s0] =	ssyncadd.remote.s32 $0x1  }
0xbf: {  	_ =	sfence.sel $0xFFFF  }
0xc0: {  	[dreg:$0x0] =	wrdreg $0xFFFFFFFF;
	(pc) =	sbr.abs _section_cstart, $3  }
0xc1: {  	[dreg:$0x1] =	wrdreg $0xFFFFFFFF  }
0xc2: {  	_ =	task.clear_ibuf [dreg:s7], $0x2FFFF;
	_ =	strace $0x9FFFFFFF  }
0xc3: {  	(tm) =	ssettm $0x7FFFFFFF  }
tec
execute0_lowered:
.L_overlay_start_1:
0x0: {  	(tag) =	ssettag $0x1  }
0x1: {  	s6 =	rddreg [dreg:$0x0]  }
0x2: {  	s0 =	srdreg.scid;
	s2 =	rddreg [dreg:$0x1]  }
0x3: {  	s3 =	rddreg [dreg:$0x2];
	s7 =	sand.u32 $0x1, s0  }
0x4: {  	s0 =	stileid.u32;
	s5 =	smul.u32 $0x28000, s7  }
0x5: {  	s1 =	rddreg [dreg:$0x3];
	s8 =	smul.u32 $0x2800, s0  }
0x6: {  	s4 =	simm.s32 $0x0;
	s14 =	simm.s32 $0x1;
	s9 =	smul.u32 $0x1400, s0  }
0x7: {  	s15 =	simm.s32 $0x0;
	[smem:$0x7FF] =	sst s4;
	s10 =	smul.u32 $0x14000, s7  }
0x8: {  	_ =	strace $0x80000047;
	s7 =	ssub.s32 $0x2, s7;
	s11 =	sshll.u32 s0, $0x6  }
0x9: {  	s31 =	sshrl.u32 s7, $0x1;
	s8 =	sadd.s32 s8, s5;
	s5 =	sadd.s32 $0x1800, s6  }
0xa: {  	s10 =	sadd.s32 s9, s10;
	s12 =	ssub.s32 s7, s31;
	s13 =	sadd.s32 s9, s3  }
0xb: {  	s8 =	sshrl.u32 s8, $0x3;
	s10 =	sshrl.u32 s10, $0x3;
	s9 =	smax.u32 s12, $0x1  }
0xc: {  	s12 =	simm.s32 $0x2800;
	s8 =	sadd.s32 s8, s6;
	s10 =	sadd.s32 s10, s6  }
0xd: {  	s6 =	sor.u32 $0x1C02, s11;
	s11 =	simm.s32 $0x2;
	s7 =	sadd.s32 $0x1A00, s8  }
0xe: {  	s8 =	sadd.s32 $0xBA00, s10;
	s10 =	sshrl.u32 s13, $0x3;
	s13 =	simm.s32 $0x80  }
.LBB2_1:
0xf: {  	[spmem:s10], [sflag:s6] =	dma.local [hbm:s2], $0x280  }
0x10: {  	_ =	swait.ge [sflag:s11], $0x280  }
0x11: {  	[sflag:s11] =	ssyncset.done $0x0  }
0x12: {  	[sflag:s11] =	ssyncadd.s32 $0xFFFFFD80  }
0x13: {  	[tilespmem:s12], [sflag:$0x2] =	stream.linear.gather [hbm4b:s5+s4], $0x400, $0x38;
	[tilespmem:$0x2E80] =	vst v63  }
0x14: {  	_ =	swait.ge [sflag:s11], $0x400  }
0x15: {  	[sflag:s11] =	ssyncset.done $0x0  }
0x16: {  	[sflag:s11] =	ssyncadd.s32 $0xFFFFFC00  }
0x17: {  	[tilespmem:s4], [sflag:$0x2] =	stream.linear.gather [hbm4b:s7+s4], $0x2800, $0x38;
	[tilespmem:$0x2E80] =	vst v63  }
0x18: {  	_ =	swait.ge [sflag:s11], $0x2800  }
0x19: {  	[sflag:s11] =	ssyncset.done $0x0  }
0x1a: {  	[sflag:s11] =	ssyncadd.s32 $0xFFFFD800  }
0x1b: {  	s16 =	simm.s32 $0x0;
	[bflag:$0x0] =	sbarrier.arrive $0xFFFF  }
0x1c: {  	[spmem:s3] =	stream.indirect.scatter.add.f32 [tilespmem:s12], [sflag:$0x1], $0x1, s16, s13, $0xb8;
	[tilespmem:$0x2E80] =	vst v63  }
0x1d: {  	s24 =	simm.s32 $0x80  }
0x1e: {  	[spmem:s3] =	stream.indirect.scatter.add.f32 [tilespmem:s12], [sflag:$0x1], $0x1, s24, s13, $0xb8;
	[tilespmem:$0x2E80] =	vst v63  }
0x1f: {  	s25 =	simm.s32 $0x100  }
0x20: {  	[spmem:s3] =	stream.indirect.scatter.add.f32 [tilespmem:s12], [sflag:$0x1], $0x1, s25, s13, $0xb8;
	[tilespmem:$0x2E80] =	vst v63  }
0x21: {  	s26 =	simm.s32 $0x180  }
0x22: {  	[spmem:s3] =	stream.indirect.scatter.add.f32 [tilespmem:s12], [sflag:$0x1], $0x1, s26, s13, $0xb8;
	[tilespmem:$0x2E80] =	vst v63  }
0x23: {  	s28 =	simm.s32 $0x200  }
0x24: {  	[spmem:s3] =	stream.indirect.scatter.add.f32 [tilespmem:s12], [sflag:$0x1], $0x1, s28, s13, $0xb8;
	[tilespmem:$0x2E80] =	vst v63  }
0x25: {  	s29 =	simm.s32 $0x280  }
0x26: {  	[spmem:s3] =	stream.indirect.scatter.add.f32 [tilespmem:s12], [sflag:$0x1], $0x1, s29, s13, $0xb8;
	[tilespmem:$0x2E80] =	vst v63  }
0x27: {  	s30 =	simm.s32 $0x300  }
0x28: {  	[spmem:s3] =	stream.indirect.scatter.add.f32 [tilespmem:s12], [sflag:$0x1], $0x1, s30, s13, $0xb8;
	[tilespmem:$0x2E80] =	vst v63  }
0x29: {  	s31 =	simm.s32 $0x380  }
0x2a: {  	[spmem:s3] =	stream.indirect.scatter.add.f32 [tilespmem:s12], [sflag:$0x1], $0x1, s31, s13, $0xb8;
	[tilespmem:$0x2E80] =	vst v63  }
0x2b: {  	_ =	swait.ge [sflag:s14], $0x80  }
0x2c: {  	[sflag:s14] =	ssyncset.done $0x0  }
0x2d: {  	[sflag:s14] =	ssyncadd.s32 $0xFFFFFF80  }
0x2e: {  	_ =	swait.ge [sflag:s14], $0x80  }
0x2f: {  	[sflag:s14] =	ssyncset.done $0x0  }
0x30: {  	[sflag:s14] =	ssyncadd.s32 $0xFFFFFF80  }
0x31: {  	_ =	swait.ge [sflag:s14], $0x80  }
0x32: {  	[sflag:s14] =	ssyncset.done $0x0  }
0x33: {  	[sflag:s14] =	ssyncadd.s32 $0xFFFFFF80  }
0x34: {  	_ =	swait.ge [sflag:s14], $0x80  }
0x35: {  	[sflag:s14] =	ssyncset.done $0x0  }
0x36: {  	[sflag:s14] =	ssyncadd.s32 $0xFFFFFF80  }
0x37: {  	_ =	swait.ge [sflag:s14], $0x80  }
0x38: {  	[sflag:s14] =	ssyncset.done $0x0  }
0x39: {  	[sflag:s14] =	ssyncadd.s32 $0xFFFFFF80  }
0x3a: {  	_ =	swait.ge [sflag:s14], $0x80  }
0x3b: {  	[sflag:s14] =	ssyncset.done $0x0  }
0x3c: {  	[sflag:s14] =	ssyncadd.s32 $0xFFFFFF80  }
0x3d: {  	_ =	swait.ge [sflag:s14], $0x80  }
0x3e: {  	[sflag:s14] =	ssyncset.done $0x0  }
0x3f: {  	[sflag:s14] =	ssyncadd.s32 $0xFFFFFF80  }
0x40: {  	_ =	swait.ge [sflag:s14], $0x80  }
0x41: {  	s18 =	simm.s32 $0x2000;
	s16 =	simm.s32 $0x1000;
	[sflag:s14] =	ssyncset.done $0x0  }
.LBB2_2:
0x42: {  	s19 =	sshra.s32 s16, $0x2  }
0x43: {  	[sflag:s14] =	ssyncadd.s32 $0xFFFFFF80;
	s16 =	smov.u32 s18;
	s17 =	sadd.s32 $0x1000, s18  }
0x44: {  	[spmem:s3] =	stream.indirect.scatter.add.f32 [tilespmem:s12], [sflag:$0x1], $0x1, s19, s13, $0xb8;
	[tilespmem:$0x2E80] =	vst v63  }
0x45: {  	p0 =	sne.s32 s18, $0x9000;
	s18 =	sadd.s32 $0x80, s19  }
0x46: {  	[spmem:s3] =	stream.indirect.scatter.add.f32 [tilespmem:s12], [sflag:$0x1], $0x1, s18, s13, $0xb8;
	[tilespmem:$0x2E80] =	vst v63  }
0x47: {  	s18 =	sadd.s32 $0x100, s19  }
0x48: {  	[spmem:s3] =	stream.indirect.scatter.add.f32 [tilespmem:s12], [sflag:$0x1], $0x1, s18, s13, $0xb8;
	[tilespmem:$0x2E80] =	vst v63  }
0x49: {  	s18 =	sadd.s32 $0x180, s19  }
0x4a: {  	[spmem:s3] =	stream.indirect.scatter.add.f32 [tilespmem:s12], [sflag:$0x1], $0x1, s18, s13, $0xb8;
	[tilespmem:$0x2E80] =	vst v63  }
0x4b: {  	s18 =	sadd.s32 $0x200, s19  }
0x4c: {  	[spmem:s3] =	stream.indirect.scatter.add.f32 [tilespmem:s12], [sflag:$0x1], $0x1, s18, s13, $0xb8;
	[tilespmem:$0x2E80] =	vst v63  }
0x4d: {  	s18 =	sadd.s32 $0x280, s19  }
0x4e: {  	[spmem:s3] =	stream.indirect.scatter.add.f32 [tilespmem:s12], [sflag:$0x1], $0x1, s18, s13, $0xb8;
	[tilespmem:$0x2E80] =	vst v63  }
0x4f: {  	s18 =	sadd.s32 $0x300, s19  }
0x50: {  	[spmem:s3] =	stream.indirect.scatter.add.f32 [tilespmem:s12], [sflag:$0x1], $0x1, s18, s13, $0xb8;
	[tilespmem:$0x2E80] =	vst v63  }
0x51: {  	s18 =	sadd.s32 $0x380, s19  }
0x52: {  	[spmem:s3] =	stream.indirect.scatter.add.f32 [tilespmem:s12], [sflag:$0x1], $0x1, s18, s13, $0xb8;
	[tilespmem:$0x2E80] =	vst v63  }
0x53: {  	_ =	swait.ge [sflag:s14], $0x80  }
0x54: {  	[sflag:s14] =	ssyncset.done $0x0  }
0x55: {  	[sflag:s14] =	ssyncadd.s32 $0xFFFFFF80  }
0x56: {  	_ =	swait.ge [sflag:s14], $0x80  }
0x57: {  	[sflag:s14] =	ssyncset.done $0x0  }
0x58: {  	[sflag:s14] =	ssyncadd.s32 $0xFFFFFF80  }
0x59: {  	_ =	swait.ge [sflag:s14], $0x80  }
0x5a: {  	[sflag:s14] =	ssyncset.done $0x0  }
0x5b: {  	[sflag:s14] =	ssyncadd.s32 $0xFFFFFF80  }
0x5c: {  	_ =	swait.ge [sflag:s14], $0x80  }
0x5d: {  	[sflag:s14] =	ssyncset.done $0x0  }
0x5e: {  	[sflag:s14] =	ssyncadd.s32 $0xFFFFFF80  }
0x5f: {  	_ =	swait.ge [sflag:s14], $0x80  }
0x60: {  	[sflag:s14] =	ssyncset.done $0x0  }
0x61: {  	[sflag:s14] =	ssyncadd.s32 $0xFFFFFF80  }
0x62: {  	_ =	swait.ge [sflag:s14], $0x80  }
0x63: {  	[sflag:s14] =	ssyncset.done $0x0  }
0x64: {  	[sflag:s14] =	ssyncadd.s32 $0xFFFFFF80  }
.Ltmp0:
0x65: {  	_ =	swait.ge [sflag:s14], $0x80;
	(pc) =	sbr.rel @p0 .LBB2_2-.Ltmp0, $4  }
0x66: {  	[sflag:s14] =	ssyncset.done $0x0  }
0x67: {  	[sflag:s14] =	ssyncadd.s32 $0xFFFFFF80  }
0x68: {  	_ =	swait.ge [sflag:s14], $0x80  }
0x69: {  	s18 =	smov.u32 s17;
	[sflag:s14] =	ssyncset.done $0x0  }
0x6a: {  	s16 =	sshra.s32 s16, $0x2;
	[sflag:s14] =	ssyncadd.s32 $0xFFFFFF80  }
0x6b: {  	[spmem:s3] =	stream.indirect.scatter.add.f32 [tilespmem:s12], [sflag:$0x1], $0x1, s16, s13, $0xb8;
	[tilespmem:$0x2E80] =	vst v63  }
0x6c: {  	s17 =	sadd.s32 $0x80, s16  }
0x6d: {  	[spmem:s3] =	stream.indirect.scatter.add.f32 [tilespmem:s12], [sflag:$0x1], $0x1, s17, s13, $0xb8;
	[tilespmem:$0x2E80] =	vst v63  }
0x6e: {  	s26 =	sadd.s32 $0x100, s16  }
0x6f: {  	[spmem:s3] =	stream.indirect.scatter.add.f32 [tilespmem:s12], [sflag:$0x1], $0x1, s26, s13, $0xb8;
	[tilespmem:$0x2E80] =	vst v63  }
0x70: {  	s28 =	sadd.s32 $0x180, s16  }
0x71: {  	[spmem:s3] =	stream.indirect.scatter.add.f32 [tilespmem:s12], [sflag:$0x1], $0x1, s28, s13, $0xb8;
	[tilespmem:$0x2E80] =	vst v63  }
0x72: {  	s29 =	sadd.s32 $0x200, s16  }
0x73: {  	[spmem:s3] =	stream.indirect.scatter.add.f32 [tilespmem:s12], [sflag:$0x1], $0x1, s29, s13, $0xb8;
	[tilespmem:$0x2E80] =	vst v63  }
0x74: {  	s30 =	sadd.s32 $0x280, s16  }
0x75: {  	[spmem:s3] =	stream.indirect.scatter.add.f32 [tilespmem:s12], [sflag:$0x1], $0x1, s30, s13, $0xb8;
	[tilespmem:$0x2E80] =	vst v63  }
0x76: {  	s31 =	sadd.s32 $0x300, s16  }
0x77: {  	[spmem:s3] =	stream.indirect.scatter.add.f32 [tilespmem:s12], [sflag:$0x1], $0x1, s31, s13, $0xb8;
	[tilespmem:$0x2E80] =	vst v63  }
0x78: {  	s16 =	sadd.s32 $0x380, s16  }
0x79: {  	[spmem:s3] =	stream.indirect.scatter.add.f32 [tilespmem:s12], [sflag:$0x1], $0x1, s16, s13, $0xb8;
	[tilespmem:$0x2E80] =	vst v63  }
0x7a: {  	_ =	swait.ge [sflag:s14], $0x80  }
0x7b: {  	[sflag:s14] =	ssyncset.done $0x0  }
0x7c: {  	[sflag:s14] =	ssyncadd.s32 $0xFFFFFF80  }
0x7d: {  	_ =	swait.ge [sflag:s14], $0x80  }
0x7e: {  	[sflag:s14] =	ssyncset.done $0x0  }
0x7f: {  	[sflag:s14] =	ssyncadd.s32 $0xFFFFFF80  }
0x80: {  	_ =	swait.ge [sflag:s14], $0x80  }
0x81: {  	[sflag:s14] =	ssyncset.done $0x0  }
0x82: {  	[sflag:s14] =	ssyncadd.s32 $0xFFFFFF80  }
0x83: {  	_ =	swait.ge [sflag:s14], $0x80  }
0x84: {  	[sflag:s14] =	ssyncset.done $0x0  }
0x85: {  	[sflag:s14] =	ssyncadd.s32 $0xFFFFFF80  }
0x86: {  	_ =	swait.ge [sflag:s14], $0x80  }
0x87: {  	[sflag:s14] =	ssyncset.done $0x0  }
0x88: {  	[sflag:s14] =	ssyncadd.s32 $0xFFFFFF80  }
0x89: {  	_ =	swait.ge [sflag:s14], $0x80  }
0x8a: {  	[sflag:s14] =	ssyncset.done $0x0  }
0x8b: {  	[sflag:s14] =	ssyncadd.s32 $0xFFFFFF80  }
0x8c: {  	_ =	swait.ge [sflag:s14], $0x80  }
0x8d: {  	[sflag:s14] =	ssyncset.done $0x0  }
0x8e: {  	[sflag:s14] =	ssyncadd.s32 $0xFFFFFF80  }
0x8f: {  	_ =	swait.ge [sflag:s14], $0x80  }
0x90: {  	s15 =	sadd.s32 $0x1, s15;
	[sflag:s14] =	ssyncset.done $0x0  }
0x91: {  	p0 =	sne.s32 s15, s9;
	[sflag:s14] =	ssyncadd.s32 $0xFFFFFF80  }
.Ltmp1:
0x92: {  	[bflag:$0x0] =	sbarrier.arrive $0xFFFF;
	(pc) =	sbr.rel @p0 .LBB2_1-.Ltmp1, $4  }
0x93: {  	[hbm:s8], [sflag:s6] =	dma.local [spmem:s10], $0x280  }
0x94: {  	_ =	swait.ge [sflag:s11], $0x280  }
0x95: {  	[sflag:s11] =	ssyncset.done $0x0  }
0x96: {  	[sflag:s11] =	ssyncadd.s32 $0xFFFFFD80  }
0x97: {  	_ =	sfence.sel $0x180000  }
0x98: {  	[bflag:$0x0] =	sbarrier.arrive $0xFFFF  }
0x99: {  	p0 =	sne.s32 s0, $0x0;
	_ =	strace $0x90000047  }
0x9a: {  	s0 =	sadd.s32 @!p0 $0x100000, s1;
	[bflag:$0x2] =	sbarrier.arrive $0xFFFF  }
0x9b: {  	[sflag:s0] =	ssyncadd.tile.s32 @!p0 $0x1;
	_ =	shalt  }
.Lfunc_end2:
_tile_overlayer_lowered:
.L_overlay_start_2:
0x9c: {  	(tag) =	ssettag $0x2  }
0x9d: {  	s0 =	rddreg [dreg:$0x0];
	s2 =	stileid.u32  }
0x9e: {  	s1 =	rddreg [dreg:$0x1];
	p0 =	sne.s32 s2, $0x0  }
0x9f: {  	s3 =	rddreg [dreg:$0x2];
	[bflag:$0x3] =	sbarrier.arrive $0xFFFF;
	s2 =	simm.s32 @!p0 $0x1C02  }
0xa0: {  	[timem:s3], [sflag:s2] =	dma.local @!p0 [hbm:s0], s1  }
0xa1: {  	s0 =	simm.s32 @!p0 $0x2  }
0xa2: {  	_ =	swait.ge @!p0 [sflag:s0], s1  }
0xa3: {  	s1 =	ssub.s32 @!p0 $0x0, s1;
	[sflag:s0] =	ssyncset.done @!p0 $0x0  }
0xa4: {  	[sflag:s0] =	ssyncadd.s32 @!p0 s1  }
0xa5: {  	[bflag:$0x3] =	sbarrier.arrive $0xFFFF  }
0xa6: {  	_ =	shalt  }

</sc_bundles>
